<compile_context>
chip_gen: v7x
topology: tpu7x:2x2x1
jax: 0.10.2.dev20260603
libtpu: 0.0.44.dev20260713+nightly
codegen_flags: <defaults>
</compile_context>

<pallas_src>
import functools

import jax
import jax.numpy as jnp
import numpy as np
from jax import lax
from jax.experimental import pallas as pl
from jax.experimental.pallas import tpu as pltpu
from jax.experimental.pallas import tpu_sc as plsc

N = 10000
E = 320000
NFEAT = 128
NHID = 128
NCLASS = 40
DC = 48
NGROUPS = 32

NC = 2
NS = 16
NW = NC * NS
EPT = E // NW
CH = 80
NBUF = 3
NCHUNK = -(-EPT // CH)
EPTP = NCHUNK * CH
ACC_ROWS = N + 16

RB = 1000
GRID = N // RB

_HI = jax.lax.Precision.HIGHEST


def _sc_aggregate(support, src3, tgt3, d):
    mesh = plsc.VectorSubcoreMesh(
        core_axis_name="c", subcore_axis_name="s", num_cores=NC, num_subcores=NS
    )
    rpt = 624
    tail = N - NS * rpt

    @functools.partial(
        pl.kernel,
        out_type=[
            jax.ShapeDtypeStruct((N, d), jnp.float32),
            jax.ShapeDtypeStruct((N, d), jnp.float32),
        ],
        mesh=mesh,
        scratch_types=[
            pltpu.VMEM((NCHUNK, CH), jnp.int32),
            pltpu.VMEM((NCHUNK, CH), jnp.int32),
            *([pltpu.VMEM((CH, d), jnp.float32)] * NBUF),
            pltpu.VMEM_SHARED((ACC_ROWS, d), jnp.float32),
            *([pltpu.SemaphoreType.DMA] * NBUF),
        ],
        compiler_params=pltpu.CompilerParams(use_tc_tiling_on_sc=False),
    )
    def agg_kernel(sup_hbm, src_hbm, tgt_hbm, out0, out1,
                   src_v, tgt_v, *ring):
        rows = ring[:NBUF]
        acc_sh = ring[NBUF]
        sems = ring[NBUF + 1:]
        c = lax.axis_index("c")
        s = lax.axis_index("s")
        wid = c * NS + s

        zvec = jnp.zeros((16,), jnp.float32)

        @pl.loop(0, CH)
        def _(r):
            for k in range(d // 16):
                rows[0][r, pl.ds(16 * k, 16)] = zvec

        nfull, rem = rpt // CH, rpt % CH
        for q in range(nfull):
            pltpu.sync_copy(rows[0],
                            acc_sh.at[pl.ds(s * rpt + q * CH, CH)])
        if rem:
            pltpu.sync_copy(rows[0].at[pl.ds(0, rem)],
                            acc_sh.at[pl.ds(s * rpt + nfull * CH, rem)])

        @pl.when(s == NS - 1)
        def _():
            pltpu.sync_copy(rows[0].at[pl.ds(0, tail)],
                            acc_sh.at[pl.ds(NS * rpt, tail)])
        pltpu.sync_copy(src_hbm.at[wid], src_v)
        pltpu.sync_copy(tgt_hbm.at[wid], tgt_v)
        plsc.subcore_barrier()

        def drain(sem):
            pltpu.make_async_copy(sup_hbm.at[src_v.at[0]], rows[0], sem).wait()

        for j in range(NBUF):
            pltpu.async_copy(sup_hbm.at[src_v.at[j]], rows[j], sems[j])

        @pl.loop(0, NCHUNK // NBUF)
        def _(i):
            for j in range(NBUF):
                ci = NBUF * i + j
                drain(sems[j])
                pltpu.sync_copy(rows[j], acc_sh.at[tgt_v.at[ci]], add=True)

                @pl.when(ci + NBUF < NCHUNK)
                def _():
                    pltpu.async_copy(sup_hbm.at[src_v.at[ci + NBUF]],
                                     rows[j], sems[j])

        for j in range(NCHUNK % NBUF):
            ci = (NCHUNK // NBUF) * NBUF + j
            drain(sems[j])
            pltpu.sync_copy(rows[j], acc_sh.at[tgt_v.at[ci]], add=True)

        plsc.subcore_barrier()

        @pl.when(c == 0)
        def _():
            pltpu.sync_copy(acc_sh.at[pl.ds(s * rpt, rpt)],
                            out0.at[pl.ds(s * rpt, rpt)])

            @pl.when(s == NS - 1)
            def _():
                pltpu.sync_copy(acc_sh.at[pl.ds(NS * rpt, tail)],
                                out0.at[pl.ds(NS * rpt, tail)])

        @pl.when(c == 1)
        def _():
            pltpu.sync_copy(acc_sh.at[pl.ds(s * rpt, rpt)],
                            out1.at[pl.ds(s * rpt, rpt)])

            @pl.when(s == NS - 1)
            def _():
                pltpu.sync_copy(acc_sh.at[pl.ds(NS * rpt, tail)],
                                out1.at[pl.ds(NS * rpt, tail)])

    return agg_kernel(support, src3, tgt3)


def _row_spec(w):
    return pl.BlockSpec((RB, w), lambda i: (i, 0))


def _full_spec(r, w):
    return pl.BlockSpec((r, w), lambda i: (0, 0))


def _mm_support1(x, w1):
    def body(x_ref, w_ref, o_ref):
        o_ref[...] = jnp.dot(x_ref[...], w_ref[...],
                             preferred_element_type=jnp.float32, precision=_HI)

    return pl.pallas_call(
        body,
        grid=(GRID,),
        in_specs=[_row_spec(NFEAT), _full_spec(NFEAT, NHID)],
        out_specs=_row_spec(NHID),
        out_shape=jax.ShapeDtypeStruct((N, NHID), jnp.float32),
    )(x, w1)


def _layer1_to_support2(p0, p1, mtgt, b1, w2):
    def body(p0_ref, p1_ref, m_ref, b_ref, w_ref, o_ref):
        h = m_ref[...] * (p0_ref[...] + p1_ref[...]) + b_ref[...]
        h = jnp.maximum(h, 0.0)
        o_ref[...] = jnp.dot(h, w_ref[...],
                             preferred_element_type=jnp.float32, precision=_HI)

    return pl.pallas_call(
        body,
        grid=(GRID,),
        in_specs=[_row_spec(NHID), _row_spec(NHID), _row_spec(1),
                  _full_spec(1, NHID), _full_spec(NHID, NHID)],
        out_specs=_row_spec(NHID),
        out_shape=jax.ShapeDtypeStruct((N, NHID), jnp.float32),
    )(p0, p1, mtgt, b1, w2)


def _layer2_to_support3(p0, p1, mtgt, b2, gmat, gamma, beta, w3p):
    def body(p0_ref, p1_ref, m_ref, b_ref, g_ref, ga_ref, be_ref, w_ref, o_ref):
        h = m_ref[...] * (p0_ref[...] + p1_ref[...]) + b_ref[...]
        h = jnp.maximum(h, 0.0)
        gsz = NHID // NGROUPS
        mean = jnp.dot(h, g_ref[...],
                       preferred_element_type=jnp.float32,
                       precision=_HI) * (1.0 / gsz)
        dev = h - mean
        var = jnp.dot(dev * dev, g_ref[...],
                      preferred_element_type=jnp.float32,
                      precision=_HI) * (1.0 / gsz)
        hn = dev * lax.rsqrt(var + 1e-5)
        h2 = hn * ga_ref[...] + be_ref[...]
        o_ref[...] = jnp.dot(h2, w_ref[...],
                             preferred_element_type=jnp.float32, precision=_HI)

    return pl.pallas_call(
        body,
        grid=(GRID,),
        in_specs=[_row_spec(NHID), _row_spec(NHID), _row_spec(1),
                  _full_spec(1, NHID), _full_spec(NHID, NHID),
                  _full_spec(1, NHID), _full_spec(1, NHID),
                  _full_spec(NHID, DC)],
        out_specs=_row_spec(DC),
        out_shape=jax.ShapeDtypeStruct((N, DC), jnp.float32),
    )(p0, p1, mtgt, b2, gmat, gamma, beta, w3p)


def _final_logsoftmax(p0, p1, mtgt, b3p):
    def body(p0_ref, p1_ref, m_ref, b_ref, o_ref):
        logits = m_ref[...] * (p0_ref[...] + p1_ref[...]) + b_ref[...]
        lanes = lax.broadcasted_iota(jnp.int32, (RB, DC), 1)
        logits = jnp.where(lanes < NCLASS, logits, -1e30)
        m = jnp.max(logits, axis=1, keepdims=True)
        e = jnp.exp(logits - m)
        ssum = jnp.sum(e, axis=1, keepdims=True)
        o_ref[...] = logits - m - jnp.log(ssum)

    return pl.pallas_call(
        body,
        grid=(GRID,),
        in_specs=[_row_spec(DC), _row_spec(DC), _row_spec(1), _full_spec(1, DC)],
        out_specs=_row_spec(DC),
        out_shape=jax.ShapeDtypeStruct((N, DC), jnp.float32),
    )(p0, p1, mtgt, b3p)


def kernel(x, src, tgt, Mtgt, W1, b1, W2, b2, gamma, beta, W3, b3):
    pad = EPTP - EPT
    if pad:
        src3 = jnp.pad(src.reshape(NW, EPT), ((0, 0), (0, pad))
                       ).reshape(NW, NCHUNK, CH)
        dummy = (N + (jnp.arange(NW, dtype=jnp.int32) % NS))[:, None]
        tgt3 = jnp.concatenate(
            [tgt.reshape(NW, EPT),
             jnp.broadcast_to(dummy, (NW, pad))],
            axis=1).reshape(NW, NCHUNK, CH)
    else:
        src3 = src.reshape(NW, NCHUNK, CH)
        tgt3 = tgt.reshape(NW, NCHUNK, CH)
    b1r = b1.reshape(1, NHID)
    b2r = b2.reshape(1, NHID)
    gammar = gamma.reshape(1, NHID)
    betar = beta.reshape(1, NHID)
    w3p = jnp.pad(W3, ((0, 0), (0, DC - NCLASS)))
    b3p = jnp.pad(b3, (0, DC - NCLASS)).reshape(1, DC)
    gmat = jnp.asarray(
        np.kron(np.eye(NGROUPS, dtype=np.float32),
                np.ones((NHID // NGROUPS, NHID // NGROUPS), np.float32)))

    sup1 = _mm_support1(x, W1)
    a0, a1 = _sc_aggregate(sup1, src3, tgt3, NHID)
    sup2 = _layer1_to_support2(a0, a1, Mtgt, b1r, W2)
    c0, c1 = _sc_aggregate(sup2, src3, tgt3, NHID)
    sup3 = _layer2_to_support3(c0, c1, Mtgt, b2r, gmat, gammar, betar, w3p)
    d0, d1 = _sc_aggregate(sup3, src3, tgt3, DC)
    out = _final_logsoftmax(d0, d1, Mtgt, b3p)
    return out[:, :NCLASS]

# --- scband reference (transcript-rebuilt; emitter-appended) ---
"""Pipeline reference for scband-gcn3norm-40956808135024 (READ-ONLY COPY).

The authoritative reference and input builder live on the scoring server;
editing this copy changes nothing except your own understanding.
"""

import jax, jax.numpy as jnp
import numpy as np

N = 10000
E = 320000
NFEAT = 128
NHID = 128
NCLASS = 40
NGROUPS = 32


def setup_inputs(seed: int = 0) -> dict:
    key = jax.random.key(seed)
    ks = jax.random.split(key, 12)
    x = jax.random.normal(ks[0], (N, NFEAT), dtype=jnp.float32)
    src = jax.random.randint(ks[1], (E,), 0, N, dtype=jnp.int32)
    tgt = jax.random.randint(ks[2], (E,), 0, N, dtype=jnp.int32)
    Mtgt = jax.random.uniform(ks[3], (N, 1), dtype=jnp.float32)
    W1 = jax.random.normal(ks[4], (NFEAT, NHID), dtype=jnp.float32) * (1.0 / np.sqrt(NFEAT))
    b1 = jnp.zeros((NHID,), dtype=jnp.float32)
    W2 = jax.random.normal(ks[5], (NHID, NHID), dtype=jnp.float32) * (1.0 / np.sqrt(NHID))
    b2 = jnp.zeros((NHID,), dtype=jnp.float32)
    gamma = jnp.ones((NHID,), dtype=jnp.float32)
    beta = jnp.zeros((NHID,), dtype=jnp.float32)
    W3 = jax.random.normal(ks[6], (NHID, NCLASS), dtype=jnp.float32) * (1.0 / np.sqrt(NHID))
    b3 = jnp.zeros((NCLASS,), dtype=jnp.float32)
    return {"x": x, "src": src, "tgt": tgt, "Mtgt": Mtgt,
            "W1": W1, "b1": b1, "W2": W2, "b2": b2,
            "gamma": gamma, "beta": beta, "W3": W3, "b3": b3}


def _graph_conv(h, W, b, src, tgt, Mtgt):
    # support = h @ W; gather messages from src nodes; scatter-add into tgt nodes;
    # Mtgt is the per-dst normalization (e.g. 1/deg); add bias.
    support = h @ W
    msg = jnp.take(support, src, axis=0)
    agg = jnp.zeros((h.shape[0], W.shape[1]), dtype=h.dtype).at[tgt].add(msg)
    return Mtgt * agg + b


def _group_norm(h, gamma, beta, num_groups=NGROUPS, eps=1e-5):
    n, c = h.shape
    g = h.reshape(n, num_groups, c // num_groups)
    mean = jnp.mean(g, axis=2, keepdims=True)
    var = jnp.var(g, axis=2, keepdims=True)
    g = (g - mean) / jnp.sqrt(var + eps)
    return g.reshape(n, c) * gamma + beta


def reference(x, src, tgt, Mtgt, W1, b1, W2, b2, gamma, beta, W3, b3):
    h = jax.nn.relu(_graph_conv(x, W1, b1, src, tgt, Mtgt))
    # dropout is identity in eval mode
    h = jax.nn.relu(_graph_conv(h, W2, b2, src, tgt, Mtgt))
    h = _group_norm(h, gamma, beta)
    out = _graph_conv(h, W3, b3, src, tgt, Mtgt)
    return jax.nn.log_softmax(out, axis=1)

if __name__ == "__main__":
    import jax
    _d = setup_inputs()
    print(jax.jit(kernel)(*tuple(_d.values())))

</pallas_src>

<mosaic_0001>
#map = affine_map<(d0, d1) -> (0, 0)>
#map1 = affine_map<(d0, d1) -> (0, 0, 0)>
module attributes {stable_mosaic.version = 14 : i64} {
  func.func @agg_kernel(%arg0: i32, %arg1: i32, %arg2: memref<10000x128xf32, #tpu.memory_space<hbm>>, %arg3: memref<32x125x80xi32, #tpu.memory_space<hbm>>, %arg4: memref<32x125x80xi32, #tpu.memory_space<hbm>>, %arg5: memref<10000x128xf32, #tpu.memory_space<hbm>>, %arg6: memref<10000x128xf32, #tpu.memory_space<hbm>>, %arg7: memref<125x80xi32, #tpu.memory_space<vmem>>, %arg8: memref<125x80xi32, #tpu.memory_space<vmem>>, %arg9: memref<80x128xf32, #tpu.memory_space<vmem>>, %arg10: memref<80x128xf32, #tpu.memory_space<vmem>>, %arg11: memref<80x128xf32, #tpu.memory_space<vmem>>, %arg12: memref<10016x128xf32, #tpu.memory_space<vmem_shared>>, %arg13: memref<!tpu.dma_semaphore, #tpu.memory_space<semaphore_mem>>, %arg14: memref<!tpu.dma_semaphore, #tpu.memory_space<semaphore_mem>>, %arg15: memref<!tpu.dma_semaphore, #tpu.memory_space<semaphore_mem>>) attributes {dimension_semantics = [#tpu.dimension_semantics<core_parallel>, #tpu.dimension_semantics<subcore_parallel>], iteration_bounds = array<i64: 2, 16>, scalar_prefetch = 0 : i64, scratch_operands = 9 : i64, tpu.core_type = #tpu.core_type<sc_vector_subcore>, window_params = [{transform_indices = #map}, {transform_indices = #map1}, {transform_indices = #map1}, {transform_indices = #map}, {transform_indices = #map}]} {
    %mul3A = arith.constant 16 : i32
    %mul3A_0 = arith.muli %arg0, %mul3A : i32
    %add3A = arith.addi %mul3A_0, %arg1 : i32
    %broadcast_in_dim3A = arith.constant 0.000000e+00 : f32
    %broadcast_in_dim3A_1 = vector.broadcast %broadcast_in_dim3A : f32 to vector<16xf32>
    %scan3A = arith.constant 0 : i32
    %scan3A_2 = arith.constant 80 : i32
    %scan3A_3 = arith.addi %scan3A, %scan3A_2 : i32
    %scan3A_4 = arith.constant 1 : i32
    scf.for %scan3A_90 = %scan3A to %scan3A_3 step %scan3A_4  : i32 {
      %mul3A_91 = arith.constant 1 : i32
      %mul3A_92 = arith.muli %scan3A_90, %mul3A_91 : i32
      %add3A_93 = arith.constant 0 : i32
      %add3A_94 = arith.addi %add3A_93, %mul3A_92 : i32
      %swap3A = arith.index_cast %add3A_94 : i32 to index
      %swap3A_95 = arith.constant 0 : index
      %swap3A_96 = tpu.vector_load %arg9[%swap3A, %swap3A_95] {strides = array<i32>} : memref<80x128xf32, #tpu.memory_space<vmem>>, vector<1x16xf32>,
      %swap3A_97 = vector.shape_cast %swap3A_96 : vector<1x16xf32> to vector<16xf32>
      %swap3A_98 = vector.shape_cast %broadcast_in_dim3A_1 : vector<16xf32> to vector<1x16xf32>
      tpu.vector_store %arg9[%swap3A, %swap3A_95], %swap3A_98 {strides = array<i32>} : memref<80x128xf32, #tpu.memory_space<vmem>>, vector<1x16xf32>,
      %swap3A_99 = arith.index_cast %add3A_94 : i32 to index
      %swap3A_100 = arith.constant 16 : index
      %swap3A_101 = tpu.vector_load %arg9[%swap3A_99, %swap3A_100] {strides = array<i32>} : memref<80x128xf32, #tpu.memory_space<vmem>>, vector<1x16xf32>,
      %swap3A_102 = vector.shape_cast %swap3A_101 : vector<1x16xf32> to vector<16xf32>
      %swap3A_103 = vector.shape_cast %broadcast_in_dim3A_1 : vector<16xf32> to vector<1x16xf32>
      tpu.vector_store %arg9[%swap3A_99, %swap3A_100], %swap3A_103 {strides = array<i32>} : memref<80x128xf32, #tpu.memory_space<vmem>>, vector<1x16xf32>,
      %swap3A_104 = arith.index_cast %add3A_94 : i32 to index
      %swap3A_105 = arith.constant 32 : index
      %swap3A_106 = tpu.vector_load %arg9[%swap3A_104, %swap3A_105] {strides = array<i32>} : memref<80x128xf32, #tpu.memory_space<vmem>>, vector<1x16xf32>,
      %swap3A_107 = vector.shape_cast %swap3A_106 : vector<1x16xf32> to vector<16xf32>
      %swap3A_108 = vector.shape_cast %broadcast_in_dim3A_1 : vector<16xf32> to vector<1x16xf32>
      tpu.vector_store %arg9[%swap3A_104, %swap3A_105], %swap3A_108 {strides = array<i32>} : memref<80x128xf32, #tpu.memory_space<vmem>>, vector<1x16xf32>,
      %swap3A_109 = arith.index_cast %add3A_94 : i32 to index
      %swap3A_110 = arith.constant 48 : index
      %swap3A_111 = tpu.vector_load %arg9[%swap3A_109, %swap3A_110] {strides = array<i32>} : memref<80x128xf32, #tpu.memory_space<vmem>>, vector<1x16xf32>,
      %swap3A_112 = vector.shape_cast %swap3A_111 : vector<1x16xf32> to vector<16xf32>
      %swap3A_113 = vector.shape_cast %broadcast_in_dim3A_1 : vector<16xf32> to vector<1x16xf32>
      tpu.vector_store %arg9[%swap3A_109, %swap3A_110], %swap3A_113 {strides = array<i32>} : memref<80x128xf32, #tpu.memory_space<vmem>>, vector<1x16xf32>,
      %swap3A_114 = arith.index_cast %add3A_94 : i32 to index
      %swap3A_115 = arith.constant 64 : index
      %swap3A_116 = tpu.vector_load %arg9[%swap3A_114, %swap3A_115] {strides = array<i32>} : memref<80x128xf32, #tpu.memory_space<vmem>>, vector<1x16xf32>,
      %swap3A_117 = vector.shape_cast %swap3A_116 : vector<1x16xf32> to vector<16xf32>
      %swap3A_118 = vector.shape_cast %broadcast_in_dim3A_1 : vector<16xf32> to vector<1x16xf32>
      tpu.vector_store %arg9[%swap3A_114, %swap3A_115], %swap3A_118 {strides = array<i32>} : memref<80x128xf32, #tpu.memory_space<vmem>>, vector<1x16xf32>,
      %swap3A_119 = arith.index_cast %add3A_94 : i32 to index
      %swap3A_120 = arith.constant 80 : index
      %swap3A_121 = tpu.vector_load %arg9[%swap3A_119, %swap3A_120] {strides = array<i32>} : memref<80x128xf32, #tpu.memory_space<vmem>>, vector<1x16xf32>,
      %swap3A_122 = vector.shape_cast %swap3A_121 : vector<1x16xf32> to vector<16xf32>
      %swap3A_123 = vector.shape_cast %broadcast_in_dim3A_1 : vector<16xf32> to vector<1x16xf32>
      tpu.vector_store %arg9[%swap3A_119, %swap3A_120], %swap3A_123 {strides = array<i32>} : memref<80x128xf32, #tpu.memory_space<vmem>>, vector<1x16xf32>,
      %swap3A_124 = arith.index_cast %add3A_94 : i32 to index
      %swap3A_125 = arith.constant 96 : index
      %swap3A_126 = tpu.vector_load %arg9[%swap3A_124, %swap3A_125] {strides = array<i32>} : memref<80x128xf32, #tpu.memory_space<vmem>>, vector<1x16xf32>,
      %swap3A_127 = vector.shape_cast %swap3A_126 : vector<1x16xf32> to vector<16xf32>
      %swap3A_128 = vector.shape_cast %broadcast_in_dim3A_1 : vector<16xf32> to vector<1x16xf32>
      tpu.vector_store %arg9[%swap3A_124, %swap3A_125], %swap3A_128 {strides = array<i32>} : memref<80x128xf32, #tpu.memory_space<vmem>>, vector<1x16xf32>,
      %swap3A_129 = arith.index_cast %add3A_94 : i32 to index
      %swap3A_130 = arith.constant 112 : index
      %swap3A_131 = tpu.vector_load %arg9[%swap3A_129, %swap3A_130] {strides = array<i32>} : memref<80x128xf32, #tpu.memory_space<vmem>>, vector<1x16xf32>,
      %swap3A_132 = vector.shape_cast %swap3A_131 : vector<1x16xf32> to vector<16xf32>
      %swap3A_133 = vector.shape_cast %broadcast_in_dim3A_1 : vector<16xf32> to vector<1x16xf32>
      tpu.vector_store %arg9[%swap3A_129, %swap3A_130], %swap3A_133 {strides = array<i32>} : memref<80x128xf32, #tpu.memory_space<vmem>>, vector<1x16xf32>,
    }
    %scan3A_5 = arith.constant 80 : i32
    %mul3A_6 = arith.constant 624 : i32
    %mul3A_7 = arith.muli %arg1, %mul3A_6 : i32
    %add3A_8 = arith.constant 0 : i32
    %add3A_9 = arith.addi %mul3A_7, %add3A_8 : i32
    "tpu.region"() ({
      %run_scoped3A_90 = tpu.sem_alloc : memref<!tpu.dma_semaphore, #tpu.memory_space<semaphore_mem>>
      %dma_start3A_91 = arith.constant 0 : i32
      %dma_start3A_92 = tpu.memref_slice %arg12[%add3A_9, %dma_start3A_91] : memref<10016x128xf32, #tpu.memory_space<vmem_shared>> -> memref<80x128xf32, #tpu.memory_space<vmem_shared>>
      %dma_start3A_93 = arith.constant 0 : i32
      %dma_start3A_94 = tpu.memref_slice %arg12[%add3A_9, %dma_start3A_93] : memref<10016x128xf32, #tpu.memory_space<vmem_shared>> -> memref<80x128xf32, #tpu.memory_space<vmem_shared>>
      tpu.enqueue_dma source(%arg9 : memref<80x128xf32, #tpu.memory_space<vmem>>) target(%dma_start3A_94 : memref<80x128xf32, #tpu.memory_space<vmem_shared>>) target_semaphore(%run_scoped3A_90 : memref<!tpu.dma_semaphore, #tpu.memory_space<semaphore_mem>>)
      %dma_wait3A_95 = arith.constant 0 : i32
      %dma_wait3A_96 = tpu.memref_slice %arg12[%add3A_9, %dma_wait3A_95] : memref<10016x128xf32, #tpu.memory_space<vmem_shared>> -> memref<80x128xf32, #tpu.memory_space<vmem_shared>>
      %dma_wait3A_97 = arith.constant 0 : i32
      %dma_wait3A_98 = tpu.memref_slice %arg12[%add3A_9, %dma_wait3A_97] : memref<10016x128xf32, #tpu.memory_space<vmem_shared>> -> memref<80x128xf32, #tpu.memory_space<vmem_shared>>
      tpu.wait_dma2 semaphore(%run_scoped3A_90 : memref<!tpu.dma_semaphore, #tpu.memory_space<semaphore_mem>>) src(%arg9 : memref<80x128xf32, #tpu.memory_space<vmem>>) dst(%dma_wait3A_98 : memref<80x128xf32, #tpu.memory_space<vmem_shared>>)
      tpu.yield
    }) : () -> ()
    %mul3A_10 = arith.constant 624 : i32
    %mul3A_11 = arith.muli %arg1, %mul3A_10 : i32
    %add3A_12 = arith.constant 80 : i32
    %add3A_13 = arith.addi %mul3A_11, %add3A_12 : i32
    "tpu.region"() ({
      %run_scoped3A_90 = tpu.sem_alloc : memref<!tpu.dma_semaphore, #tpu.memory_space<semaphore_mem>>
      %dma_start3A_91 = arith.constant 0 : i32
      %dma_start3A_92 = tpu.memref_slice %arg12[%add3A_13, %dma_start3A_91] : memref<10016x128xf32, #tpu.memory_space<vmem_shared>> -> memref<80x128xf32, #tpu.memory_space<vmem_shared>>
      %dma_start3A_93 = arith.constant 0 : i32
      %dma_start3A_94 = tpu.memref_slice %arg12[%add3A_13, %dma_start3A_93] : memref<10016x128xf32, #tpu.memory_space<vmem_shared>> -> memref<80x128xf32, #tpu.memory_space<vmem_shared>>
      tpu.enqueue_dma source(%arg9 : memref<80x128xf32, #tpu.memory_space<vmem>>) target(%dma_start3A_94 : memref<80x128xf32, #tpu.memory_space<vmem_shared>>) target_semaphore(%run_scoped3A_90 : memref<!tpu.dma_semaphore, #tpu.memory_space<semaphore_mem>>)
      %dma_wait3A_95 = arith.constant 0 : i32
      %dma_wait3A_96 = tpu.memref_slice %arg12[%add3A_13, %dma_wait3A_95] : memref<10016x128xf32, #tpu.memory_space<vmem_shared>> -> memref<80x128xf32, #tpu.memory_space<vmem_shared>>
      %dma_wait3A_97 = arith.constant 0 : i32
      %dma_wait3A_98 = tpu.memref_slice %arg12[%add3A_13, %dma_wait3A_97] : memref<10016x128xf32, #tpu.memory_space<vmem_shared>> -> memref<80x128xf32, #tpu.memory_space<vmem_shared>>
      tpu.wait_dma2 semaphore(%run_scoped3A_90 : memref<!tpu.dma_semaphore, #tpu.memory_space<semaphore_mem>>) src(%arg9 : memref<80x128xf32, #tpu.memory_space<vmem>>) dst(%dma_wait3A_98 : memref<80x128xf32, #tpu.memory_space<vmem_shared>>)
      tpu.yield
    }) : () -> ()
    %mul3A_14 = arith.constant 624 : i32
    %mul3A_15 = arith.muli %arg1, %mul3A_14 : i32
    %add3A_16 = arith.constant 160 : i32
    %add3A_17 = arith.addi %mul3A_15, %add3A_16 : i32
    "tpu.region"() ({
      %run_scoped3A_90 = tpu.sem_alloc : memref<!tpu.dma_semaphore, #tpu.memory_space<semaphore_mem>>
      %dma_start3A_91 = arith.constant 0 : i32
      %dma_start3A_92 = tpu.memref_slice %arg12[%add3A_17, %dma_start3A_91] : memref<10016x128xf32, #tpu.memory_space<vmem_shared>> -> memref<80x128xf32, #tpu.memory_space<vmem_shared>>
      %dma_start3A_93 = arith.constant 0 : i32
      %dma_start3A_94 = tpu.memref_slice %arg12[%add3A_17, %dma_start3A_93] : memref<10016x128xf32, #tpu.memory_space<vmem_shared>> -> memref<80x128xf32, #tpu.memory_space<vmem_shared>>
      tpu.enqueue_dma source(%arg9 : memref<80x128xf32, #tpu.memory_space<vmem>>) target(%dma_start3A_94 : memref<80x128xf32, #tpu.memory_space<vmem_shared>>) target_semaphore(%run_scoped3A_90 : memref<!tpu.dma_semaphore, #tpu.memory_space<semaphore_mem>>)
      %dma_wait3A_95 = arith.constant 0 : i32
      %dma_wait3A_96 = tpu.memref_slice %arg12[%add3A_17, %dma_wait3A_95] : memref<10016x128xf32, #tpu.memory_space<vmem_shared>> -> memref<80x128xf32, #tpu.memory_space<vmem_shared>>
      %dma_wait3A_97 = arith.constant 0 : i32
      %dma_wait3A_98 = tpu.memref_slice %arg12[%add3A_17, %dma_wait3A_97] : memref<10016x128xf32, #tpu.memory_space<vmem_shared>> -> memref<80x128xf32, #tpu.memory_space<vmem_shared>>
      tpu.wait_dma2 semaphore(%run_scoped3A_90 : memref<!tpu.dma_semaphore, #tpu.memory_space<semaphore_mem>>) src(%arg9 : memref<80x128xf32, #tpu.memory_space<vmem>>) dst(%dma_wait3A_98 : memref<80x128xf32, #tpu.memory_space<vmem_shared>>)
      tpu.yield
    }) : () -> ()
    %mul3A_18 = arith.constant 624 : i32
    %mul3A_19 = arith.muli %arg1, %mul3A_18 : i32
    %add3A_20 = arith.constant 240 : i32
    %add3A_21 = arith.addi %mul3A_19, %add3A_20 : i32
    "tpu.region"() ({
      %run_scoped3A_90 = tpu.sem_alloc : memref<!tpu.dma_semaphore, #tpu.memory_space<semaphore_mem>>
      %dma_start3A_91 = arith.constant 0 : i32
      %dma_start3A_92 = tpu.memref_slice %arg12[%add3A_21, %dma_start3A_91] : memref<10016x128xf32, #tpu.memory_space<vmem_shared>> -> memref<80x128xf32, #tpu.memory_space<vmem_shared>>
      %dma_start3A_93 = arith.constant 0 : i32
      %dma_start3A_94 = tpu.memref_slice %arg12[%add3A_21, %dma_start3A_93] : memref<10016x128xf32, #tpu.memory_space<vmem_shared>> -> memref<80x128xf32, #tpu.memory_space<vmem_shared>>
      tpu.enqueue_dma source(%arg9 : memref<80x128xf32, #tpu.memory_space<vmem>>) target(%dma_start3A_94 : memref<80x128xf32, #tpu.memory_space<vmem_shared>>) target_semaphore(%run_scoped3A_90 : memref<!tpu.dma_semaphore, #tpu.memory_space<semaphore_mem>>)
      %dma_wait3A_95 = arith.constant 0 : i32
      %dma_wait3A_96 = tpu.memref_slice %arg12[%add3A_21, %dma_wait3A_95] : memref<10016x128xf32, #tpu.memory_space<vmem_shared>> -> memref<80x128xf32, #tpu.memory_space<vmem_shared>>
      %dma_wait3A_97 = arith.constant 0 : i32
      %dma_wait3A_98 = tpu.memref_slice %arg12[%add3A_21, %dma_wait3A_97] : memref<10016x128xf32, #tpu.memory_space<vmem_shared>> -> memref<80x128xf32, #tpu.memory_space<vmem_shared>>
      tpu.wait_dma2 semaphore(%run_scoped3A_90 : memref<!tpu.dma_semaphore, #tpu.memory_space<semaphore_mem>>) src(%arg9 : memref<80x128xf32, #tpu.memory_space<vmem>>) dst(%dma_wait3A_98 : memref<80x128xf32, #tpu.memory_space<vmem_shared>>)
      tpu.yield
    }) : () -> ()
    %mul3A_22 = arith.constant 624 : i32
    %mul3A_23 = arith.muli %arg1, %mul3A_22 : i32
    %add3A_24 = arith.constant 320 : i32
    %add3A_25 = arith.addi %mul3A_23, %add3A_24 : i32
    "tpu.region"() ({
      %run_scoped3A_90 = tpu.sem_alloc : memref<!tpu.dma_semaphore, #tpu.memory_space<semaphore_mem>>
      %dma_start3A_91 = arith.constant 0 : i32
      %dma_start3A_92 = tpu.memref_slice %arg12[%add3A_25, %dma_start3A_91] : memref<10016x128xf32, #tpu.memory_space<vmem_shared>> -> memref<80x128xf32, #tpu.memory_space<vmem_shared>>
      %dma_start3A_93 = arith.constant 0 : i32
      %dma_start3A_94 = tpu.memref_slice %arg12[%add3A_25, %dma_start3A_93] : memref<10016x128xf32, #tpu.memory_space<vmem_shared>> -> memref<80x128xf32, #tpu.memory_space<vmem_shared>>
      tpu.enqueue_dma source(%arg9 : memref<80x128xf32, #tpu.memory_space<vmem>>) target(%dma_start3A_94 : memref<80x128xf32, #tpu.memory_space<vmem_shared>>) target_semaphore(%run_scoped3A_90 : memref<!tpu.dma_semaphore, #tpu.memory_space<semaphore_mem>>)
      %dma_wait3A_95 = arith.constant 0 : i32
      %dma_wait3A_96 = tpu.memref_slice %arg12[%add3A_25, %dma_wait3A_95] : memref<10016x128xf32, #tpu.memory_space<vmem_shared>> -> memref<80x128xf32, #tpu.memory_space<vmem_shared>>
      %dma_wait3A_97 = arith.constant 0 : i32
      %dma_wait3A_98 = tpu.memref_slice %arg12[%add3A_25, %dma_wait3A_97] : memref<10016x128xf32, #tpu.memory_space<vmem_shared>> -> memref<80x128xf32, #tpu.memory_space<vmem_shared>>
      tpu.wait_dma2 semaphore(%run_scoped3A_90 : memref<!tpu.dma_semaphore, #tpu.memory_space<semaphore_mem>>) src(%arg9 : memref<80x128xf32, #tpu.memory_space<vmem>>) dst(%dma_wait3A_98 : memref<80x128xf32, #tpu.memory_space<vmem_shared>>)
      tpu.yield
    }) : () -> ()
    %mul3A_26 = arith.constant 624 : i32
    %mul3A_27 = arith.muli %arg1, %mul3A_26 : i32
    %add3A_28 = arith.constant 400 : i32
    %add3A_29 = arith.addi %mul3A_27, %add3A_28 : i32
    "tpu.region"() ({
      %run_scoped3A_90 = tpu.sem_alloc : memref<!tpu.dma_semaphore, #tpu.memory_space<semaphore_mem>>
      %dma_start3A_91 = arith.constant 0 : i32
      %dma_start3A_92 = tpu.memref_slice %arg12[%add3A_29, %dma_start3A_91] : memref<10016x128xf32, #tpu.memory_space<vmem_shared>> -> memref<80x128xf32, #tpu.memory_space<vmem_shared>>
      %dma_start3A_93 = arith.constant 0 : i32
      %dma_start3A_94 = tpu.memref_slice %arg12[%add3A_29, %dma_start3A_93] : memref<10016x128xf32, #tpu.memory_space<vmem_shared>> -> memref<80x128xf32, #tpu.memory_space<vmem_shared>>
      tpu.enqueue_dma source(%arg9 : memref<80x128xf32, #tpu.memory_space<vmem>>) target(%dma_start3A_94 : memref<80x128xf32, #tpu.memory_space<vmem_shared>>) target_semaphore(%run_scoped3A_90 : memref<!tpu.dma_semaphore, #tpu.memory_space<semaphore_mem>>)
      %dma_wait3A_95 = arith.constant 0 : i32
      %dma_wait3A_96 = tpu.memref_slice %arg12[%add3A_29, %dma_wait3A_95] : memref<10016x128xf32, #tpu.memory_space<vmem_shared>> -> memref<80x128xf32, #tpu.memory_space<vmem_shared>>
      %dma_wait3A_97 = arith.constant 0 : i32
      %dma_wait3A_98 = tpu.memref_slice %arg12[%add3A_29, %dma_wait3A_97] : memref<10016x128xf32, #tpu.memory_space<vmem_shared>> -> memref<80x128xf32, #tpu.memory_space<vmem_shared>>
      tpu.wait_dma2 semaphore(%run_scoped3A_90 : memref<!tpu.dma_semaphore, #tpu.memory_space<semaphore_mem>>) src(%arg9 : memref<80x128xf32, #tpu.memory_space<vmem>>) dst(%dma_wait3A_98 : memref<80x128xf32, #tpu.memory_space<vmem_shared>>)
      tpu.yield
    }) : () -> ()
    %mul3A_30 = arith.constant 624 : i32
    %mul3A_31 = arith.muli %arg1, %mul3A_30 : i32
    %add3A_32 = arith.constant 480 : i32
    %add3A_33 = arith.addi %mul3A_31, %add3A_32 : i32
    "tpu.region"() ({
      %run_scoped3A_90 = tpu.sem_alloc : memref<!tpu.dma_semaphore, #tpu.memory_space<semaphore_mem>>
      %dma_start3A_91 = arith.constant 0 : i32
      %dma_start3A_92 = tpu.memref_slice %arg12[%add3A_33, %dma_start3A_91] : memref<10016x128xf32, #tpu.memory_space<vmem_shared>> -> memref<80x128xf32, #tpu.memory_space<vmem_shared>>
      %dma_start3A_93 = arith.constant 0 : i32
      %dma_start3A_94 = tpu.memref_slice %arg12[%add3A_33, %dma_start3A_93] : memref<10016x128xf32, #tpu.memory_space<vmem_shared>> -> memref<80x128xf32, #tpu.memory_space<vmem_shared>>
      tpu.enqueue_dma source(%arg9 : memref<80x128xf32, #tpu.memory_space<vmem>>) target(%dma_start3A_94 : memref<80x128xf32, #tpu.memory_space<vmem_shared>>) target_semaphore(%run_scoped3A_90 : memref<!tpu.dma_semaphore, #tpu.memory_space<semaphore_mem>>)
      %dma_wait3A_95 = arith.constant 0 : i32
      %dma_wait3A_96 = tpu.memref_slice %arg12[%add3A_33, %dma_wait3A_95] : memref<10016x128xf32, #tpu.memory_space<vmem_shared>> -> memref<80x128xf32, #tpu.memory_space<vmem_shared>>
      %dma_wait3A_97 = arith.constant 0 : i32
      %dma_wait3A_98 = tpu.memref_slice %arg12[%add3A_33, %dma_wait3A_97] : memref<10016x128xf32, #tpu.memory_space<vmem_shared>> -> memref<80x128xf32, #tpu.memory_space<vmem_shared>>
      tpu.wait_dma2 semaphore(%run_scoped3A_90 : memref<!tpu.dma_semaphore, #tpu.memory_space<semaphore_mem>>) src(%arg9 : memref<80x128xf32, #tpu.memory_space<vmem>>) dst(%dma_wait3A_98 : memref<80x128xf32, #tpu.memory_space<vmem_shared>>)
      tpu.yield
    }) : () -> ()
    %mul3A_34 = arith.constant 624 : i32
    %mul3A_35 = arith.muli %arg1, %mul3A_34 : i32
    %add3A_36 = arith.constant 560 : i32
    %add3A_37 = arith.addi %mul3A_35, %add3A_36 : i32
    "tpu.region"() ({
      %run_scoped3A_90 = tpu.sem_alloc : memref<!tpu.dma_semaphore, #tpu.memory_space<semaphore_mem>>
      %dma_start3A_91 = arith.constant 0 : i32
      %dma_start3A_92 = arith.constant 0 : i32
      %dma_start3A_93 = tpu.memref_slice %arg9[%dma_start3A_91, %dma_start3A_92] : memref<80x128xf32, #tpu.memory_space<vmem>> -> memref<64x128xf32, #tpu.memory_space<vmem>>
      %dma_start3A_94 = arith.constant 0 : i32
      %dma_start3A_95 = tpu.memref_slice %arg12[%add3A_37, %dma_start3A_94] : memref<10016x128xf32, #tpu.memory_space<vmem_shared>> -> memref<64x128xf32, #tpu.memory_space<vmem_shared>>
      %dma_start3A_96 = arith.constant 0 : i32
      %dma_start3A_97 = tpu.memref_slice %arg12[%add3A_37, %dma_start3A_96] : memref<10016x128xf32, #tpu.memory_space<vmem_shared>> -> memref<64x128xf32, #tpu.memory_space<vmem_shared>>
      %dma_start3A_98 = arith.constant 0 : i32
      %dma_start3A_99 = arith.constant 0 : i32
      %dma_start3A_100 = tpu.memref_slice %arg9[%dma_start3A_98, %dma_start3A_99] : memref<80x128xf32, #tpu.memory_space<vmem>> -> memref<64x128xf32, #tpu.memory_space<vmem>>
      tpu.enqueue_dma source(%dma_start3A_100 : memref<64x128xf32, #tpu.memory_space<vmem>>) target(%dma_start3A_97 : memref<64x128xf32, #tpu.memory_space<vmem_shared>>) target_semaphore(%run_scoped3A_90 : memref<!tpu.dma_semaphore, #tpu.memory_space<semaphore_mem>>)
      %dma_wait3A_101 = arith.constant 0 : i32
      %dma_wait3A_102 = arith.constant 0 : i32
      %dma_wait3A_103 = tpu.memref_slice %arg9[%dma_wait3A_101, %dma_wait3A_102] : memref<80x128xf32, #tpu.memory_space<vmem>> -> memref<64x128xf32, #tpu.memory_space<vmem>>
      %dma_wait3A_104 = arith.constant 0 : i32
      %dma_wait3A_105 = tpu.memref_slice %arg12[%add3A_37, %dma_wait3A_104] : memref<10016x128xf32, #tpu.memory_space<vmem_shared>> -> memref<64x128xf32, #tpu.memory_space<vmem_shared>>
      %dma_wait3A_106 = arith.constant 0 : i32
      %dma_wait3A_107 = tpu.memref_slice %arg12[%add3A_37, %dma_wait3A_106] : memref<10016x128xf32, #tpu.memory_space<vmem_shared>> -> memref<64x128xf32, #tpu.memory_space<vmem_shared>>
      %dma_wait3A_108 = arith.constant 0 : i32
      %dma_wait3A_109 = arith.constant 0 : i32
      %dma_wait3A_110 = tpu.memref_slice %arg9[%dma_wait3A_108, %dma_wait3A_109] : memref<80x128xf32, #tpu.memory_space<vmem>> -> memref<64x128xf32, #tpu.memory_space<vmem>>
      tpu.wait_dma2 semaphore(%run_scoped3A_90 : memref<!tpu.dma_semaphore, #tpu.memory_space<semaphore_mem>>) src(%dma_wait3A_110 : memref<64x128xf32, #tpu.memory_space<vmem>>) dst(%dma_wait3A_107 : memref<64x128xf32, #tpu.memory_space<vmem_shared>>)
      tpu.yield
    }) : () -> ()
    %eq3A = arith.constant 15 : i32
    %eq3A_38 = arith.cmpi eq, %arg1, %eq3A : i32
    %convert_element_type3A = arith.extui %eq3A_38 : i1 to i32
    %cond3A = arith.constant 0 : i32
    %cond3A_39 = arith.cmpi ne, %convert_element_type3A, %cond3A : i32
    scf.if %cond3A_39 {
      "tpu.region"() ({
        %run_scoped3A_90 = tpu.sem_alloc : memref<!tpu.dma_semaphore, #tpu.memory_space<semaphore_mem>>
        %dma_start3A_91 = arith.constant 0 : i32
        %dma_start3A_92 = arith.constant 0 : i32
        %dma_start3A_93 = tpu.memref_slice %arg9[%dma_start3A_91, %dma_start3A_92] : memref<80x128xf32, #tpu.memory_space<vmem>> -> memref<16x128xf32, #tpu.memory_space<vmem>>
        %dma_start3A_94 = arith.constant 9984 : i32
        %dma_start3A_95 = arith.constant 0 : i32
        %dma_start3A_96 = tpu.memref_slice %arg12[%dma_start3A_94, %dma_start3A_95] : memref<10016x128xf32, #tpu.memory_space<vmem_shared>> -> memref<16x128xf32, #tpu.memory_space<vmem_shared>>
        %dma_start3A_97 = arith.constant 9984 : i32
        %dma_start3A_98 = arith.constant 0 : i32
        %dma_start3A_99 = tpu.memref_slice %arg12[%dma_start3A_97, %dma_start3A_98] : memref<10016x128xf32, #tpu.memory_space<vmem_shared>> -> memref<16x128xf32, #tpu.memory_space<vmem_shared>>
        %dma_start3A_100 = arith.constant 0 : i32
        %dma_start3A_101 = arith.constant 0 : i32
        %dma_start3A_102 = tpu.memref_slice %arg9[%dma_start3A_100, %dma_start3A_101] : memref<80x128xf32, #tpu.memory_space<vmem>> -> memref<16x128xf32, #tpu.memory_space<vmem>>
        tpu.enqueue_dma source(%dma_start3A_102 : memref<16x128xf32, #tpu.memory_space<vmem>>) target(%dma_start3A_99 : memref<16x128xf32, #tpu.memory_space<vmem_shared>>) target_semaphore(%run_scoped3A_90 : memref<!tpu.dma_semaphore, #tpu.memory_space<semaphore_mem>>)
        %dma_wait3A_103 = arith.constant 0 : i32
        %dma_wait3A_104 = arith.constant 0 : i32
        %dma_wait3A_105 = tpu.memref_slice %arg9[%dma_wait3A_103, %dma_wait3A_104] : memref<80x128xf32, #tpu.memory_space<vmem>> -> memref<16x128xf32, #tpu.memory_space<vmem>>
        %dma_wait3A_106 = arith.constant 9984 : i32
        %dma_wait3A_107 = arith.constant 0 : i32
        %dma_wait3A_108 = tpu.memref_slice %arg12[%dma_wait3A_106, %dma_wait3A_107] : memref<10016x128xf32, #tpu.memory_space<vmem_shared>> -> memref<16x128xf32, #tpu.memory_space<vmem_shared>>
        %dma_wait3A_109 = arith.constant 9984 : i32
        %dma_wait3A_110 = arith.constant 0 : i32
        %dma_wait3A_111 = tpu.memref_slice %arg12[%dma_wait3A_109, %dma_wait3A_110] : memref<10016x128xf32, #tpu.memory_space<vmem_shared>> -> memref<16x128xf32, #tpu.memory_space<vmem_shared>>
        %dma_wait3A_112 = arith.constant 0 : i32
        %dma_wait3A_113 = arith.constant 0 : i32
        %dma_wait3A_114 = tpu.memref_slice %arg9[%dma_wait3A_112, %dma_wait3A_113] : memref<80x128xf32, #tpu.memory_space<vmem>> -> memref<16x128xf32, #tpu.memory_space<vmem>>
        tpu.wait_dma2 semaphore(%run_scoped3A_90 : memref<!tpu.dma_semaphore, #tpu.memory_space<semaphore_mem>>) src(%dma_wait3A_114 : memref<16x128xf32, #tpu.memory_space<vmem>>) dst(%dma_wait3A_111 : memref<16x128xf32, #tpu.memory_space<vmem_shared>>)
        tpu.yield
      }) : () -> ()
    } else {
    }
    "tpu.region"() ({
      %run_scoped3A_90 = tpu.sem_alloc : memref<!tpu.dma_semaphore, #tpu.memory_space<semaphore_mem>>
      %dma_start3A_91 = arith.constant 0 : i32
      %dma_start3A_92 = arith.constant 0 : i32
      %dma_start3A_93 = tpu.memref_slice %arg3[%add3A, %dma_start3A_91, %dma_start3A_92] : memref<32x125x80xi32, #tpu.memory_space<hbm>> -> memref<1x125x80xi32, #tpu.memory_space<hbm>>
      %dma_start3A_94 = tpu.memref_squeeze %dma_start3A_93 : memref<1x125x80xi32, #tpu.memory_space<hbm>> -> memref<125x80xi32, #tpu.memory_space<hbm>>
      %dma_start3A_95 = arith.constant 0 : i32
      %dma_start3A_96 = arith.constant 0 : i32
      %dma_start3A_97 = tpu.memref_slice %arg3[%add3A, %dma_start3A_95, %dma_start3A_96] : memref<32x125x80xi32, #tpu.memory_space<hbm>> -> memref<1x125x80xi32, #tpu.memory_space<hbm>>
      %dma_start3A_98 = tpu.memref_squeeze %dma_start3A_97 : memref<1x125x80xi32, #tpu.memory_space<hbm>> -> memref<125x80xi32, #tpu.memory_space<hbm>>
      tpu.enqueue_dma source(%dma_start3A_98 : memref<125x80xi32, #tpu.memory_space<hbm>>) target(%arg7 : memref<125x80xi32, #tpu.memory_space<vmem>>) target_semaphore(%run_scoped3A_90 : memref<!tpu.dma_semaphore, #tpu.memory_space<semaphore_mem>>)
      %dma_wait3A_99 = arith.constant 0 : i32
      %dma_wait3A_100 = arith.constant 0 : i32
      %dma_wait3A_101 = tpu.memref_slice %arg3[%add3A, %dma_wait3A_99, %dma_wait3A_100] : memref<32x125x80xi32, #tpu.memory_space<hbm>> -> memref<1x125x80xi32, #tpu.memory_space<hbm>>
      %dma_wait3A_102 = tpu.memref_squeeze %dma_wait3A_101 : memref<1x125x80xi32, #tpu.memory_space<hbm>> -> memref<125x80xi32, #tpu.memory_space<hbm>>
      %dma_wait3A_103 = arith.constant 0 : i32
      %dma_wait3A_104 = arith.constant 0 : i32
      %dma_wait3A_105 = tpu.memref_slice %arg3[%add3A, %dma_wait3A_103, %dma_wait3A_104] : memref<32x125x80xi32, #tpu.memory_space<hbm>> -> memref<1x125x80xi32, #tpu.memory_space<hbm>>
      %dma_wait3A_106 = tpu.memref_squeeze %dma_wait3A_105 : memref<1x125x80xi32, #tpu.memory_space<hbm>> -> memref<125x80xi32, #tpu.memory_space<hbm>>
      tpu.wait_dma2 semaphore(%run_scoped3A_90 : memref<!tpu.dma_semaphore, #tpu.memory_space<semaphore_mem>>) src(%dma_wait3A_106 : memref<125x80xi32, #tpu.memory_space<hbm>>) dst(%arg7 : memref<125x80xi32, #tpu.memory_space<vmem>>)
      tpu.yield
    }) : () -> ()
    "tpu.region"() ({
      %run_scoped3A_90 = tpu.sem_alloc : memref<!tpu.dma_semaphore, #tpu.memory_space<semaphore_mem>>
      %dma_start3A_91 = arith.constant 0 : i32
      %dma_start3A_92 = arith.constant 0 : i32
      %dma_start3A_93 = tpu.memref_slice %arg4[%add3A, %dma_start3A_91, %dma_start3A_92] : memref<32x125x80xi32, #tpu.memory_space<hbm>> -> memref<1x125x80xi32, #tpu.memory_space<hbm>>
      %dma_start3A_94 = tpu.memref_squeeze %dma_start3A_93 : memref<1x125x80xi32, #tpu.memory_space<hbm>> -> memref<125x80xi32, #tpu.memory_space<hbm>>
      %dma_start3A_95 = arith.constant 0 : i32
      %dma_start3A_96 = arith.constant 0 : i32
      %dma_start3A_97 = tpu.memref_slice %arg4[%add3A, %dma_start3A_95, %dma_start3A_96] : memref<32x125x80xi32, #tpu.memory_space<hbm>> -> memref<1x125x80xi32, #tpu.memory_space<hbm>>
      %dma_start3A_98 = tpu.memref_squeeze %dma_start3A_97 : memref<1x125x80xi32, #tpu.memory_space<hbm>> -> memref<125x80xi32, #tpu.memory_space<hbm>>
      tpu.enqueue_dma source(%dma_start3A_98 : memref<125x80xi32, #tpu.memory_space<hbm>>) target(%arg8 : memref<125x80xi32, #tpu.memory_space<vmem>>) target_semaphore(%run_scoped3A_90 : memref<!tpu.dma_semaphore, #tpu.memory_space<semaphore_mem>>)
      %dma_wait3A_99 = arith.constant 0 : i32
      %dma_wait3A_100 = arith.constant 0 : i32
      %dma_wait3A_101 = tpu.memref_slice %arg4[%add3A, %dma_wait3A_99, %dma_wait3A_100] : memref<32x125x80xi32, #tpu.memory_space<hbm>> -> memref<1x125x80xi32, #tpu.memory_space<hbm>>
      %dma_wait3A_102 = tpu.memref_squeeze %dma_wait3A_101 : memref<1x125x80xi32, #tpu.memory_space<hbm>> -> memref<125x80xi32, #tpu.memory_space<hbm>>
      %dma_wait3A_103 = arith.constant 0 : i32
      %dma_wait3A_104 = arith.constant 0 : i32
      %dma_wait3A_105 = tpu.memref_slice %arg4[%add3A, %dma_wait3A_103, %dma_wait3A_104] : memref<32x125x80xi32, #tpu.memory_space<hbm>> -> memref<1x125x80xi32, #tpu.memory_space<hbm>>
      %dma_wait3A_106 = tpu.memref_squeeze %dma_wait3A_105 : memref<1x125x80xi32, #tpu.memory_space<hbm>> -> memref<125x80xi32, #tpu.memory_space<hbm>>
      tpu.wait_dma2 semaphore(%run_scoped3A_90 : memref<!tpu.dma_semaphore, #tpu.memory_space<semaphore_mem>>) src(%dma_wait3A_106 : memref<125x80xi32, #tpu.memory_space<hbm>>) dst(%arg8 : memref<125x80xi32, #tpu.memory_space<vmem>>)
      tpu.yield
    }) : () -> ()
    %barrier3A = arith.constant 0 : index
    tpu.barrier barrier_id(%barrier3A)
    %dma_start3A = arith.constant 0 : i32
    %dma_start3A_40 = arith.constant 0 : i32
    %dma_start3A_41 = tpu.memref_slice %arg7[%dma_start3A, %dma_start3A_40] : memref<125x80xi32, #tpu.memory_space<vmem>> -> memref<1x80xi32, #tpu.memory_space<vmem>>
    %dma_start3A_42 = tpu.memref_squeeze %dma_start3A_41 : memref<1x80xi32, #tpu.memory_space<vmem>> -> memref<80xi32, #tpu.memory_space<vmem>>
    %dma_start3A_43 = arith.constant 0 : i32
    %dma_start3A_44 = arith.constant 0 : i32
    %dma_start3A_45 = tpu.memref_slice %arg2[%dma_start3A_43, %dma_start3A_44] : memref<10000x128xf32, #tpu.memory_space<hbm>> -> memref<10000x128xf32, #tpu.memory_space<hbm>>
    tpu.enqueue_indirect_dma source(%dma_start3A_45 : memref<10000x128xf32, #tpu.memory_space<hbm>>) target(%arg9 : memref<80x128xf32, #tpu.memory_space<vmem>>) offsets(%dma_start3A_42 : memref<80xi32, #tpu.memory_space<vmem>>) semaphore(%arg13 : memref<!tpu.dma_semaphore, #tpu.memory_space<semaphore_mem>>)
    %dma_start3A_46 = arith.constant 1 : i32
    %dma_start3A_47 = arith.constant 0 : i32
    %dma_start3A_48 = tpu.memref_slice %arg7[%dma_start3A_46, %dma_start3A_47] : memref<125x80xi32, #tpu.memory_space<vmem>> -> memref<1x80xi32, #tpu.memory_space<vmem>>
    %dma_start3A_49 = tpu.memref_squeeze %dma_start3A_48 : memref<1x80xi32, #tpu.memory_space<vmem>> -> memref<80xi32, #tpu.memory_space<vmem>>
    %dma_start3A_50 = arith.constant 0 : i32
    %dma_start3A_51 = arith.constant 0 : i32
    %dma_start3A_52 = tpu.memref_slice %arg2[%dma_start3A_50, %dma_start3A_51] : memref<10000x128xf32, #tpu.memory_space<hbm>> -> memref<10000x128xf32, #tpu.memory_space<hbm>>
    tpu.enqueue_indirect_dma source(%dma_start3A_52 : memref<10000x128xf32, #tpu.memory_space<hbm>>) target(%arg10 : memref<80x128xf32, #tpu.memory_space<vmem>>) offsets(%dma_start3A_49 : memref<80xi32, #tpu.memory_space<vmem>>) semaphore(%arg14 : memref<!tpu.dma_semaphore, #tpu.memory_space<semaphore_mem>>)
    %dma_start3A_53 = arith.constant 2 : i32
    %dma_start3A_54 = arith.constant 0 : i32
    %dma_start3A_55 = tpu.memref_slice %arg7[%dma_start3A_53, %dma_start3A_54] : memref<125x80xi32, #tpu.memory_space<vmem>> -> memref<1x80xi32, #tpu.memory_space<vmem>>
    %dma_start3A_56 = tpu.memref_squeeze %dma_start3A_55 : memref<1x80xi32, #tpu.memory_space<vmem>> -> memref<80xi32, #tpu.memory_space<vmem>>
    %dma_start3A_57 = arith.constant 0 : i32
    %dma_start3A_58 = arith.constant 0 : i32
    %dma_start3A_59 = tpu.memref_slice %arg2[%dma_start3A_57, %dma_start3A_58] : memref<10000x128xf32, #tpu.memory_space<hbm>> -> memref<10000x128xf32, #tpu.memory_space<hbm>>
    tpu.enqueue_indirect_dma source(%dma_start3A_59 : memref<10000x128xf32, #tpu.memory_space<hbm>>) target(%arg11 : memref<80x128xf32, #tpu.memory_space<vmem>>) offsets(%dma_start3A_56 : memref<80xi32, #tpu.memory_space<vmem>>) semaphore(%arg15 : memref<!tpu.dma_semaphore, #tpu.memory_space<semaphore_mem>>)
    %scan3A_60 = arith.constant 0 : i32
    %scan3A_61 = arith.constant 41 : i32
    %scan3A_62 = arith.addi %scan3A_60, %scan3A_61 : i32
    %scan3A_63 = arith.constant 1 : i32
    scf.for %scan3A_90 = %scan3A_60 to %scan3A_62 step %scan3A_63  : i32 {
      %mul3A_91 = arith.constant 1 : i32
      %mul3A_92 = arith.muli %scan3A_90, %mul3A_91 : i32
      %add3A_93 = arith.constant 0 : i32
      %add3A_94 = arith.addi %add3A_93, %mul3A_92 : i32
      %mul3A_95 = arith.constant 3 : i32
      %mul3A_96 = arith.muli %mul3A_95, %add3A_94 : i32
      %add3A_97 = arith.constant 0 : i32
      %add3A_98 = arith.addi %mul3A_96, %add3A_97 : i32
      %dma_wait3A_99 = arith.constant 0 : i32
      %dma_wait3A_100 = arith.constant 0 : i32
      %dma_wait3A_101 = tpu.memref_slice %arg7[%dma_wait3A_99, %dma_wait3A_100] : memref<125x80xi32, #tpu.memory_space<vmem>> -> memref<1x80xi32, #tpu.memory_space<vmem>>
      %dma_wait3A_102 = tpu.memref_squeeze %dma_wait3A_101 : memref<1x80xi32, #tpu.memory_space<vmem>> -> memref<80xi32, #tpu.memory_space<vmem>>
      %dma_wait3A_103 = arith.constant 0 : i32
      %dma_wait3A_104 = arith.constant 0 : i32
      %dma_wait3A_105 = tpu.memref_slice %arg2[%dma_wait3A_103, %dma_wait3A_104] : memref<10000x128xf32, #tpu.memory_space<hbm>> -> memref<10000x128xf32, #tpu.memory_space<hbm>>
      tpu.wait_indirect_dma semaphore(%arg13 : memref<!tpu.dma_semaphore, #tpu.memory_space<semaphore_mem>>) src(%dma_wait3A_105 : memref<10000x128xf32, #tpu.memory_space<hbm>>) dst(%arg9 : memref<80x128xf32, #tpu.memory_space<vmem>>)
      "tpu.region"() ({
        %run_scoped3A_148 = tpu.sem_alloc : memref<!tpu.dma_semaphore, #tpu.memory_space<semaphore_mem>>
        %dma_start3A_149 = arith.constant 0 : i32
        %dma_start3A_150 = tpu.memref_slice %arg8[%add3A_98, %dma_start3A_149] : memref<125x80xi32, #tpu.memory_space<vmem>> -> memref<1x80xi32, #tpu.memory_space<vmem>>
        %dma_start3A_151 = tpu.memref_squeeze %dma_start3A_150 : memref<1x80xi32, #tpu.memory_space<vmem>> -> memref<80xi32, #tpu.memory_space<vmem>>
        %dma_start3A_152 = arith.constant 0 : i32
        %dma_start3A_153 = arith.constant 0 : i32
        %dma_start3A_154 = tpu.memref_slice %arg12[%dma_start3A_152, %dma_start3A_153] : memref<10016x128xf32, #tpu.memory_space<vmem_shared>> -> memref<10016x128xf32, #tpu.memory_space<vmem_shared>>
        tpu.enqueue_indirect_dma source(%arg9 : memref<80x128xf32, #tpu.memory_space<vmem>>) target(%dma_start3A_154 : memref<10016x128xf32, #tpu.memory_space<vmem_shared>>) offsets(%dma_start3A_151 : memref<80xi32, #tpu.memory_space<vmem>>) semaphore(%run_scoped3A_148 : memref<!tpu.dma_semaphore, #tpu.memory_space<semaphore_mem>>) {add = true}
        %dma_wait3A_155 = arith.constant 0 : i32
        %dma_wait3A_156 = tpu.memref_slice %arg8[%add3A_98, %dma_wait3A_155] : memref<125x80xi32, #tpu.memory_space<vmem>> -> memref<1x80xi32, #tpu.memory_space<vmem>>
        %dma_wait3A_157 = tpu.memref_squeeze %dma_wait3A_156 : memref<1x80xi32, #tpu.memory_space<vmem>> -> memref<80xi32, #tpu.memory_space<vmem>>
        %dma_wait3A_158 = arith.constant 0 : i32
        %dma_wait3A_159 = arith.constant 0 : i32
        %dma_wait3A_160 = tpu.memref_slice %arg12[%dma_wait3A_158, %dma_wait3A_159] : memref<10016x128xf32, #tpu.memory_space<vmem_shared>> -> memref<10016x128xf32, #tpu.memory_space<vmem_shared>>
        tpu.wait_indirect_dma semaphore(%run_scoped3A_148 : memref<!tpu.dma_semaphore, #tpu.memory_space<semaphore_mem>>) src(%arg9 : memref<80x128xf32, #tpu.memory_space<vmem>>) dst(%dma_wait3A_160 : memref<10016x128xf32, #tpu.memory_space<vmem_shared>>)
        tpu.yield
      }) : () -> ()
      %add3A_106 = arith.constant 3 : i32
      %add3A_107 = arith.addi %add3A_98, %add3A_106 : i32
      %lt3A = arith.constant 125 : i32
      %lt3A_108 = arith.cmpi slt, %add3A_107, %lt3A : i32
      %convert_element_type3A_109 = arith.extui %lt3A_108 : i1 to i32
      %cond3A_110 = arith.constant 0 : i32
      %cond3A_111 = arith.cmpi ne, %convert_element_type3A_109, %cond3A_110 : i32
      scf.if %cond3A_111 {
        %add3A_148 = arith.constant 3 : i32
        %add3A_149 = arith.addi %add3A_98, %add3A_148 : i32
        %dma_start3A_150 = arith.constant 0 : i32
        %dma_start3A_151 = tpu.memref_slice %arg7[%add3A_149, %dma_start3A_150] : memref<125x80xi32, #tpu.memory_space<vmem>> -> memref<1x80xi32, #tpu.memory_space<vmem>>
        %dma_start3A_152 = tpu.memref_squeeze %dma_start3A_151 : memref<1x80xi32, #tpu.memory_space<vmem>> -> memref<80xi32, #tpu.memory_space<vmem>>
        %dma_start3A_153 = arith.constant 0 : i32
        %dma_start3A_154 = arith.constant 0 : i32
        %dma_start3A_155 = tpu.memref_slice %arg2[%dma_start3A_153, %dma_start3A_154] : memref<10000x128xf32, #tpu.memory_space<hbm>> -> memref<10000x128xf32, #tpu.memory_space<hbm>>
        tpu.enqueue_indirect_dma source(%dma_start3A_155 : memref<10000x128xf32, #tpu.memory_space<hbm>>) target(%arg9 : memref<80x128xf32, #tpu.memory_space<vmem>>) offsets(%dma_start3A_152 : memref<80xi32, #tpu.memory_space<vmem>>) semaphore(%arg13 : memref<!tpu.dma_semaphore, #tpu.memory_space<semaphore_mem>>)
      } else {
      }
      %mul3A_112 = arith.constant 3 : i32
      %mul3A_113 = arith.muli %mul3A_112, %add3A_94 : i32
      %add3A_114 = arith.constant 1 : i32
      %add3A_115 = arith.addi %mul3A_113, %add3A_114 : i32
      %dma_wait3A_116 = arith.constant 0 : i32
      %dma_wait3A_117 = arith.constant 0 : i32
      %dma_wait3A_118 = tpu.memref_slice %arg7[%dma_wait3A_116, %dma_wait3A_117] : memref<125x80xi32, #tpu.memory_space<vmem>> -> memref<1x80xi32, #tpu.memory_space<vmem>>
      %dma_wait3A_119 = tpu.memref_squeeze %dma_wait3A_118 : memref<1x80xi32, #tpu.memory_space<vmem>> -> memref<80xi32, #tpu.memory_space<vmem>>
      %dma_wait3A_120 = arith.constant 0 : i32
      %dma_wait3A_121 = arith.constant 0 : i32
      %dma_wait3A_122 = tpu.memref_slice %arg2[%dma_wait3A_120, %dma_wait3A_121] : memref<10000x128xf32, #tpu.memory_space<hbm>> -> memref<10000x128xf32, #tpu.memory_space<hbm>>
      tpu.wait_indirect_dma semaphore(%arg14 : memref<!tpu.dma_semaphore, #tpu.memory_space<semaphore_mem>>) src(%dma_wait3A_122 : memref<10000x128xf32, #tpu.memory_space<hbm>>) dst(%arg9 : memref<80x128xf32, #tpu.memory_space<vmem>>)
      "tpu.region"() ({
        %run_scoped3A_148 = tpu.sem_alloc : memref<!tpu.dma_semaphore, #tpu.memory_space<semaphore_mem>>
        %dma_start3A_149 = arith.constant 0 : i32
        %dma_start3A_150 = tpu.memref_slice %arg8[%add3A_115, %dma_start3A_149] : memref<125x80xi32, #tpu.memory_space<vmem>> -> memref<1x80xi32, #tpu.memory_space<vmem>>
        %dma_start3A_151 = tpu.memref_squeeze %dma_start3A_150 : memref<1x80xi32, #tpu.memory_space<vmem>> -> memref<80xi32, #tpu.memory_space<vmem>>
        %dma_start3A_152 = arith.constant 0 : i32
        %dma_start3A_153 = arith.constant 0 : i32
        %dma_start3A_154 = tpu.memref_slice %arg12[%dma_start3A_152, %dma_start3A_153] : memref<10016x128xf32, #tpu.memory_space<vmem_shared>> -> memref<10016x128xf32, #tpu.memory_space<vmem_shared>>
        tpu.enqueue_indirect_dma source(%arg10 : memref<80x128xf32, #tpu.memory_space<vmem>>) target(%dma_start3A_154 : memref<10016x128xf32, #tpu.memory_space<vmem_shared>>) offsets(%dma_start3A_151 : memref<80xi32, #tpu.memory_space<vmem>>) semaphore(%run_scoped3A_148 : memref<!tpu.dma_semaphore, #tpu.memory_space<semaphore_mem>>) {add = true}
        %dma_wait3A_155 = arith.constant 0 : i32
        %dma_wait3A_156 = tpu.memref_slice %arg8[%add3A_115, %dma_wait3A_155] : memref<125x80xi32, #tpu.memory_space<vmem>> -> memref<1x80xi32, #tpu.memory_space<vmem>>
        %dma_wait3A_157 = tpu.memref_squeeze %dma_wait3A_156 : memref<1x80xi32, #tpu.memory_space<vmem>> -> memref<80xi32, #tpu.memory_space<vmem>>
        %dma_wait3A_158 = arith.constant 0 : i32
        %dma_wait3A_159 = arith.constant 0 : i32
        %dma_wait3A_160 = tpu.memref_slice %arg12[%dma_wait3A_158, %dma_wait3A_159] : memref<10016x128xf32, #tpu.memory_space<vmem_shared>> -> memref<10016x128xf32, #tpu.memory_space<vmem_shared>>
        tpu.wait_indirect_dma semaphore(%run_scoped3A_148 : memref<!tpu.dma_semaphore, #tpu.memory_space<semaphore_mem>>) src(%arg10 : memref<80x128xf32, #tpu.memory_space<vmem>>) dst(%dma_wait3A_160 : memref<10016x128xf32, #tpu.memory_space<vmem_shared>>)
        tpu.yield
      }) : () -> ()
      %add3A_123 = arith.constant 3 : i32
      %add3A_124 = arith.addi %add3A_115, %add3A_123 : i32
      %lt3A_125 = arith.constant 125 : i32
      %lt3A_126 = arith.cmpi slt, %add3A_124, %lt3A_125 : i32
      %convert_element_type3A_127 = arith.extui %lt3A_126 : i1 to i32
      %cond3A_128 = arith.constant 0 : i32
      %cond3A_129 = arith.cmpi ne, %convert_element_type3A_127, %cond3A_128 : i32
      scf.if %cond3A_129 {
        %add3A_148 = arith.constant 3 : i32
        %add3A_149 = arith.addi %add3A_115, %add3A_148 : i32
        %dma_start3A_150 = arith.constant 0 : i32
        %dma_start3A_151 = tpu.memref_slice %arg7[%add3A_149, %dma_start3A_150] : memref<125x80xi32, #tpu.memory_space<vmem>> -> memref<1x80xi32, #tpu.memory_space<vmem>>
        %dma_start3A_152 = tpu.memref_squeeze %dma_start3A_151 : memref<1x80xi32, #tpu.memory_space<vmem>> -> memref<80xi32, #tpu.memory_space<vmem>>
        %dma_start3A_153 = arith.constant 0 : i32
        %dma_start3A_154 = arith.constant 0 : i32
        %dma_start3A_155 = tpu.memref_slice %arg2[%dma_start3A_153, %dma_start3A_154] : memref<10000x128xf32, #tpu.memory_space<hbm>> -> memref<10000x128xf32, #tpu.memory_space<hbm>>
        tpu.enqueue_indirect_dma source(%dma_start3A_155 : memref<10000x128xf32, #tpu.memory_space<hbm>>) target(%arg10 : memref<80x128xf32, #tpu.memory_space<vmem>>) offsets(%dma_start3A_152 : memref<80xi32, #tpu.memory_space<vmem>>) semaphore(%arg14 : memref<!tpu.dma_semaphore, #tpu.memory_space<semaphore_mem>>)
      } else {
      }
      %mul3A_130 = arith.constant 3 : i32
      %mul3A_131 = arith.muli %mul3A_130, %add3A_94 : i32
      %add3A_132 = arith.constant 2 : i32
      %add3A_133 = arith.addi %mul3A_131, %add3A_132 : i32
      %dma_wait3A_134 = arith.constant 0 : i32
      %dma_wait3A_135 = arith.constant 0 : i32
      %dma_wait3A_136 = tpu.memref_slice %arg7[%dma_wait3A_134, %dma_wait3A_135] : memref<125x80xi32, #tpu.memory_space<vmem>> -> memref<1x80xi32, #tpu.memory_space<vmem>>
      %dma_wait3A_137 = tpu.memref_squeeze %dma_wait3A_136 : memref<1x80xi32, #tpu.memory_space<vmem>> -> memref<80xi32, #tpu.memory_space<vmem>>
      %dma_wait3A_138 = arith.constant 0 : i32
      %dma_wait3A_139 = arith.constant 0 : i32
      %dma_wait3A_140 = tpu.memref_slice %arg2[%dma_wait3A_138, %dma_wait3A_139] : memref<10000x128xf32, #tpu.memory_space<hbm>> -> memref<10000x128xf32, #tpu.memory_space<hbm>>
      tpu.wait_indirect_dma semaphore(%arg15 : memref<!tpu.dma_semaphore, #tpu.memory_space<semaphore_mem>>) src(%dma_wait3A_140 : memref<10000x128xf32, #tpu.memory_space<hbm>>) dst(%arg9 : memref<80x128xf32, #tpu.memory_space<vmem>>)
      "tpu.region"() ({
        %run_scoped3A_148 = tpu.sem_alloc : memref<!tpu.dma_semaphore, #tpu.memory_space<semaphore_mem>>
        %dma_start3A_149 = arith.constant 0 : i32
        %dma_start3A_150 = tpu.memref_slice %arg8[%add3A_133, %dma_start3A_149] : memref<125x80xi32, #tpu.memory_space<vmem>> -> memref<1x80xi32, #tpu.memory_space<vmem>>
        %dma_start3A_151 = tpu.memref_squeeze %dma_start3A_150 : memref<1x80xi32, #tpu.memory_space<vmem>> -> memref<80xi32, #tpu.memory_space<vmem>>
        %dma_start3A_152 = arith.constant 0 : i32
        %dma_start3A_153 = arith.constant 0 : i32
        %dma_start3A_154 = tpu.memref_slice %arg12[%dma_start3A_152, %dma_start3A_153] : memref<10016x128xf32, #tpu.memory_space<vmem_shared>> -> memref<10016x128xf32, #tpu.memory_space<vmem_shared>>
        tpu.enqueue_indirect_dma source(%arg11 : memref<80x128xf32, #tpu.memory_space<vmem>>) target(%dma_start3A_154 : memref<10016x128xf32, #tpu.memory_space<vmem_shared>>) offsets(%dma_start3A_151 : memref<80xi32, #tpu.memory_space<vmem>>) semaphore(%run_scoped3A_148 : memref<!tpu.dma_semaphore, #tpu.memory_space<semaphore_mem>>) {add = true}
        %dma_wait3A_155 = arith.constant 0 : i32
        %dma_wait3A_156 = tpu.memref_slice %arg8[%add3A_133, %dma_wait3A_155] : memref<125x80xi32, #tpu.memory_space<vmem>> -> memref<1x80xi32, #tpu.memory_space<vmem>>
        %dma_wait3A_157 = tpu.memref_squeeze %dma_wait3A_156 : memref<1x80xi32, #tpu.memory_space<vmem>> -> memref<80xi32, #tpu.memory_space<vmem>>
        %dma_wait3A_158 = arith.constant 0 : i32
        %dma_wait3A_159 = arith.constant 0 : i32
        %dma_wait3A_160 = tpu.memref_slice %arg12[%dma_wait3A_158, %dma_wait3A_159] : memref<10016x128xf32, #tpu.memory_space<vmem_shared>> -> memref<10016x128xf32, #tpu.memory_space<vmem_shared>>
        tpu.wait_indirect_dma semaphore(%run_scoped3A_148 : memref<!tpu.dma_semaphore, #tpu.memory_space<semaphore_mem>>) src(%arg11 : memref<80x128xf32, #tpu.memory_space<vmem>>) dst(%dma_wait3A_160 : memref<10016x128xf32, #tpu.memory_space<vmem_shared>>)
        tpu.yield
      }) : () -> ()
      %add3A_141 = arith.constant 3 : i32
      %add3A_142 = arith.addi %add3A_133, %add3A_141 : i32
      %lt3A_143 = arith.constant 125 : i32
      %lt3A_144 = arith.cmpi slt, %add3A_142, %lt3A_143 : i32
      %convert_element_type3A_145 = arith.extui %lt3A_144 : i1 to i32
      %cond3A_146 = arith.constant 0 : i32
      %cond3A_147 = arith.cmpi ne, %convert_element_type3A_145, %cond3A_146 : i32
      scf.if %cond3A_147 {
        %add3A_148 = arith.constant 3 : i32
        %add3A_149 = arith.addi %add3A_133, %add3A_148 : i32
        %dma_start3A_150 = arith.constant 0 : i32
        %dma_start3A_151 = tpu.memref_slice %arg7[%add3A_149, %dma_start3A_150] : memref<125x80xi32, #tpu.memory_space<vmem>> -> memref<1x80xi32, #tpu.memory_space<vmem>>
        %dma_start3A_152 = tpu.memref_squeeze %dma_start3A_151 : memref<1x80xi32, #tpu.memory_space<vmem>> -> memref<80xi32, #tpu.memory_space<vmem>>
        %dma_start3A_153 = arith.constant 0 : i32
        %dma_start3A_154 = arith.constant 0 : i32
        %dma_start3A_155 = tpu.memref_slice %arg2[%dma_start3A_153, %dma_start3A_154] : memref<10000x128xf32, #tpu.memory_space<hbm>> -> memref<10000x128xf32, #tpu.memory_space<hbm>>
        tpu.enqueue_indirect_dma source(%dma_start3A_155 : memref<10000x128xf32, #tpu.memory_space<hbm>>) target(%arg11 : memref<80x128xf32, #tpu.memory_space<vmem>>) offsets(%dma_start3A_152 : memref<80xi32, #tpu.memory_space<vmem>>) semaphore(%arg15 : memref<!tpu.dma_semaphore, #tpu.memory_space<semaphore_mem>>)
      } else {
      }
    }
    %scan3A_64 = arith.constant 41 : i32
    %dma_wait3A = arith.constant 0 : i32
    %dma_wait3A_65 = arith.constant 0 : i32
    %dma_wait3A_66 = tpu.memref_slice %arg7[%dma_wait3A, %dma_wait3A_65] : memref<125x80xi32, #tpu.memory_space<vmem>> -> memref<1x80xi32, #tpu.memory_space<vmem>>
    %dma_wait3A_67 = tpu.memref_squeeze %dma_wait3A_66 : memref<1x80xi32, #tpu.memory_space<vmem>> -> memref<80xi32, #tpu.memory_space<vmem>>
    %dma_wait3A_68 = arith.constant 0 : i32
    %dma_wait3A_69 = arith.constant 0 : i32
    %dma_wait3A_70 = tpu.memref_slice %arg2[%dma_wait3A_68, %dma_wait3A_69] : memref<10000x128xf32, #tpu.memory_space<hbm>> -> memref<10000x128xf32, #tpu.memory_space<hbm>>
    tpu.wait_indirect_dma semaphore(%arg13 : memref<!tpu.dma_semaphore, #tpu.memory_space<semaphore_mem>>) src(%dma_wait3A_70 : memref<10000x128xf32, #tpu.memory_space<hbm>>) dst(%arg9 : memref<80x128xf32, #tpu.memory_space<vmem>>)
    %run_scoped3A = arith.constant 123 : i32
    "tpu.region"() ({
      %run_scoped3A_90 = tpu.sem_alloc : memref<!tpu.dma_semaphore, #tpu.memory_space<semaphore_mem>>
      %dma_start3A_91 = arith.constant 0 : i32
      %dma_start3A_92 = tpu.memref_slice %arg8[%run_scoped3A, %dma_start3A_91] : memref<125x80xi32, #tpu.memory_space<vmem>> -> memref<1x80xi32, #tpu.memory_space<vmem>>
      %dma_start3A_93 = tpu.memref_squeeze %dma_start3A_92 : memref<1x80xi32, #tpu.memory_space<vmem>> -> memref<80xi32, #tpu.memory_space<vmem>>
      %dma_start3A_94 = arith.constant 0 : i32
      %dma_start3A_95 = arith.constant 0 : i32
      %dma_start3A_96 = tpu.memref_slice %arg12[%dma_start3A_94, %dma_start3A_95] : memref<10016x128xf32, #tpu.memory_space<vmem_shared>> -> memref<10016x128xf32, #tpu.memory_space<vmem_shared>>
      tpu.enqueue_indirect_dma source(%arg9 : memref<80x128xf32, #tpu.memory_space<vmem>>) target(%dma_start3A_96 : memref<10016x128xf32, #tpu.memory_space<vmem_shared>>) offsets(%dma_start3A_93 : memref<80xi32, #tpu.memory_space<vmem>>) semaphore(%run_scoped3A_90 : memref<!tpu.dma_semaphore, #tpu.memory_space<semaphore_mem>>) {add = true}
      %dma_wait3A_97 = arith.constant 0 : i32
      %dma_wait3A_98 = tpu.memref_slice %arg8[%run_scoped3A, %dma_wait3A_97] : memref<125x80xi32, #tpu.memory_space<vmem>> -> memref<1x80xi32, #tpu.memory_space<vmem>>
      %dma_wait3A_99 = tpu.memref_squeeze %dma_wait3A_98 : memref<1x80xi32, #tpu.memory_space<vmem>> -> memref<80xi32, #tpu.memory_space<vmem>>
      %dma_wait3A_100 = arith.constant 0 : i32
      %dma_wait3A_101 = arith.constant 0 : i32
      %dma_wait3A_102 = tpu.memref_slice %arg12[%dma_wait3A_100, %dma_wait3A_101] : memref<10016x128xf32, #tpu.memory_space<vmem_shared>> -> memref<10016x128xf32, #tpu.memory_space<vmem_shared>>
      tpu.wait_indirect_dma semaphore(%run_scoped3A_90 : memref<!tpu.dma_semaphore, #tpu.memory_space<semaphore_mem>>) src(%arg9 : memref<80x128xf32, #tpu.memory_space<vmem>>) dst(%dma_wait3A_102 : memref<10016x128xf32, #tpu.memory_space<vmem_shared>>)
      tpu.yield
    }) : () -> ()
    %dma_wait3A_71 = arith.constant 0 : i32
    %dma_wait3A_72 = arith.constant 0 : i32
    %dma_wait3A_73 = tpu.memref_slice %arg7[%dma_wait3A_71, %dma_wait3A_72] : memref<125x80xi32, #tpu.memory_space<vmem>> -> memref<1x80xi32, #tpu.memory_space<vmem>>
    %dma_wait3A_74 = tpu.memref_squeeze %dma_wait3A_73 : memref<1x80xi32, #tpu.memory_space<vmem>> -> memref<80xi32, #tpu.memory_space<vmem>>
    %dma_wait3A_75 = arith.constant 0 : i32
    %dma_wait3A_76 = arith.constant 0 : i32
    %dma_wait3A_77 = tpu.memref_slice %arg2[%dma_wait3A_75, %dma_wait3A_76] : memref<10000x128xf32, #tpu.memory_space<hbm>> -> memref<10000x128xf32, #tpu.memory_space<hbm>>
    tpu.wait_indirect_dma semaphore(%arg14 : memref<!tpu.dma_semaphore, #tpu.memory_space<semaphore_mem>>) src(%dma_wait3A_77 : memref<10000x128xf32, #tpu.memory_space<hbm>>) dst(%arg9 : memref<80x128xf32, #tpu.memory_space<vmem>>)
    %run_scoped3A_78 = arith.constant 124 : i32
    "tpu.region"() ({
      %run_scoped3A_90 = tpu.sem_alloc : memref<!tpu.dma_semaphore, #tpu.memory_space<semaphore_mem>>
      %dma_start3A_91 = arith.constant 0 : i32
      %dma_start3A_92 = tpu.memref_slice %arg8[%run_scoped3A_78, %dma_start3A_91] : memref<125x80xi32, #tpu.memory_space<vmem>> -> memref<1x80xi32, #tpu.memory_space<vmem>>
      %dma_start3A_93 = tpu.memref_squeeze %dma_start3A_92 : memref<1x80xi32, #tpu.memory_space<vmem>> -> memref<80xi32, #tpu.memory_space<vmem>>
      %dma_start3A_94 = arith.constant 0 : i32
      %dma_start3A_95 = arith.constant 0 : i32
      %dma_start3A_96 = tpu.memref_slice %arg12[%dma_start3A_94, %dma_start3A_95] : memref<10016x128xf32, #tpu.memory_space<vmem_shared>> -> memref<10016x128xf32, #tpu.memory_space<vmem_shared>>
      tpu.enqueue_indirect_dma source(%arg10 : memref<80x128xf32, #tpu.memory_space<vmem>>) target(%dma_start3A_96 : memref<10016x128xf32, #tpu.memory_space<vmem_shared>>) offsets(%dma_start3A_93 : memref<80xi32, #tpu.memory_space<vmem>>) semaphore(%run_scoped3A_90 : memref<!tpu.dma_semaphore, #tpu.memory_space<semaphore_mem>>) {add = true}
      %dma_wait3A_97 = arith.constant 0 : i32
      %dma_wait3A_98 = tpu.memref_slice %arg8[%run_scoped3A_78, %dma_wait3A_97] : memref<125x80xi32, #tpu.memory_space<vmem>> -> memref<1x80xi32, #tpu.memory_space<vmem>>
      %dma_wait3A_99 = tpu.memref_squeeze %dma_wait3A_98 : memref<1x80xi32, #tpu.memory_space<vmem>> -> memref<80xi32, #tpu.memory_space<vmem>>
      %dma_wait3A_100 = arith.constant 0 : i32
      %dma_wait3A_101 = arith.constant 0 : i32
      %dma_wait3A_102 = tpu.memref_slice %arg12[%dma_wait3A_100, %dma_wait3A_101] : memref<10016x128xf32, #tpu.memory_space<vmem_shared>> -> memref<10016x128xf32, #tpu.memory_space<vmem_shared>>
      tpu.wait_indirect_dma semaphore(%run_scoped3A_90 : memref<!tpu.dma_semaphore, #tpu.memory_space<semaphore_mem>>) src(%arg10 : memref<80x128xf32, #tpu.memory_space<vmem>>) dst(%dma_wait3A_102 : memref<10016x128xf32, #tpu.memory_space<vmem_shared>>)
      tpu.yield
    }) : () -> ()
    %barrier3A_79 = arith.constant 0 : index
    tpu.barrier barrier_id(%barrier3A_79)
    %eq3A_80 = arith.constant 0 : i32
    %eq3A_81 = arith.cmpi eq, %arg0, %eq3A_80 : i32
    %convert_element_type3A_82 = arith.extui %eq3A_81 : i1 to i32
    %cond3A_83 = arith.constant 0 : i32
    %cond3A_84 = arith.cmpi ne, %convert_element_type3A_82, %cond3A_83 : i32
    scf.if %cond3A_84 {
      %mul3A_90 = arith.constant 624 : i32
      %mul3A_91 = arith.muli %arg1, %mul3A_90 : i32
      %mul3A_92 = arith.constant 624 : i32
      %mul3A_93 = arith.muli %arg1, %mul3A_92 : i32
      "tpu.region"() ({
        %run_scoped3A_99 = tpu.sem_alloc : memref<!tpu.dma_semaphore, #tpu.memory_space<semaphore_mem>>
        %dma_start3A_100 = arith.constant 0 : i32
        %dma_start3A_101 = tpu.memref_slice %arg5[%mul3A_93, %dma_start3A_100] : memref<10000x128xf32, #tpu.memory_space<hbm>> -> memref<624x128xf32, #tpu.memory_space<hbm>>
        %dma_start3A_102 = arith.constant 0 : i32
        %dma_start3A_103 = tpu.memref_slice %arg12[%mul3A_91, %dma_start3A_102] : memref<10016x128xf32, #tpu.memory_space<vmem_shared>> -> memref<624x128xf32, #tpu.memory_space<vmem_shared>>
        tpu.enqueue_dma source(%dma_start3A_103 : memref<624x128xf32, #tpu.memory_space<vmem_shared>>) target(%dma_start3A_101 : memref<624x128xf32, #tpu.memory_space<hbm>>) target_semaphore(%run_scoped3A_99 : memref<!tpu.dma_semaphore, #tpu.memory_space<semaphore_mem>>)
        %dma_wait3A_104 = arith.constant 0 : i32
        %dma_wait3A_105 = tpu.memref_slice %arg5[%mul3A_93, %dma_wait3A_104] : memref<10000x128xf32, #tpu.memory_space<hbm>> -> memref<624x128xf32, #tpu.memory_space<hbm>>
        %dma_wait3A_106 = arith.constant 0 : i32
        %dma_wait3A_107 = tpu.memref_slice %arg12[%mul3A_91, %dma_wait3A_106] : memref<10016x128xf32, #tpu.memory_space<vmem_shared>> -> memref<624x128xf32, #tpu.memory_space<vmem_shared>>
        tpu.wait_dma2 semaphore(%run_scoped3A_99 : memref<!tpu.dma_semaphore, #tpu.memory_space<semaphore_mem>>) src(%dma_wait3A_107 : memref<624x128xf32, #tpu.memory_space<vmem_shared>>) dst(%dma_wait3A_105 : memref<624x128xf32, #tpu.memory_space<hbm>>)
        tpu.yield
      }) : () -> ()
      %eq3A_94 = arith.constant 15 : i32
      %eq3A_95 = arith.cmpi eq, %arg1, %eq3A_94 : i32
      %convert_element_type3A_96 = arith.extui %eq3A_95 : i1 to i32
      %cond3A_97 = arith.constant 0 : i32
      %cond3A_98 = arith.cmpi ne, %convert_element_type3A_96, %cond3A_97 : i32
      scf.if %cond3A_98 {
        "tpu.region"() ({
          %run_scoped3A_99 = tpu.sem_alloc : memref<!tpu.dma_semaphore, #tpu.memory_space<semaphore_mem>>
          %dma_start3A_100 = arith.constant 9984 : i32
          %dma_start3A_101 = arith.constant 0 : i32
          %dma_start3A_102 = tpu.memref_slice %arg5[%dma_start3A_100, %dma_start3A_101] : memref<10000x128xf32, #tpu.memory_space<hbm>> -> memref<16x128xf32, #tpu.memory_space<hbm>>
          %dma_start3A_103 = arith.constant 9984 : i32
          %dma_start3A_104 = arith.constant 0 : i32
          %dma_start3A_105 = tpu.memref_slice %arg12[%dma_start3A_103, %dma_start3A_104] : memref<10016x128xf32, #tpu.memory_space<vmem_shared>> -> memref<16x128xf32, #tpu.memory_space<vmem_shared>>
          tpu.enqueue_dma source(%dma_start3A_105 : memref<16x128xf32, #tpu.memory_space<vmem_shared>>) target(%dma_start3A_102 : memref<16x128xf32, #tpu.memory_space<hbm>>) target_semaphore(%run_scoped3A_99 : memref<!tpu.dma_semaphore, #tpu.memory_space<semaphore_mem>>)
          %dma_wait3A_106 = arith.constant 9984 : i32
          %dma_wait3A_107 = arith.constant 0 : i32
          %dma_wait3A_108 = tpu.memref_slice %arg5[%dma_wait3A_106, %dma_wait3A_107] : memref<10000x128xf32, #tpu.memory_space<hbm>> -> memref<16x128xf32, #tpu.memory_space<hbm>>
          %dma_wait3A_109 = arith.constant 9984 : i32
          %dma_wait3A_110 = arith.constant 0 : i32
          %dma_wait3A_111 = tpu.memref_slice %arg12[%dma_wait3A_109, %dma_wait3A_110] : memref<10016x128xf32, #tpu.memory_space<vmem_shared>> -> memref<16x128xf32, #tpu.memory_space<vmem_shared>>
          tpu.wait_dma2 semaphore(%run_scoped3A_99 : memref<!tpu.dma_semaphore, #tpu.memory_space<semaphore_mem>>) src(%dma_wait3A_111 : memref<16x128xf32, #tpu.memory_space<vmem_shared>>) dst(%dma_wait3A_108 : memref<16x128xf32, #tpu.memory_space<hbm>>)
          tpu.yield
        }) : () -> ()
      } else {
      }
    } else {
    }
    %eq3A_85 = arith.constant 1 : i32
    %eq3A_86 = arith.cmpi eq, %arg0, %eq3A_85 : i32
    %convert_element_type3A_87 = arith.extui %eq3A_86 : i1 to i32
    %cond3A_88 = arith.constant 0 : i32
    %cond3A_89 = arith.cmpi ne, %convert_element_type3A_87, %cond3A_88 : i32
    scf.if %cond3A_89 {
      %mul3A_90 = arith.constant 624 : i32
      %mul3A_91 = arith.muli %arg1, %mul3A_90 : i32
      %mul3A_92 = arith.constant 624 : i32
      %mul3A_93 = arith.muli %arg1, %mul3A_92 : i32
      "tpu.region"() ({
        %run_scoped3A_99 = tpu.sem_alloc : memref<!tpu.dma_semaphore, #tpu.memory_space<semaphore_mem>>
        %dma_start3A_100 = arith.constant 0 : i32
        %dma_start3A_101 = tpu.memref_slice %arg6[%mul3A_93, %dma_start3A_100] : memref<10000x128xf32, #tpu.memory_space<hbm>> -> memref<624x128xf32, #tpu.memory_space<hbm>>
        %dma_start3A_102 = arith.constant 0 : i32
        %dma_start3A_103 = tpu.memref_slice %arg12[%mul3A_91, %dma_start3A_102] : memref<10016x128xf32, #tpu.memory_space<vmem_shared>> -> memref<624x128xf32, #tpu.memory_space<vmem_shared>>
        tpu.enqueue_dma source(%dma_start3A_103 : memref<624x128xf32, #tpu.memory_space<vmem_shared>>) target(%dma_start3A_101 : memref<624x128xf32, #tpu.memory_space<hbm>>) target_semaphore(%run_scoped3A_99 : memref<!tpu.dma_semaphore, #tpu.memory_space<semaphore_mem>>)
        %dma_wait3A_104 = arith.constant 0 : i32
        %dma_wait3A_105 = tpu.memref_slice %arg6[%mul3A_93, %dma_wait3A_104] : memref<10000x128xf32, #tpu.memory_space<hbm>> -> memref<624x128xf32, #tpu.memory_space<hbm>>
        %dma_wait3A_106 = arith.constant 0 : i32
        %dma_wait3A_107 = tpu.memref_slice %arg12[%mul3A_91, %dma_wait3A_106] : memref<10016x128xf32, #tpu.memory_space<vmem_shared>> -> memref<624x128xf32, #tpu.memory_space<vmem_shared>>
        tpu.wait_dma2 semaphore(%run_scoped3A_99 : memref<!tpu.dma_semaphore, #tpu.memory_space<semaphore_mem>>) src(%dma_wait3A_107 : memref<624x128xf32, #tpu.memory_space<vmem_shared>>) dst(%dma_wait3A_105 : memref<624x128xf32, #tpu.memory_space<hbm>>)
        tpu.yield
      }) : () -> ()
      %eq3A_94 = arith.constant 15 : i32
      %eq3A_95 = arith.cmpi eq, %arg1, %eq3A_94 : i32
      %convert_element_type3A_96 = arith.extui %eq3A_95 : i1 to i32
      %cond3A_97 = arith.constant 0 : i32
      %cond3A_98 = arith.cmpi ne, %convert_element_type3A_96, %cond3A_97 : i32
      scf.if %cond3A_98 {
        "tpu.region"() ({
          %run_scoped3A_99 = tpu.sem_alloc : memref<!tpu.dma_semaphore, #tpu.memory_space<semaphore_mem>>
          %dma_start3A_100 = arith.constant 9984 : i32
          %dma_start3A_101 = arith.constant 0 : i32
          %dma_start3A_102 = tpu.memref_slice %arg6[%dma_start3A_100, %dma_start3A_101] : memref<10000x128xf32, #tpu.memory_space<hbm>> -> memref<16x128xf32, #tpu.memory_space<hbm>>
          %dma_start3A_103 = arith.constant 9984 : i32
          %dma_start3A_104 = arith.constant 0 : i32
          %dma_start3A_105 = tpu.memref_slice %arg12[%dma_start3A_103, %dma_start3A_104] : memref<10016x128xf32, #tpu.memory_space<vmem_shared>> -> memref<16x128xf32, #tpu.memory_space<vmem_shared>>
          tpu.enqueue_dma source(%dma_start3A_105 : memref<16x128xf32, #tpu.memory_space<vmem_shared>>) target(%dma_start3A_102 : memref<16x128xf32, #tpu.memory_space<hbm>>) target_semaphore(%run_scoped3A_99 : memref<!tpu.dma_semaphore, #tpu.memory_space<semaphore_mem>>)
          %dma_wait3A_106 = arith.constant 9984 : i32
          %dma_wait3A_107 = arith.constant 0 : i32
          %dma_wait3A_108 = tpu.memref_slice %arg6[%dma_wait3A_106, %dma_wait3A_107] : memref<10000x128xf32, #tpu.memory_space<hbm>> -> memref<16x128xf32, #tpu.memory_space<hbm>>
          %dma_wait3A_109 = arith.constant 9984 : i32
          %dma_wait3A_110 = arith.constant 0 : i32
          %dma_wait3A_111 = tpu.memref_slice %arg12[%dma_wait3A_109, %dma_wait3A_110] : memref<10016x128xf32, #tpu.memory_space<vmem_shared>> -> memref<16x128xf32, #tpu.memory_space<vmem_shared>>
          tpu.wait_dma2 semaphore(%run_scoped3A_99 : memref<!tpu.dma_semaphore, #tpu.memory_space<semaphore_mem>>) src(%dma_wait3A_111 : memref<16x128xf32, #tpu.memory_space<vmem_shared>>) dst(%dma_wait3A_108 : memref<16x128xf32, #tpu.memory_space<hbm>>)
          tpu.yield
        }) : () -> ()
      } else {
      }
    } else {
    }
    return
  }
}

#map = affine_map<(d0, d1) -> (0, 0)>
#map1 = affine_map<(d0, d1) -> (0, 0, 0)>
module attributes {stable_mosaic.version = 14 : i64} {
  func.func @agg_kernel(%arg0: i32, %arg1: i32, %arg2: memref<10000x128xf32, #tpu.memory_space<hbm>>, %arg3: memref<32x125x80xi32, #tpu.memory_space<hbm>>, %arg4: memref<32x125x80xi32, #tpu.memory_space<hbm>>, %arg5: memref<10000x128xf32, #tpu.memory_space<hbm>>, %arg6: memref<10000x128xf32, #tpu.memory_space<hbm>>, %arg7: memref<125x80xi32, #tpu.memory_space<vmem>>, %arg8: memref<125x80xi32, #tpu.memory_space<vmem>>, %arg9: memref<80x128xf32, #tpu.memory_space<vmem>>, %arg10: memref<80x128xf32, #tpu.memory_space<vmem>>, %arg11: memref<80x128xf32, #tpu.memory_space<vmem>>, %arg12: memref<10016x128xf32, #tpu.memory_space<vmem_shared>>, %arg13: memref<!tpu.dma_semaphore, #tpu.memory_space<semaphore_mem>>, %arg14: memref<!tpu.dma_semaphore, #tpu.memory_space<semaphore_mem>>, %arg15: memref<!tpu.dma_semaphore, #tpu.memory_space<semaphore_mem>>) attributes {dimension_semantics = [#tpu.dimension_semantics<core_parallel>, #tpu.dimension_semantics<subcore_parallel>], iteration_bounds = array<i64: 2, 16>, scalar_prefetch = 0 : i64, scratch_operands = 9 : i64, tpu.core_type = #tpu.core_type<sc_vector_subcore>, window_params = [{transform_indices = #map}, {transform_indices = #map1}, {transform_indices = #map1}, {transform_indices = #map}, {transform_indices = #map}]} {
    %mul3A = arith.constant 16 : i32
    %mul3A_0 = arith.muli %arg0, %mul3A : i32
    %add3A = arith.addi %mul3A_0, %arg1 : i32
    %broadcast_in_dim3A = arith.constant 0.000000e+00 : f32
    %broadcast_in_dim3A_1 = vector.broadcast %broadcast_in_dim3A : f32 to vector<16xf32>
    %scan3A = arith.constant 0 : i32
    %scan3A_2 = arith.constant 80 : i32
    %scan3A_3 = arith.addi %scan3A, %scan3A_2 : i32
    %scan3A_4 = arith.constant 1 : i32
    scf.for %scan3A_90 = %scan3A to %scan3A_3 step %scan3A_4  : i32 {
      %mul3A_91 = arith.constant 1 : i32
      %mul3A_92 = arith.muli %scan3A_90, %mul3A_91 : i32
      %add3A_93 = arith.constant 0 : i32
      %add3A_94 = arith.addi %add3A_93, %mul3A_92 : i32
      %swap3A = arith.index_cast %add3A_94 : i32 to index
      %swap3A_95 = arith.constant 0 : index
      %swap3A_96 = tpu.vector_load %arg9[%swap3A, %swap3A_95] {strides = array<i32>} : memref<80x128xf32, #tpu.memory_space<vmem>>, vector<1x16xf32>,
      %swap3A_97 = vector.shape_cast %swap3A_96 : vector<1x16xf32> to vector<16xf32>
      %swap3A_98 = vector.shape_cast %broadcast_in_dim3A_1 : vector<16xf32> to vector<1x16xf32>
      tpu.vector_store %arg9[%swap3A, %swap3A_95], %swap3A_98 {strides = array<i32>} : memref<80x128xf32, #tpu.memory_space<vmem>>, vector<1x16xf32>,
      %swap3A_99 = arith.index_cast %add3A_94 : i32 to index
      %swap3A_100 = arith.constant 16 : index
      %swap3A_101 = tpu.vector_load %arg9[%swap3A_99, %swap3A_100] {strides = array<i32>} : memref<80x128xf32, #tpu.memory_space<vmem>>, vector<1x16xf32>,
      %swap3A_102 = vector.shape_cast %swap3A_101 : vector<1x16xf32> to vector<16xf32>
      %swap3A_103 = vector.shape_cast %broadcast_in_dim3A_1 : vector<16xf32> to vector<1x16xf32>
      tpu.vector_store %arg9[%swap3A_99, %swap3A_100], %swap3A_103 {strides = array<i32>} : memref<80x128xf32, #tpu.memory_space<vmem>>, vector<1x16xf32>,
      %swap3A_104 = arith.index_cast %add3A_94 : i32 to index
      %swap3A_105 = arith.constant 32 : index
      %swap3A_106 = tpu.vector_load %arg9[%swap3A_104, %swap3A_105] {strides = array<i32>} : memref<80x128xf32, #tpu.memory_space<vmem>>, vector<1x16xf32>,
      %swap3A_107 = vector.shape_cast %swap3A_106 : vector<1x16xf32> to vector<16xf32>
      %swap3A_108 = vector.shape_cast %broadcast_in_dim3A_1 : vector<16xf32> to vector<1x16xf32>
      tpu.vector_store %arg9[%swap3A_104, %swap3A_105], %swap3A_108 {strides = array<i32>} : memref<80x128xf32, #tpu.memory_space<vmem>>, vector<1x16xf32>,
      %swap3A_109 = arith.index_cast %add3A_94 : i32 to index
      %swap3A_110 = arith.constant 48 : index
      %swap3A_111 = tpu.vector_load %arg9[%swap3A_109, %swap3A_110] {strides = array<i32>} : memref<80x128xf32, #tpu.memory_space<vmem>>, vector<1x16xf32>,
      %swap3A_112 = vector.shape_cast %swap3A_111 : vector<1x16xf32> to vector<16xf32>
      %swap3A_113 = vector.shape_cast %broadcast_in_dim3A_1 : vector<16xf32> to vector<1x16xf32>
      tpu.vector_store %arg9[%swap3A_109, %swap3A_110], %swap3A_113 {strides = array<i32>} : memref<80x128xf32, #tpu.memory_space<vmem>>, vector<1x16xf32>,
      %swap3A_114 = arith.index_cast %add3A_94 : i32 to index
      %swap3A_115 = arith.constant 64 : index
      %swap3A_116 = tpu.vector_load %arg9[%swap3A_114, %swap3A_115] {strides = array<i32>} : memref<80x128xf32, #tpu.memory_space<vmem>>, vector<1x16xf32>,
      %swap3A_117 = vector.shape_cast %swap3A_116 : vector<1x16xf32> to vector<16xf32>
      %swap3A_118 = vector.shape_cast %broadcast_in_dim3A_1 : vector<16xf32> to vector<1x16xf32>
      tpu.vector_store %arg9[%swap3A_114, %swap3A_115], %swap3A_118 {strides = array<i32>} : memref<80x128xf32, #tpu.memory_space<vmem>>, vector<1x16xf32>,
      %swap3A_119 = arith.index_cast %add3A_94 : i32 to index
      %swap3A_120 = arith.constant 80 : index
      %swap3A_121 = tpu.vector_load %arg9[%swap3A_119, %swap3A_120] {strides = array<i32>} : memref<80x128xf32, #tpu.memory_space<vmem>>, vector<1x16xf32>,
      %swap3A_122 = vector.shape_cast %swap3A_121 : vector<1x16xf32> to vector<16xf32>
      %swap3A_123 = vector.shape_cast %broadcast_in_dim3A_1 : vector<16xf32> to vector<1x16xf32>
      tpu.vector_store %arg9[%swap3A_119, %swap3A_120], %swap3A_123 {strides = array<i32>} : memref<80x128xf32, #tpu.memory_space<vmem>>, vector<1x16xf32>,
      %swap3A_124 = arith.index_cast %add3A_94 : i32 to index
      %swap3A_125 = arith.constant 96 : index
      %swap3A_126 = tpu.vector_load %arg9[%swap3A_124, %swap3A_125] {strides = array<i32>} : memref<80x128xf32, #tpu.memory_space<vmem>>, vector<1x16xf32>,
      %swap3A_127 = vector.shape_cast %swap3A_126 : vector<1x16xf32> to vector<16xf32>
      %swap3A_128 = vector.shape_cast %broadcast_in_dim3A_1 : vector<16xf32> to vector<1x16xf32>
      tpu.vector_store %arg9[%swap3A_124, %swap3A_125], %swap3A_128 {strides = array<i32>} : memref<80x128xf32, #tpu.memory_space<vmem>>, vector<1x16xf32>,
      %swap3A_129 = arith.index_cast %add3A_94 : i32 to index
      %swap3A_130 = arith.constant 112 : index
      %swap3A_131 = tpu.vector_load %arg9[%swap3A_129, %swap3A_130] {strides = array<i32>} : memref<80x128xf32, #tpu.memory_space<vmem>>, vector<1x16xf32>,
      %swap3A_132 = vector.shape_cast %swap3A_131 : vector<1x16xf32> to vector<16xf32>
      %swap3A_133 = vector.shape_cast %broadcast_in_dim3A_1 : vector<16xf32> to vector<1x16xf32>
      tpu.vector_store %arg9[%swap3A_129, %swap3A_130], %swap3A_133 {strides = array<i32>} : memref<80x128xf32, #tpu.memory_space<vmem>>, vector<1x16xf32>,
    }
    %scan3A_5 = arith.constant 80 : i32
    %mul3A_6 = arith.constant 624 : i32
    %mul3A_7 = arith.muli %arg1, %mul3A_6 : i32
    %add3A_8 = arith.constant 0 : i32
    %add3A_9 = arith.addi %mul3A_7, %add3A_8 : i32
    "tpu.region"() ({
      %run_scoped3A_90 = tpu.sem_alloc : memref<!tpu.dma_semaphore, #tpu.memory_space<semaphore_mem>>
      %dma_start3A_91 = arith.constant 0 : i32
      %dma_start3A_92 = tpu.memref_slice %arg12[%add3A_9, %dma_start3A_91] : memref<10016x128xf32, #tpu.memory_space<vmem_shared>> -> memref<80x128xf32, #tpu.memory_space<vmem_shared>>
      %dma_start3A_93 = arith.constant 0 : i32
      %dma_start3A_94 = tpu.memref_slice %arg12[%add3A_9, %dma_start3A_93] : memref<10016x128xf32, #tpu.memory_space<vmem_shared>> -> memref<80x128xf32, #tpu.memory_space<vmem_shared>>
      tpu.enqueue_dma source(%arg9 : memref<80x128xf32, #tpu.memory_space<vmem>>) target(%dma_start3A_94 : memref<80x128xf32, #tpu.memory_space<vmem_shared>>) target_semaphore(%run_scoped3A_90 : memref<!tpu.dma_semaphore, #tpu.memory_space<semaphore_mem>>)
      %dma_wait3A_95 = arith.constant 0 : i32
      %dma_wait3A_96 = tpu.memref_slice %arg12[%add3A_9, %dma_wait3A_95] : memref<10016x128xf32, #tpu.memory_space<vmem_shared>> -> memref<80x128xf32, #tpu.memory_space<vmem_shared>>
      %dma_wait3A_97 = arith.constant 0 : i32
      %dma_wait3A_98 = tpu.memref_slice %arg12[%add3A_9, %dma_wait3A_97] : memref<10016x128xf32, #tpu.memory_space<vmem_shared>> -> memref<80x128xf32, #tpu.memory_space<vmem_shared>>
      tpu.wait_dma2 semaphore(%run_scoped3A_90 : memref<!tpu.dma_semaphore, #tpu.memory_space<semaphore_mem>>) src(%arg9 : memref<80x128xf32, #tpu.memory_space<vmem>>) dst(%dma_wait3A_98 : memref<80x128xf32, #tpu.memory_space<vmem_shared>>)
      tpu.yield
    }) : () -> ()
    %mul3A_10 = arith.constant 624 : i32
    %mul3A_11 = arith.muli %arg1, %mul3A_10 : i32
    %add3A_12 = arith.constant 80 : i32
    %add3A_13 = arith.addi %mul3A_11, %add3A_12 : i32
    "tpu.region"() ({
      %run_scoped3A_90 = tpu.sem_alloc : memref<!tpu.dma_semaphore, #tpu.memory_space<semaphore_mem>>
      %dma_start3A_91 = arith.constant 0 : i32
      %dma_start3A_92 = tpu.memref_slice %arg12[%add3A_13, %dma_start3A_91] : memref<10016x128xf32, #tpu.memory_space<vmem_shared>> -> memref<80x128xf32, #tpu.memory_space<vmem_shared>>
      %dma_start3A_93 = arith.constant 0 : i32
      %dma_start3A_94 = tpu.memref_slice %arg12[%add3A_13, %dma_start3A_93] : memref<10016x128xf32, #tpu.memory_space<vmem_shared>> -> memref<80x128xf32, #tpu.memory_space<vmem_shared>>
      tpu.enqueue_dma source(%arg9 : memref<80x128xf32, #tpu.memory_space<vmem>>) target(%dma_start3A_94 : memref<80x128xf32, #tpu.memory_space<vmem_shared>>) target_semaphore(%run_scoped3A_90 : memref<!tpu.dma_semaphore, #tpu.memory_space<semaphore_mem>>)
      %dma_wait3A_95 = arith.constant 0 : i32
      %dma_wait3A_96 = tpu.memref_slice %arg12[%add3A_13, %dma_wait3A_95] : memref<10016x128xf32, #tpu.memory_space<vmem_shared>> -> memref<80x128xf32, #tpu.memory_space<vmem_shared>>
      %dma_wait3A_97 = arith.constant 0 : i32
      %dma_wait3A_98 = tpu.memref_slice %arg12[%add3A_13, %dma_wait3A_97] : memref<10016x128xf32, #tpu.memory_space<vmem_shared>> -> memref<80x128xf32, #tpu.memory_space<vmem_shared>>
      tpu.wait_dma2 semaphore(%run_scoped3A_90 : memref<!tpu.dma_semaphore, #tpu.memory_space<semaphore_mem>>) src(%arg9 : memref<80x128xf32, #tpu.memory_space<vmem>>) dst(%dma_wait3A_98 : memref<80x128xf32, #tpu.memory_space<vmem_shared>>)
      tpu.yield
    }) : () -> ()
    %mul3A_14 = arith.constant 624 : i32
    %mul3A_15 = arith.muli %arg1, %mul3A_14 : i32
    %add3A_16 = arith.constant 160 : i32
    %add3A_17 = arith.addi %mul3A_15, %add3A_16 : i32
    "tpu.region"() ({
      %run_scoped3A_90 = tpu.sem_alloc : memref<!tpu.dma_semaphore, #tpu.memory_space<semaphore_mem>>
      %dma_start3A_91 = arith.constant 0 : i32
      %dma_start3A_92 = tpu.memref_slice %arg12[%add3A_17, %dma_start3A_91] : memref<10016x128xf32, #tpu.memory_space<vmem_shared>> -> memref<80x128xf32, #tpu.memory_space<vmem_shared>>
      %dma_start3A_93 = arith.constant 0 : i32
      %dma_start3A_94 = tpu.memref_slice %arg12[%add3A_17, %dma_start3A_93] : memref<10016x128xf32, #tpu.memory_space<vmem_shared>> -> memref<80x128xf32, #tpu.memory_space<vmem_shared>>
      tpu.enqueue_dma source(%arg9 : memref<80x128xf32, #tpu.memory_space<vmem>>) target(%dma_start3A_94 : memref<80x128xf32, #tpu.memory_space<vmem_shared>>) target_semaphore(%run_scoped3A_90 : memref<!tpu.dma_semaphore, #tpu.memory_space<semaphore_mem>>)
      %dma_wait3A_95 = arith.constant 0 : i32
      %dma_wait3A_96 = tpu.memref_slice %arg12[%add3A_17, %dma_wait3A_95] : memref<10016x128xf32, #tpu.memory_space<vmem_shared>> -> memref<80x128xf32, #tpu.memory_space<vmem_shared>>
      %dma_wait3A_97 = arith.constant 0 : i32
      %dma_wait3A_98 = tpu.memref_slice %arg12[%add3A_17, %dma_wait3A_97] : memref<10016x128xf32, #tpu.memory_space<vmem_shared>> -> memref<80x128xf32, #tpu.memory_space<vmem_shared>>
      tpu.wait_dma2 semaphore(%run_scoped3A_90 : memref<!tpu.dma_semaphore, #tpu.memory_space<semaphore_mem>>) src(%arg9 : memref<80x128xf32, #tpu.memory_space<vmem>>) dst(%dma_wait3A_98 : memref<80x128xf32, #tpu.memory_space<vmem_shared>>)
      tpu.yield
    }) : () -> ()
    %mul3A_18 = arith.constant 624 : i32
    %mul3A_19 = arith.muli %arg1, %mul3A_18 : i32
    %add3A_20 = arith.constant 240 : i32
    %add3A_21 = arith.addi %mul3A_19, %add3A_20 : i32
    "tpu.region"() ({
      %run_scoped3A_90 = tpu.sem_alloc : memref<!tpu.dma_semaphore, #tpu.memory_space<semaphore_mem>>
      %dma_start3A_91 = arith.constant 0 : i32
      %dma_start3A_92 = tpu.memref_slice %arg12[%add3A_21, %dma_start3A_91] : memref<10016x128xf32, #tpu.memory_space<vmem_shared>> -> memref<80x128xf32, #tpu.memory_space<vmem_shared>>
      %dma_start3A_93 = arith.constant 0 : i32
      %dma_start3A_94 = tpu.memref_slice %arg12[%add3A_21, %dma_start3A_93] : memref<10016x128xf32, #tpu.memory_space<vmem_shared>> -> memref<80x128xf32, #tpu.memory_space<vmem_shared>>
      tpu.enqueue_dma source(%arg9 : memref<80x128xf32, #tpu.memory_space<vmem>>) target(%dma_start3A_94 : memref<80x128xf32, #tpu.memory_space<vmem_shared>>) target_semaphore(%run_scoped3A_90 : memref<!tpu.dma_semaphore, #tpu.memory_space<semaphore_mem>>)
      %dma_wait3A_95 = arith.constant 0 : i32
      %dma_wait3A_96 = tpu.memref_slice %arg12[%add3A_21, %dma_wait3A_95] : memref<10016x128xf32, #tpu.memory_space<vmem_shared>> -> memref<80x128xf32, #tpu.memory_space<vmem_shared>>
      %dma_wait3A_97 = arith.constant 0 : i32
      %dma_wait3A_98 = tpu.memref_slice %arg12[%add3A_21, %dma_wait3A_97] : memref<10016x128xf32, #tpu.memory_space<vmem_shared>> -> memref<80x128xf32, #tpu.memory_space<vmem_shared>>
      tpu.wait_dma2 semaphore(%run_scoped3A_90 : memref<!tpu.dma_semaphore, #tpu.memory_space<semaphore_mem>>) src(%arg9 : memref<80x128xf32, #tpu.memory_space<vmem>>) dst(%dma_wait3A_98 : memref<80x128xf32, #tpu.memory_space<vmem_shared>>)
      tpu.yield
    }) : () -> ()
    %mul3A_22 = arith.constant 624 : i32
    %mul3A_23 = arith.muli %arg1, %mul3A_22 : i32
    %add3A_24 = arith.constant 320 : i32
    %add3A_25 = arith.addi %mul3A_23, %add3A_24 : i32
    "tpu.region"() ({
      %run_scoped3A_90 = tpu.sem_alloc : memref<!tpu.dma_semaphore, #tpu.memory_space<semaphore_mem>>
      %dma_start3A_91 = arith.constant 0 : i32
      %dma_start3A_92 = tpu.memref_slice %arg12[%add3A_25, %dma_start3A_91] : memref<10016x128xf32, #tpu.memory_space<vmem_shared>> -> memref<80x128xf32, #tpu.memory_space<vmem_shared>>
      %dma_start3A_93 = arith.constant 0 : i32
      %dma_start3A_94 = tpu.memref_slice %arg12[%add3A_25, %dma_start3A_93] : memref<10016x128xf32, #tpu.memory_space<vmem_shared>> -> memref<80x128xf32, #tpu.memory_space<vmem_shared>>
      tpu.enqueue_dma source(%arg9 : memref<80x128xf32, #tpu.memory_space<vmem>>) target(%dma_start3A_94 : memref<80x128xf32, #tpu.memory_space<vmem_shared>>) target_semaphore(%run_scoped3A_90 : memref<!tpu.dma_semaphore, #tpu.memory_space<semaphore_mem>>)
      %dma_wait3A_95 = arith.constant 0 : i32
      %dma_wait3A_96 = tpu.memref_slice %arg12[%add3A_25, %dma_wait3A_95] : memref<10016x128xf32, #tpu.memory_space<vmem_shared>> -> memref<80x128xf32, #tpu.memory_space<vmem_shared>>
      %dma_wait3A_97 = arith.constant 0 : i32
      %dma_wait3A_98 = tpu.memref_slice %arg12[%add3A_25, %dma_wait3A_97] : memref<10016x128xf32, #tpu.memory_space<vmem_shared>> -> memref<80x128xf32, #tpu.memory_space<vmem_shared>>
      tpu.wait_dma2 semaphore(%run_scoped3A_90 : memref<!tpu.dma_semaphore, #tpu.memory_space<semaphore_mem>>) src(%arg9 : memref<80x128xf32, #tpu.memory_space<vmem>>) dst(%dma_wait3A_98 : memref<80x128xf32, #tpu.memory_space<vmem_shared>>)
      tpu.yield
    }) : () -> ()
    %mul3A_26 = arith.constant 624 : i32
    %mul3A_27 = arith.muli %arg1, %mul3A_26 : i32
    %add3A_28 = arith.constant 400 : i32
    %add3A_29 = arith.addi %mul3A_27, %add3A_28 : i32
    "tpu.region"() ({
      %run_scoped3A_90 = tpu.sem_alloc : memref<!tpu.dma_semaphore, #tpu.memory_space<semaphore_mem>>
      %dma_start3A_91 = arith.constant 0 : i32
      %dma_start3A_92 = tpu.memref_slice %arg12[%add3A_29, %dma_start3A_91] : memref<10016x128xf32, #tpu.memory_space<vmem_shared>> -> memref<80x128xf32, #tpu.memory_space<vmem_shared>>
      %dma_start3A_93 = arith.constant 0 : i32
      %dma_start3A_94 = tpu.memref_slice %arg12[%add3A_29, %dma_start3A_93] : memref<10016x128xf32, #tpu.memory_space<vmem_shared>> -> memref<80x128xf32, #tpu.memory_space<vmem_shared>>
      tpu.enqueue_dma source(%arg9 : memref<80x128xf32, #tpu.memory_space<vmem>>) target(%dma_start3A_94 : memref<80x128xf32, #tpu.memory_space<vmem_shared>>) target_semaphore(%run_scoped3A_90 : memref<!tpu.dma_semaphore, #tpu.memory_space<semaphore_mem>>)
      %dma_wait3A_95 = arith.constant 0 : i32
      %dma_wait3A_96 = tpu.memref_slice %arg12[%add3A_29, %dma_wait3A_95] : memref<10016x128xf32, #tpu.memory_space<vmem_shared>> -> memref<80x128xf32, #tpu.memory_space<vmem_shared>>
      %dma_wait3A_97 = arith.constant 0 : i32
      %dma_wait3A_98 = tpu.memref_slice %arg12[%add3A_29, %dma_wait3A_97] : memref<10016x128xf32, #tpu.memory_space<vmem_shared>> -> memref<80x128xf32, #tpu.memory_space<vmem_shared>>
      tpu.wait_dma2 semaphore(%run_scoped3A_90 : memref<!tpu.dma_semaphore, #tpu.memory_space<semaphore_mem>>) src(%arg9 : memref<80x128xf32, #tpu.memory_space<vmem>>) dst(%dma_wait3A_98 : memref<80x128xf32, #tpu.memory_space<vmem_shared>>)
      tpu.yield
    }) : () -> ()
    %mul3A_30 = arith.constant 624 : i32
    %mul3A_31 = arith.muli %arg1, %mul3A_30 : i32
    %add3A_32 = arith.constant 480 : i32
    %add3A_33 = arith.addi %mul3A_31, %add3A_32 : i32
    "tpu.region"() ({
      %run_scoped3A_90 = tpu.sem_alloc : memref<!tpu.dma_semaphore, #tpu.memory_space<semaphore_mem>>
      %dma_start3A_91 = arith.constant 0 : i32
      %dma_start3A_92 = tpu.memref_slice %arg12[%add3A_33, %dma_start3A_91] : memref<10016x128xf32, #tpu.memory_space<vmem_shared>> -> memref<80x128xf32, #tpu.memory_space<vmem_shared>>
      %dma_start3A_93 = arith.constant 0 : i32
      %dma_start3A_94 = tpu.memref_slice %arg12[%add3A_33, %dma_start3A_93] : memref<10016x128xf32, #tpu.memory_space<vmem_shared>> -> memref<80x128xf32, #tpu.memory_space<vmem_shared>>
      tpu.enqueue_dma source(%arg9 : memref<80x128xf32, #tpu.memory_space<vmem>>) target(%dma_start3A_94 : memref<80x128xf32, #tpu.memory_space<vmem_shared>>) target_semaphore(%run_scoped3A_90 : memref<!tpu.dma_semaphore, #tpu.memory_space<semaphore_mem>>)
      %dma_wait3A_95 = arith.constant 0 : i32
      %dma_wait3A_96 = tpu.memref_slice %arg12[%add3A_33, %dma_wait3A_95] : memref<10016x128xf32, #tpu.memory_space<vmem_shared>> -> memref<80x128xf32, #tpu.memory_space<vmem_shared>>
      %dma_wait3A_97 = arith.constant 0 : i32
      %dma_wait3A_98 = tpu.memref_slice %arg12[%add3A_33, %dma_wait3A_97] : memref<10016x128xf32, #tpu.memory_space<vmem_shared>> -> memref<80x128xf32, #tpu.memory_space<vmem_shared>>
      tpu.wait_dma2 semaphore(%run_scoped3A_90 : memref<!tpu.dma_semaphore, #tpu.memory_space<semaphore_mem>>) src(%arg9 : memref<80x128xf32, #tpu.memory_space<vmem>>) dst(%dma_wait3A_98 : memref<80x128xf32, #tpu.memory_space<vmem_shared>>)
      tpu.yield
    }) : () -> ()
    %mul3A_34 = arith.constant 624 : i32
    %mul3A_35 = arith.muli %arg1, %mul3A_34 : i32
    %add3A_36 = arith.constant 560 : i32
    %add3A_37 = arith.addi %mul3A_35, %add3A_36 : i32
    "tpu.region"() ({
      %run_scoped3A_90 = tpu.sem_alloc : memref<!tpu.dma_semaphore, #tpu.memory_space<semaphore_mem>>
      %dma_start3A_91 = arith.constant 0 : i32
      %dma_start3A_92 = arith.constant 0 : i32
      %dma_start3A_93 = tpu.memref_slice %arg9[%dma_start3A_91, %dma_start3A_92] : memref<80x128xf32, #tpu.memory_space<vmem>> -> memref<64x128xf32, #tpu.memory_space<vmem>>
      %dma_start3A_94 = arith.constant 0 : i32
      %dma_start3A_95 = tpu.memref_slice %arg12[%add3A_37, %dma_start3A_94] : memref<10016x128xf32, #tpu.memory_space<vmem_shared>> -> memref<64x128xf32, #tpu.memory_space<vmem_shared>>
      %dma_start3A_96 = arith.constant 0 : i32
      %dma_start3A_97 = tpu.memref_slice %arg12[%add3A_37, %dma_start3A_96] : memref<10016x128xf32, #tpu.memory_space<vmem_shared>> -> memref<64x128xf32, #tpu.memory_space<vmem_shared>>
      %dma_start3A_98 = arith.constant 0 : i32
      %dma_start3A_99 = arith.constant 0 : i32
      %dma_start3A_100 = tpu.memref_slice %arg9[%dma_start3A_98, %dma_start3A_99] : memref<80x128xf32, #tpu.memory_space<vmem>> -> memref<64x128xf32, #tpu.memory_space<vmem>>
      tpu.enqueue_dma source(%dma_start3A_100 : memref<64x128xf32, #tpu.memory_space<vmem>>) target(%dma_start3A_97 : memref<64x128xf32, #tpu.memory_space<vmem_shared>>) target_semaphore(%run_scoped3A_90 : memref<!tpu.dma_semaphore, #tpu.memory_space<semaphore_mem>>)
      %dma_wait3A_101 = arith.constant 0 : i32
      %dma_wait3A_102 = arith.constant 0 : i32
      %dma_wait3A_103 = tpu.memref_slice %arg9[%dma_wait3A_101, %dma_wait3A_102] : memref<80x128xf32, #tpu.memory_space<vmem>> -> memref<64x128xf32, #tpu.memory_space<vmem>>
      %dma_wait3A_104 = arith.constant 0 : i32
      %dma_wait3A_105 = tpu.memref_slice %arg12[%add3A_37, %dma_wait3A_104] : memref<10016x128xf32, #tpu.memory_space<vmem_shared>> -> memref<64x128xf32, #tpu.memory_space<vmem_shared>>
      %dma_wait3A_106 = arith.constant 0 : i32
      %dma_wait3A_107 = tpu.memref_slice %arg12[%add3A_37, %dma_wait3A_106] : memref<10016x128xf32, #tpu.memory_space<vmem_shared>> -> memref<64x128xf32, #tpu.memory_space<vmem_shared>>
      %dma_wait3A_108 = arith.constant 0 : i32
      %dma_wait3A_109 = arith.constant 0 : i32
      %dma_wait3A_110 = tpu.memref_slice %arg9[%dma_wait3A_108, %dma_wait3A_109] : memref<80x128xf32, #tpu.memory_space<vmem>> -> memref<64x128xf32, #tpu.memory_space<vmem>>
      tpu.wait_dma2 semaphore(%run_scoped3A_90 : memref<!tpu.dma_semaphore, #tpu.memory_space<semaphore_mem>>) src(%dma_wait3A_110 : memref<64x128xf32, #tpu.memory_space<vmem>>) dst(%dma_wait3A_107 : memref<64x128xf32, #tpu.memory_space<vmem_shared>>)
      tpu.yield
    }) : () -> ()
    %eq3A = arith.constant 15 : i32
    %eq3A_38 = arith.cmpi eq, %arg1, %eq3A : i32
    %convert_element_type3A = arith.extui %eq3A_38 : i1 to i32
    %cond3A = arith.constant 0 : i32
    %cond3A_39 = arith.cmpi ne, %convert_element_type3A, %cond3A : i32
    scf.if %cond3A_39 {
      "tpu.region"() ({
        %run_scoped3A_90 = tpu.sem_alloc : memref<!tpu.dma_semaphore, #tpu.memory_space<semaphore_mem>>
        %dma_start3A_91 = arith.constant 0 : i32
        %dma_start3A_92 = arith.constant 0 : i32
        %dma_start3A_93 = tpu.memref_slice %arg9[%dma_start3A_91, %dma_start3A_92] : memref<80x128xf32, #tpu.memory_space<vmem>> -> memref<16x128xf32, #tpu.memory_space<vmem>>
        %dma_start3A_94 = arith.constant 9984 : i32
        %dma_start3A_95 = arith.constant 0 : i32
        %dma_start3A_96 = tpu.memref_slice %arg12[%dma_start3A_94, %dma_start3A_95] : memref<10016x128xf32, #tpu.memory_space<vmem_shared>> -> memref<16x128xf32, #tpu.memory_space<vmem_shared>>
        %dma_start3A_97 = arith.constant 9984 : i32
        %dma_start3A_98 = arith.constant 0 : i32
        %dma_start3A_99 = tpu.memref_slice %arg12[%dma_start3A_97, %dma_start3A_98] : memref<10016x128xf32, #tpu.memory_space<vmem_shared>> -> memref<16x128xf32, #tpu.memory_space<vmem_shared>>
        %dma_start3A_100 = arith.constant 0 : i32
        %dma_start3A_101 = arith.constant 0 : i32
        %dma_start3A_102 = tpu.memref_slice %arg9[%dma_start3A_100, %dma_start3A_101] : memref<80x128xf32, #tpu.memory_space<vmem>> -> memref<16x128xf32, #tpu.memory_space<vmem>>
        tpu.enqueue_dma source(%dma_start3A_102 : memref<16x128xf32, #tpu.memory_space<vmem>>) target(%dma_start3A_99 : memref<16x128xf32, #tpu.memory_space<vmem_shared>>) target_semaphore(%run_scoped3A_90 : memref<!tpu.dma_semaphore, #tpu.memory_space<semaphore_mem>>)
        %dma_wait3A_103 = arith.constant 0 : i32
        %dma_wait3A_104 = arith.constant 0 : i32
        %dma_wait3A_105 = tpu.memref_slice %arg9[%dma_wait3A_103, %dma_wait3A_104] : memref<80x128xf32, #tpu.memory_space<vmem>> -> memref<16x128xf32, #tpu.memory_space<vmem>>
        %dma_wait3A_106 = arith.constant 9984 : i32
        %dma_wait3A_107 = arith.constant 0 : i32
        %dma_wait3A_108 = tpu.memref_slice %arg12[%dma_wait3A_106, %dma_wait3A_107] : memref<10016x128xf32, #tpu.memory_space<vmem_shared>> -> memref<16x128xf32, #tpu.memory_space<vmem_shared>>
        %dma_wait3A_109 = arith.constant 9984 : i32
        %dma_wait3A_110 = arith.constant 0 : i32
        %dma_wait3A_111 = tpu.memref_slice %arg12[%dma_wait3A_109, %dma_wait3A_110] : memref<10016x128xf32, #tpu.memory_space<vmem_shared>> -> memref<16x128xf32, #tpu.memory_space<vmem_shared>>
        %dma_wait3A_112 = arith.constant 0 : i32
        %dma_wait3A_113 = arith.constant 0 : i32
        %dma_wait3A_114 = tpu.memref_slice %arg9[%dma_wait3A_112, %dma_wait3A_113] : memref<80x128xf32, #tpu.memory_space<vmem>> -> memref<16x128xf32, #tpu.memory_space<vmem>>
        tpu.wait_dma2 semaphore(%run_scoped3A_90 : memref<!tpu.dma_semaphore, #tpu.memory_space<semaphore_mem>>) src(%dma_wait3A_114 : memref<16x128xf32, #tpu.memory_space<vmem>>) dst(%dma_wait3A_111 : memref<16x128xf32, #tpu.memory_space<vmem_shared>>)
        tpu.yield
      }) : () -> ()
    } else {
    }
    "tpu.region"() ({
      %run_scoped3A_90 = tpu.sem_alloc : memref<!tpu.dma_semaphore, #tpu.memory_space<semaphore_mem>>
      %dma_start3A_91 = arith.constant 0 : i32
      %dma_start3A_92 = arith.constant 0 : i32
      %dma_start3A_93 = tpu.memref_slice %arg3[%add3A, %dma_start3A_91, %dma_start3A_92] : memref<32x125x80xi32, #tpu.memory_space<hbm>> -> memref<1x125x80xi32, #tpu.memory_space<hbm>>
      %dma_start3A_94 = tpu.memref_squeeze %dma_start3A_93 : memref<1x125x80xi32, #tpu.memory_space<hbm>> -> memref<125x80xi32, #tpu.memory_space<hbm>>
      %dma_start3A_95 = arith.constant 0 : i32
      %dma_start3A_96 = arith.constant 0 : i32
      %dma_start3A_97 = tpu.memref_slice %arg3[%add3A, %dma_start3A_95, %dma_start3A_96] : memref<32x125x80xi32, #tpu.memory_space<hbm>> -> memref<1x125x80xi32, #tpu.memory_space<hbm>>
      %dma_start3A_98 = tpu.memref_squeeze %dma_start3A_97 : memref<1x125x80xi32, #tpu.memory_space<hbm>> -> memref<125x80xi32, #tpu.memory_space<hbm>>
      tpu.enqueue_dma source(%dma_start3A_98 : memref<125x80xi32, #tpu.memory_space<hbm>>) target(%arg7 : memref<125x80xi32, #tpu.memory_space<vmem>>) target_semaphore(%run_scoped3A_90 : memref<!tpu.dma_semaphore, #tpu.memory_space<semaphore_mem>>)
      %dma_wait3A_99 = arith.constant 0 : i32
      %dma_wait3A_100 = arith.constant 0 : i32
      %dma_wait3A_101 = tpu.memref_slice %arg3[%add3A, %dma_wait3A_99, %dma_wait3A_100] : memref<32x125x80xi32, #tpu.memory_space<hbm>> -> memref<1x125x80xi32, #tpu.memory_space<hbm>>
      %dma_wait3A_102 = tpu.memref_squeeze %dma_wait3A_101 : memref<1x125x80xi32, #tpu.memory_space<hbm>> -> memref<125x80xi32, #tpu.memory_space<hbm>>
      %dma_wait3A_103 = arith.constant 0 : i32
      %dma_wait3A_104 = arith.constant 0 : i32
      %dma_wait3A_105 = tpu.memref_slice %arg3[%add3A, %dma_wait3A_103, %dma_wait3A_104] : memref<32x125x80xi32, #tpu.memory_space<hbm>> -> memref<1x125x80xi32, #tpu.memory_space<hbm>>
      %dma_wait3A_106 = tpu.memref_squeeze %dma_wait3A_105 : memref<1x125x80xi32, #tpu.memory_space<hbm>> -> memref<125x80xi32, #tpu.memory_space<hbm>>
      tpu.wait_dma2 semaphore(%run_scoped3A_90 : memref<!tpu.dma_semaphore, #tpu.memory_space<semaphore_mem>>) src(%dma_wait3A_106 : memref<125x80xi32, #tpu.memory_space<hbm>>) dst(%arg7 : memref<125x80xi32, #tpu.memory_space<vmem>>)
      tpu.yield
    }) : () -> ()
    "tpu.region"() ({
      %run_scoped3A_90 = tpu.sem_alloc : memref<!tpu.dma_semaphore, #tpu.memory_space<semaphore_mem>>
      %dma_start3A_91 = arith.constant 0 : i32
      %dma_start3A_92 = arith.constant 0 : i32
      %dma_start3A_93 = tpu.memref_slice %arg4[%add3A, %dma_start3A_91, %dma_start3A_92] : memref<32x125x80xi32, #tpu.memory_space<hbm>> -> memref<1x125x80xi32, #tpu.memory_space<hbm>>
      %dma_start3A_94 = tpu.memref_squeeze %dma_start3A_93 : memref<1x125x80xi32, #tpu.memory_space<hbm>> -> memref<125x80xi32, #tpu.memory_space<hbm>>
      %dma_start3A_95 = arith.constant 0 : i32
      %dma_start3A_96 = arith.constant 0 : i32
      %dma_start3A_97 = tpu.memref_slice %arg4[%add3A, %dma_start3A_95, %dma_start3A_96] : memref<32x125x80xi32, #tpu.memory_space<hbm>> -> memref<1x125x80xi32, #tpu.memory_space<hbm>>
      %dma_start3A_98 = tpu.memref_squeeze %dma_start3A_97 : memref<1x125x80xi32, #tpu.memory_space<hbm>> -> memref<125x80xi32, #tpu.memory_space<hbm>>
      tpu.enqueue_dma source(%dma_start3A_98 : memref<125x80xi32, #tpu.memory_space<hbm>>) target(%arg8 : memref<125x80xi32, #tpu.memory_space<vmem>>) target_semaphore(%run_scoped3A_90 : memref<!tpu.dma_semaphore, #tpu.memory_space<semaphore_mem>>)
      %dma_wait3A_99 = arith.constant 0 : i32
      %dma_wait3A_100 = arith.constant 0 : i32
      %dma_wait3A_101 = tpu.memref_slice %arg4[%add3A, %dma_wait3A_99, %dma_wait3A_100] : memref<32x125x80xi32, #tpu.memory_space<hbm>> -> memref<1x125x80xi32, #tpu.memory_space<hbm>>
      %dma_wait3A_102 = tpu.memref_squeeze %dma_wait3A_101 : memref<1x125x80xi32, #tpu.memory_space<hbm>> -> memref<125x80xi32, #tpu.memory_space<hbm>>
      %dma_wait3A_103 = arith.constant 0 : i32
      %dma_wait3A_104 = arith.constant 0 : i32
      %dma_wait3A_105 = tpu.memref_slice %arg4[%add3A, %dma_wait3A_103, %dma_wait3A_104] : memref<32x125x80xi32, #tpu.memory_space<hbm>> -> memref<1x125x80xi32, #tpu.memory_space<hbm>>
      %dma_wait3A_106 = tpu.memref_squeeze %dma_wait3A_105 : memref<1x125x80xi32, #tpu.memory_space<hbm>> -> memref<125x80xi32, #tpu.memory_space<hbm>>
      tpu.wait_dma2 semaphore(%run_scoped3A_90 : memref<!tpu.dma_semaphore, #tpu.memory_space<semaphore_mem>>) src(%dma_wait3A_106 : memref<125x80xi32, #tpu.memory_space<hbm>>) dst(%arg8 : memref<125x80xi32, #tpu.memory_space<vmem>>)
      tpu.yield
    }) : () -> ()
    %barrier3A = arith.constant 0 : index
    tpu.barrier barrier_id(%barrier3A)
    %dma_start3A = arith.constant 0 : i32
    %dma_start3A_40 = arith.constant 0 : i32
    %dma_start3A_41 = tpu.memref_slice %arg7[%dma_start3A, %dma_start3A_40] : memref<125x80xi32, #tpu.memory_space<vmem>> -> memref<1x80xi32, #tpu.memory_space<vmem>>
    %dma_start3A_42 = tpu.memref_squeeze %dma_start3A_41 : memref<1x80xi32, #tpu.memory_space<vmem>> -> memref<80xi32, #tpu.memory_space<vmem>>
    %dma_start3A_43 = arith.constant 0 : i32
    %dma_start3A_44 = arith.constant 0 : i32
    %dma_start3A_45 = tpu.memref_slice %arg2[%dma_start3A_43, %dma_start3A_44] : memref<10000x128xf32, #tpu.memory_space<hbm>> -> memref<10000x128xf32, #tpu.memory_space<hbm>>
    tpu.enqueue_indirect_dma source(%dma_start3A_45 : memref<10000x128xf32, #tpu.memory_space<hbm>>) target(%arg9 : memref<80x128xf32, #tpu.memory_space<vmem>>) offsets(%dma_start3A_42 : memref<80xi32, #tpu.memory_space<vmem>>) semaphore(%arg13 : memref<!tpu.dma_semaphore, #tpu.memory_space<semaphore_mem>>)
    %dma_start3A_46 = arith.constant 1 : i32
    %dma_start3A_47 = arith.constant 0 : i32
    %dma_start3A_48 = tpu.memref_slice %arg7[%dma_start3A_46, %dma_start3A_47] : memref<125x80xi32, #tpu.memory_space<vmem>> -> memref<1x80xi32, #tpu.memory_space<vmem>>
    %dma_start3A_49 = tpu.memref_squeeze %dma_start3A_48 : memref<1x80xi32, #tpu.memory_space<vmem>> -> memref<80xi32, #tpu.memory_space<vmem>>
    %dma_start3A_50 = arith.constant 0 : i32
    %dma_start3A_51 = arith.constant 0 : i32
    %dma_start3A_52 = tpu.memref_slice %arg2[%dma_start3A_50, %dma_start3A_51] : memref<10000x128xf32, #tpu.memory_space<hbm>> -> memref<10000x128xf32, #tpu.memory_space<hbm>>
    tpu.enqueue_indirect_dma source(%dma_start3A_52 : memref<10000x128xf32, #tpu.memory_space<hbm>>) target(%arg10 : memref<80x128xf32, #tpu.memory_space<vmem>>) offsets(%dma_start3A_49 : memref<80xi32, #tpu.memory_space<vmem>>) semaphore(%arg14 : memref<!tpu.dma_semaphore, #tpu.memory_space<semaphore_mem>>)
    %dma_start3A_53 = arith.constant 2 : i32
    %dma_start3A_54 = arith.constant 0 : i32
    %dma_start3A_55 = tpu.memref_slice %arg7[%dma_start3A_53, %dma_start3A_54] : memref<125x80xi32, #tpu.memory_space<vmem>> -> memref<1x80xi32, #tpu.memory_space<vmem>>
    %dma_start3A_56 = tpu.memref_squeeze %dma_start3A_55 : memref<1x80xi32, #tpu.memory_space<vmem>> -> memref<80xi32, #tpu.memory_space<vmem>>
    %dma_start3A_57 = arith.constant 0 : i32
    %dma_start3A_58 = arith.constant 0 : i32
    %dma_start3A_59 = tpu.memref_slice %arg2[%dma_start3A_57, %dma_start3A_58] : memref<10000x128xf32, #tpu.memory_space<hbm>> -> memref<10000x128xf32, #tpu.memory_space<hbm>>
    tpu.enqueue_indirect_dma source(%dma_start3A_59 : memref<10000x128xf32, #tpu.memory_space<hbm>>) target(%arg11 : memref<80x128xf32, #tpu.memory_space<vmem>>) offsets(%dma_start3A_56 : memref<80xi32, #tpu.memory_space<vmem>>) semaphore(%arg15 : memref<!tpu.dma_semaphore, #tpu.memory_space<semaphore_mem>>)
    %scan3A_60 = arith.constant 0 : i32
    %scan3A_61 = arith.constant 41 : i32
    %scan3A_62 = arith.addi %scan3A_60, %scan3A_61 : i32
    %scan3A_63 = arith.constant 1 : i32
    scf.for %scan3A_90 = %scan3A_60 to %scan3A_62 step %scan3A_63  : i32 {
      %mul3A_91 = arith.constant 1 : i32
      %mul3A_92 = arith.muli %scan3A_90, %mul3A_91 : i32
      %add3A_93 = arith.constant 0 : i32
      %add3A_94 = arith.addi %add3A_93, %mul3A_92 : i32
      %mul3A_95 = arith.constant 3 : i32
      %mul3A_96 = arith.muli %mul3A_95, %add3A_94 : i32
      %add3A_97 = arith.constant 0 : i32
      %add3A_98 = arith.addi %mul3A_96, %add3A_97 : i32
      %dma_wait3A_99 = arith.constant 0 : i32
      %dma_wait3A_100 = arith.constant 0 : i32
      %dma_wait3A_101 = tpu.memref_slice %arg7[%dma_wait3A_99, %dma_wait3A_100] : memref<125x80xi32, #tpu.memory_space<vmem>> -> memref<1x80xi32, #tpu.memory_space<vmem>>
      %dma_wait3A_102 = tpu.memref_squeeze %dma_wait3A_101 : memref<1x80xi32, #tpu.memory_space<vmem>> -> memref<80xi32, #tpu.memory_space<vmem>>
      %dma_wait3A_103 = arith.constant 0 : i32
      %dma_wait3A_104 = arith.constant 0 : i32
      %dma_wait3A_105 = tpu.memref_slice %arg2[%dma_wait3A_103, %dma_wait3A_104] : memref<10000x128xf32, #tpu.memory_space<hbm>> -> memref<10000x128xf32, #tpu.memory_space<hbm>>
      tpu.wait_indirect_dma semaphore(%arg13 : memref<!tpu.dma_semaphore, #tpu.memory_space<semaphore_mem>>) src(%dma_wait3A_105 : memref<10000x128xf32, #tpu.memory_space<hbm>>) dst(%arg9 : memref<80x128xf32, #tpu.memory_space<vmem>>)
      "tpu.region"() ({
        %run_scoped3A_148 = tpu.sem_alloc : memref<!tpu.dma_semaphore, #tpu.memory_space<semaphore_mem>>
        %dma_start3A_149 = arith.constant 0 : i32
        %dma_start3A_150 = tpu.memref_slice %arg8[%add3A_98, %dma_start3A_149] : memref<125x80xi32, #tpu.memory_space<vmem>> -> memref<1x80xi32, #tpu.memory_space<vmem>>
        %dma_start3A_151 = tpu.memref_squeeze %dma_start3A_150 : memref<1x80xi32, #tpu.memory_space<vmem>> -> memref<80xi32, #tpu.memory_space<vmem>>
        %dma_start3A_152 = arith.constant 0 : i32
        %dma_start3A_153 = arith.constant 0 : i32
        %dma_start3A_154 = tpu.memref_slice %arg12[%dma_start3A_152, %dma_start3A_153] : memref<10016x128xf32, #tpu.memory_space<vmem_shared>> -> memref<10016x128xf32, #tpu.memory_space<vmem_shared>>
        tpu.enqueue_indirect_dma source(%arg9 : memref<80x128xf32, #tpu.memory_space<vmem>>) target(%dma_start3A_154 : memref<10016x128xf32, #tpu.memory_space<vmem_shared>>) offsets(%dma_start3A_151 : memref<80xi32, #tpu.memory_space<vmem>>) semaphore(%run_scoped3A_148 : memref<!tpu.dma_semaphore, #tpu.memory_space<semaphore_mem>>) {add = true}
        %dma_wait3A_155 = arith.constant 0 : i32
        %dma_wait3A_156 = tpu.memref_slice %arg8[%add3A_98, %dma_wait3A_155] : memref<125x80xi32, #tpu.memory_space<vmem>> -> memref<1x80xi32, #tpu.memory_space<vmem>>
        %dma_wait3A_157 = tpu.memref_squeeze %dma_wait3A_156 : memref<1x80xi32, #tpu.memory_space<vmem>> -> memref<80xi32, #tpu.memory_space<vmem>>
        %dma_wait3A_158 = arith.constant 0 : i32
        %dma_wait3A_159 = arith.constant 0 : i32
        %dma_wait3A_160 = tpu.memref_slice %arg12[%dma_wait3A_158, %dma_wait3A_159] : memref<10016x128xf32, #tpu.memory_space<vmem_shared>> -> memref<10016x128xf32, #tpu.memory_space<vmem_shared>>
        tpu.wait_indirect_dma semaphore(%run_scoped3A_148 : memref<!tpu.dma_semaphore, #tpu.memory_space<semaphore_mem>>) src(%arg9 : memref<80x128xf32, #tpu.memory_space<vmem>>) dst(%dma_wait3A_160 : memref<10016x128xf32, #tpu.memory_space<vmem_shared>>)
        tpu.yield
      }) : () -> ()
      %add3A_106 = arith.constant 3 : i32
      %add3A_107 = arith.addi %add3A_98, %add3A_106 : i32
      %lt3A = arith.constant 125 : i32
      %lt3A_108 = arith.cmpi slt, %add3A_107, %lt3A : i32
      %convert_element_type3A_109 = arith.extui %lt3A_108 : i1 to i32
      %cond3A_110 = arith.constant 0 : i32
      %cond3A_111 = arith.cmpi ne, %convert_element_type3A_109, %cond3A_110 : i32
      scf.if %cond3A_111 {
        %add3A_148 = arith.constant 3 : i32
        %add3A_149 = arith.addi %add3A_98, %add3A_148 : i32
        %dma_start3A_150 = arith.constant 0 : i32
        %dma_start3A_151 = tpu.memref_slice %arg7[%add3A_149, %dma_start3A_150] : memref<125x80xi32, #tpu.memory_space<vmem>> -> memref<1x80xi32, #tpu.memory_space<vmem>>
        %dma_start3A_152 = tpu.memref_squeeze %dma_start3A_151 : memref<1x80xi32, #tpu.memory_space<vmem>> -> memref<80xi32, #tpu.memory_space<vmem>>
        %dma_start3A_153 = arith.constant 0 : i32
        %dma_start3A_154 = arith.constant 0 : i32
        %dma_start3A_155 = tpu.memref_slice %arg2[%dma_start3A_153, %dma_start3A_154] : memref<10000x128xf32, #tpu.memory_space<hbm>> -> memref<10000x128xf32, #tpu.memory_space<hbm>>
        tpu.enqueue_indirect_dma source(%dma_start3A_155 : memref<10000x128xf32, #tpu.memory_space<hbm>>) target(%arg9 : memref<80x128xf32, #tpu.memory_space<vmem>>) offsets(%dma_start3A_152 : memref<80xi32, #tpu.memory_space<vmem>>) semaphore(%arg13 : memref<!tpu.dma_semaphore, #tpu.memory_space<semaphore_mem>>)
      } else {
      }
      %mul3A_112 = arith.constant 3 : i32
      %mul3A_113 = arith.muli %mul3A_112, %add3A_94 : i32
      %add3A_114 = arith.constant 1 : i32
      %add3A_115 = arith.addi %mul3A_113, %add3A_114 : i32
      %dma_wait3A_116 = arith.constant 0 : i32
      %dma_wait3A_117 = arith.constant 0 : i32
      %dma_wait3A_118 = tpu.memref_slice %arg7[%dma_wait3A_116, %dma_wait3A_117] : memref<125x80xi32, #tpu.memory_space<vmem>> -> memref<1x80xi32, #tpu.memory_space<vmem>>
      %dma_wait3A_119 = tpu.memref_squeeze %dma_wait3A_118 : memref<1x80xi32, #tpu.memory_space<vmem>> -> memref<80xi32, #tpu.memory_space<vmem>>
      %dma_wait3A_120 = arith.constant 0 : i32
      %dma_wait3A_121 = arith.constant 0 : i32
      %dma_wait3A_122 = tpu.memref_slice %arg2[%dma_wait3A_120, %dma_wait3A_121] : memref<10000x128xf32, #tpu.memory_space<hbm>> -> memref<10000x128xf32, #tpu.memory_space<hbm>>
      tpu.wait_indirect_dma semaphore(%arg14 : memref<!tpu.dma_semaphore, #tpu.memory_space<semaphore_mem>>) src(%dma_wait3A_122 : memref<10000x128xf32, #tpu.memory_space<hbm>>) dst(%arg9 : memref<80x128xf32, #tpu.memory_space<vmem>>)
      "tpu.region"() ({
        %run_scoped3A_148 = tpu.sem_alloc : memref<!tpu.dma_semaphore, #tpu.memory_space<semaphore_mem>>
        %dma_start3A_149 = arith.constant 0 : i32
        %dma_start3A_150 = tpu.memref_slice %arg8[%add3A_115, %dma_start3A_149] : memref<125x80xi32, #tpu.memory_space<vmem>> -> memref<1x80xi32, #tpu.memory_space<vmem>>
        %dma_start3A_151 = tpu.memref_squeeze %dma_start3A_150 : memref<1x80xi32, #tpu.memory_space<vmem>> -> memref<80xi32, #tpu.memory_space<vmem>>
        %dma_start3A_152 = arith.constant 0 : i32
        %dma_start3A_153 = arith.constant 0 : i32
        %dma_start3A_154 = tpu.memref_slice %arg12[%dma_start3A_152, %dma_start3A_153] : memref<10016x128xf32, #tpu.memory_space<vmem_shared>> -> memref<10016x128xf32, #tpu.memory_space<vmem_shared>>
        tpu.enqueue_indirect_dma source(%arg10 : memref<80x128xf32, #tpu.memory_space<vmem>>) target(%dma_start3A_154 : memref<10016x128xf32, #tpu.memory_space<vmem_shared>>) offsets(%dma_start3A_151 : memref<80xi32, #tpu.memory_space<vmem>>) semaphore(%run_scoped3A_148 : memref<!tpu.dma_semaphore, #tpu.memory_space<semaphore_mem>>) {add = true}
        %dma_wait3A_155 = arith.constant 0 : i32
        %dma_wait3A_156 = tpu.memref_slice %arg8[%add3A_115, %dma_wait3A_155] : memref<125x80xi32, #tpu.memory_space<vmem>> -> memref<1x80xi32, #tpu.memory_space<vmem>>
        %dma_wait3A_157 = tpu.memref_squeeze %dma_wait3A_156 : memref<1x80xi32, #tpu.memory_space<vmem>> -> memref<80xi32, #tpu.memory_space<vmem>>
        %dma_wait3A_158 = arith.constant 0 : i32
        %dma_wait3A_159 = arith.constant 0 : i32
        %dma_wait3A_160 = tpu.memref_slice %arg12[%dma_wait3A_158, %dma_wait3A_159] : memref<10016x128xf32, #tpu.memory_space<vmem_shared>> -> memref<10016x128xf32, #tpu.memory_space<vmem_shared>>
        tpu.wait_indirect_dma semaphore(%run_scoped3A_148 : memref<!tpu.dma_semaphore, #tpu.memory_space<semaphore_mem>>) src(%arg10 : memref<80x128xf32, #tpu.memory_space<vmem>>) dst(%dma_wait3A_160 : memref<10016x128xf32, #tpu.memory_space<vmem_shared>>)
        tpu.yield
      }) : () -> ()
      %add3A_123 = arith.constant 3 : i32
      %add3A_124 = arith.addi %add3A_115, %add3A_123 : i32
      %lt3A_125 = arith.constant 125 : i32
      %lt3A_126 = arith.cmpi slt, %add3A_124, %lt3A_125 : i32
      %convert_element_type3A_127 = arith.extui %lt3A_126 : i1 to i32
      %cond3A_128 = arith.constant 0 : i32
      %cond3A_129 = arith.cmpi ne, %convert_element_type3A_127, %cond3A_128 : i32
      scf.if %cond3A_129 {
        %add3A_148 = arith.constant 3 : i32
        %add3A_149 = arith.addi %add3A_115, %add3A_148 : i32
        %dma_start3A_150 = arith.constant 0 : i32
        %dma_start3A_151 = tpu.memref_slice %arg7[%add3A_149, %dma_start3A_150] : memref<125x80xi32, #tpu.memory_space<vmem>> -> memref<1x80xi32, #tpu.memory_space<vmem>>
        %dma_start3A_152 = tpu.memref_squeeze %dma_start3A_151 : memref<1x80xi32, #tpu.memory_space<vmem>> -> memref<80xi32, #tpu.memory_space<vmem>>
        %dma_start3A_153 = arith.constant 0 : i32
        %dma_start3A_154 = arith.constant 0 : i32
        %dma_start3A_155 = tpu.memref_slice %arg2[%dma_start3A_153, %dma_start3A_154] : memref<10000x128xf32, #tpu.memory_space<hbm>> -> memref<10000x128xf32, #tpu.memory_space<hbm>>
        tpu.enqueue_indirect_dma source(%dma_start3A_155 : memref<10000x128xf32, #tpu.memory_space<hbm>>) target(%arg10 : memref<80x128xf32, #tpu.memory_space<vmem>>) offsets(%dma_start3A_152 : memref<80xi32, #tpu.memory_space<vmem>>) semaphore(%arg14 : memref<!tpu.dma_semaphore, #tpu.memory_space<semaphore_mem>>)
      } else {
      }
      %mul3A_130 = arith.constant 3 : i32
      %mul3A_131 = arith.muli %mul3A_130, %add3A_94 : i32
      %add3A_132 = arith.constant 2 : i32
      %add3A_133 = arith.addi %mul3A_131, %add3A_132 : i32
      %dma_wait3A_134 = arith.constant 0 : i32
      %dma_wait3A_135 = arith.constant 0 : i32
      %dma_wait3A_136 = tpu.memref_slice %arg7[%dma_wait3A_134, %dma_wait3A_135] : memref<125x80xi32, #tpu.memory_space<vmem>> -> memref<1x80xi32, #tpu.memory_space<vmem>>
      %dma_wait3A_137 = tpu.memref_squeeze %dma_wait3A_136 : memref<1x80xi32, #tpu.memory_space<vmem>> -> memref<80xi32, #tpu.memory_space<vmem>>
      %dma_wait3A_138 = arith.constant 0 : i32
      %dma_wait3A_139 = arith.constant 0 : i32
      %dma_wait3A_140 = tpu.memref_slice %arg2[%dma_wait3A_138, %dma_wait3A_139] : memref<10000x128xf32, #tpu.memory_space<hbm>> -> memref<10000x128xf32, #tpu.memory_space<hbm>>
      tpu.wait_indirect_dma semaphore(%arg15 : memref<!tpu.dma_semaphore, #tpu.memory_space<semaphore_mem>>) src(%dma_wait3A_140 : memref<10000x128xf32, #tpu.memory_space<hbm>>) dst(%arg9 : memref<80x128xf32, #tpu.memory_space<vmem>>)
      "tpu.region"() ({
        %run_scoped3A_148 = tpu.sem_alloc : memref<!tpu.dma_semaphore, #tpu.memory_space<semaphore_mem>>
        %dma_start3A_149 = arith.constant 0 : i32
        %dma_start3A_150 = tpu.memref_slice %arg8[%add3A_133, %dma_start3A_149] : memref<125x80xi32, #tpu.memory_space<vmem>> -> memref<1x80xi32, #tpu.memory_space<vmem>>
        %dma_start3A_151 = tpu.memref_squeeze %dma_start3A_150 : memref<1x80xi32, #tpu.memory_space<vmem>> -> memref<80xi32, #tpu.memory_space<vmem>>
        %dma_start3A_152 = arith.constant 0 : i32
        %dma_start3A_153 = arith.constant 0 : i32
        %dma_start3A_154 = tpu.memref_slice %arg12[%dma_start3A_152, %dma_start3A_153] : memref<10016x128xf32, #tpu.memory_space<vmem_shared>> -> memref<10016x128xf32, #tpu.memory_space<vmem_shared>>
        tpu.enqueue_indirect_dma source(%arg11 : memref<80x128xf32, #tpu.memory_space<vmem>>) target(%dma_start3A_154 : memref<10016x128xf32, #tpu.memory_space<vmem_shared>>) offsets(%dma_start3A_151 : memref<80xi32, #tpu.memory_space<vmem>>) semaphore(%run_scoped3A_148 : memref<!tpu.dma_semaphore, #tpu.memory_space<semaphore_mem>>) {add = true}
        %dma_wait3A_155 = arith.constant 0 : i32
        %dma_wait3A_156 = tpu.memref_slice %arg8[%add3A_133, %dma_wait3A_155] : memref<125x80xi32, #tpu.memory_space<vmem>> -> memref<1x80xi32, #tpu.memory_space<vmem>>
        %dma_wait3A_157 = tpu.memref_squeeze %dma_wait3A_156 : memref<1x80xi32, #tpu.memory_space<vmem>> -> memref<80xi32, #tpu.memory_space<vmem>>
        %dma_wait3A_158 = arith.constant 0 : i32
        %dma_wait3A_159 = arith.constant 0 : i32
        %dma_wait3A_160 = tpu.memref_slice %arg12[%dma_wait3A_158, %dma_wait3A_159] : memref<10016x128xf32, #tpu.memory_space<vmem_shared>> -> memref<10016x128xf32, #tpu.memory_space<vmem_shared>>
        tpu.wait_indirect_dma semaphore(%run_scoped3A_148 : memref<!tpu.dma_semaphore, #tpu.memory_space<semaphore_mem>>) src(%arg11 : memref<80x128xf32, #tpu.memory_space<vmem>>) dst(%dma_wait3A_160 : memref<10016x128xf32, #tpu.memory_space<vmem_shared>>)
        tpu.yield
      }) : () -> ()
      %add3A_141 = arith.constant 3 : i32
      %add3A_142 = arith.addi %add3A_133, %add3A_141 : i32
      %lt3A_143 = arith.constant 125 : i32
      %lt3A_144 = arith.cmpi slt, %add3A_142, %lt3A_143 : i32
      %convert_element_type3A_145 = arith.extui %lt3A_144 : i1 to i32
      %cond3A_146 = arith.constant 0 : i32
      %cond3A_147 = arith.cmpi ne, %convert_element_type3A_145, %cond3A_146 : i32
      scf.if %cond3A_147 {
        %add3A_148 = arith.constant 3 : i32
        %add3A_149 = arith.addi %add3A_133, %add3A_148 : i32
        %dma_start3A_150 = arith.constant 0 : i32
        %dma_start3A_151 = tpu.memref_slice %arg7[%add3A_149, %dma_start3A_150] : memref<125x80xi32, #tpu.memory_space<vmem>> -> memref<1x80xi32, #tpu.memory_space<vmem>>
        %dma_start3A_152 = tpu.memref_squeeze %dma_start3A_151 : memref<1x80xi32, #tpu.memory_space<vmem>> -> memref<80xi32, #tpu.memory_space<vmem>>
        %dma_start3A_153 = arith.constant 0 : i32
        %dma_start3A_154 = arith.constant 0 : i32
        %dma_start3A_155 = tpu.memref_slice %arg2[%dma_start3A_153, %dma_start3A_154] : memref<10000x128xf32, #tpu.memory_space<hbm>> -> memref<10000x128xf32, #tpu.memory_space<hbm>>
        tpu.enqueue_indirect_dma source(%dma_start3A_155 : memref<10000x128xf32, #tpu.memory_space<hbm>>) target(%arg11 : memref<80x128xf32, #tpu.memory_space<vmem>>) offsets(%dma_start3A_152 : memref<80xi32, #tpu.memory_space<vmem>>) semaphore(%arg15 : memref<!tpu.dma_semaphore, #tpu.memory_space<semaphore_mem>>)
      } else {
      }
    }
    %scan3A_64 = arith.constant 41 : i32
    %dma_wait3A = arith.constant 0 : i32
    %dma_wait3A_65 = arith.constant 0 : i32
    %dma_wait3A_66 = tpu.memref_slice %arg7[%dma_wait3A, %dma_wait3A_65] : memref<125x80xi32, #tpu.memory_space<vmem>> -> memref<1x80xi32, #tpu.memory_space<vmem>>
    %dma_wait3A_67 = tpu.memref_squeeze %dma_wait3A_66 : memref<1x80xi32, #tpu.memory_space<vmem>> -> memref<80xi32, #tpu.memory_space<vmem>>
    %dma_wait3A_68 = arith.constant 0 : i32
    %dma_wait3A_69 = arith.constant 0 : i32
    %dma_wait3A_70 = tpu.memref_slice %arg2[%dma_wait3A_68, %dma_wait3A_69] : memref<10000x128xf32, #tpu.memory_space<hbm>> -> memref<10000x128xf32, #tpu.memory_space<hbm>>
    tpu.wait_indirect_dma semaphore(%arg13 : memref<!tpu.dma_semaphore, #tpu.memory_space<semaphore_mem>>) src(%dma_wait3A_70 : memref<10000x128xf32, #tpu.memory_space<hbm>>) dst(%arg9 : memref<80x128xf32, #tpu.memory_space<vmem>>)
    %run_scoped3A = arith.constant 123 : i32
    "tpu.region"() ({
      %run_scoped3A_90 = tpu.sem_alloc : memref<!tpu.dma_semaphore, #tpu.memory_space<semaphore_mem>>
      %dma_start3A_91 = arith.constant 0 : i32
      %dma_start3A_92 = tpu.memref_slice %arg8[%run_scoped3A, %dma_start3A_91] : memref<125x80xi32, #tpu.memory_space<vmem>> -> memref<1x80xi32, #tpu.memory_space<vmem>>
      %dma_start3A_93 = tpu.memref_squeeze %dma_start3A_92 : memref<1x80xi32, #tpu.memory_space<vmem>> -> memref<80xi32, #tpu.memory_space<vmem>>
      %dma_start3A_94 = arith.constant 0 : i32
      %dma_start3A_95 = arith.constant 0 : i32
      %dma_start3A_96 = tpu.memref_slice %arg12[%dma_start3A_94, %dma_start3A_95] : memref<10016x128xf32, #tpu.memory_space<vmem_shared>> -> memref<10016x128xf32, #tpu.memory_space<vmem_shared>>
      tpu.enqueue_indirect_dma source(%arg9 : memref<80x128xf32, #tpu.memory_space<vmem>>) target(%dma_start3A_96 : memref<10016x128xf32, #tpu.memory_space<vmem_shared>>) offsets(%dma_start3A_93 : memref<80xi32, #tpu.memory_space<vmem>>) semaphore(%run_scoped3A_90 : memref<!tpu.dma_semaphore, #tpu.memory_space<semaphore_mem>>) {add = true}
      %dma_wait3A_97 = arith.constant 0 : i32
      %dma_wait3A_98 = tpu.memref_slice %arg8[%run_scoped3A, %dma_wait3A_97] : memref<125x80xi32, #tpu.memory_space<vmem>> -> memref<1x80xi32, #tpu.memory_space<vmem>>
      %dma_wait3A_99 = tpu.memref_squeeze %dma_wait3A_98 : memref<1x80xi32, #tpu.memory_space<vmem>> -> memref<80xi32, #tpu.memory_space<vmem>>
      %dma_wait3A_100 = arith.constant 0 : i32
      %dma_wait3A_101 = arith.constant 0 : i32
      %dma_wait3A_102 = tpu.memref_slice %arg12[%dma_wait3A_100, %dma_wait3A_101] : memref<10016x128xf32, #tpu.memory_space<vmem_shared>> -> memref<10016x128xf32, #tpu.memory_space<vmem_shared>>
      tpu.wait_indirect_dma semaphore(%run_scoped3A_90 : memref<!tpu.dma_semaphore, #tpu.memory_space<semaphore_mem>>) src(%arg9 : memref<80x128xf32, #tpu.memory_space<vmem>>) dst(%dma_wait3A_102 : memref<10016x128xf32, #tpu.memory_space<vmem_shared>>)
      tpu.yield
    }) : () -> ()
    %dma_wait3A_71 = arith.constant 0 : i32
    %dma_wait3A_72 = arith.constant 0 : i32
    %dma_wait3A_73 = tpu.memref_slice %arg7[%dma_wait3A_71, %dma_wait3A_72] : memref<125x80xi32, #tpu.memory_space<vmem>> -> memref<1x80xi32, #tpu.memory_space<vmem>>
    %dma_wait3A_74 = tpu.memref_squeeze %dma_wait3A_73 : memref<1x80xi32, #tpu.memory_space<vmem>> -> memref<80xi32, #tpu.memory_space<vmem>>
    %dma_wait3A_75 = arith.constant 0 : i32
    %dma_wait3A_76 = arith.constant 0 : i32
    %dma_wait3A_77 = tpu.memref_slice %arg2[%dma_wait3A_75, %dma_wait3A_76] : memref<10000x128xf32, #tpu.memory_space<hbm>> -> memref<10000x128xf32, #tpu.memory_space<hbm>>
    tpu.wait_indirect_dma semaphore(%arg14 : memref<!tpu.dma_semaphore, #tpu.memory_space<semaphore_mem>>) src(%dma_wait3A_77 : memref<10000x128xf32, #tpu.memory_space<hbm>>) dst(%arg9 : memref<80x128xf32, #tpu.memory_space<vmem>>)
    %run_scoped3A_78 = arith.constant 124 : i32
    "tpu.region"() ({
      %run_scoped3A_90 = tpu.sem_alloc : memref<!tpu.dma_semaphore, #tpu.memory_space<semaphore_mem>>
      %dma_start3A_91 = arith.constant 0 : i32
      %dma_start3A_92 = tpu.memref_slice %arg8[%run_scoped3A_78, %dma_start3A_91] : memref<125x80xi32, #tpu.memory_space<vmem>> -> memref<1x80xi32, #tpu.memory_space<vmem>>
      %dma_start3A_93 = tpu.memref_squeeze %dma_start3A_92 : memref<1x80xi32, #tpu.memory_space<vmem>> -> memref<80xi32, #tpu.memory_space<vmem>>
      %dma_start3A_94 = arith.constant 0 : i32
      %dma_start3A_95 = arith.constant 0 : i32
      %dma_start3A_96 = tpu.memref_slice %arg12[%dma_start3A_94, %dma_start3A_95] : memref<10016x128xf32, #tpu.memory_space<vmem_shared>> -> memref<10016x128xf32, #tpu.memory_space<vmem_shared>>
      tpu.enqueue_indirect_dma source(%arg10 : memref<80x128xf32, #tpu.memory_space<vmem>>) target(%dma_start3A_96 : memref<10016x128xf32, #tpu.memory_space<vmem_shared>>) offsets(%dma_start3A_93 : memref<80xi32, #tpu.memory_space<vmem>>) semaphore(%run_scoped3A_90 : memref<!tpu.dma_semaphore, #tpu.memory_space<semaphore_mem>>) {add = true}
      %dma_wait3A_97 = arith.constant 0 : i32
      %dma_wait3A_98 = tpu.memref_slice %arg8[%run_scoped3A_78, %dma_wait3A_97] : memref<125x80xi32, #tpu.memory_space<vmem>> -> memref<1x80xi32, #tpu.memory_space<vmem>>
      %dma_wait3A_99 = tpu.memref_squeeze %dma_wait3A_98 : memref<1x80xi32, #tpu.memory_space<vmem>> -> memref<80xi32, #tpu.memory_space<vmem>>
      %dma_wait3A_100 = arith.constant 0 : i32
      %dma_wait3A_101 = arith.constant 0 : i32
      %dma_wait3A_102 = tpu.memref_slice %arg12[%dma_wait3A_100, %dma_wait3A_101] : memref<10016x128xf32, #tpu.memory_space<vmem_shared>> -> memref<10016x128xf32, #tpu.memory_space<vmem_shared>>
      tpu.wait_indirect_dma semaphore(%run_scoped3A_90 : memref<!tpu.dma_semaphore, #tpu.memory_space<semaphore_mem>>) src(%arg10 : memref<80x128xf32, #tpu.memory_space<vmem>>) dst(%dma_wait3A_102 : memref<10016x128xf32, #tpu.memory_space<vmem_shared>>)
      tpu.yield
    }) : () -> ()
    %barrier3A_79 = arith.constant 0 : index
    tpu.barrier barrier_id(%barrier3A_79)
    %eq3A_80 = arith.constant 0 : i32
    %eq3A_81 = arith.cmpi eq, %arg0, %eq3A_80 : i32
    %convert_element_type3A_82 = arith.extui %eq3A_81 : i1 to i32
    %cond3A_83 = arith.constant 0 : i32
    %cond3A_84 = arith.cmpi ne, %convert_element_type3A_82, %cond3A_83 : i32
    scf.if %cond3A_84 {
      %mul3A_90 = arith.constant 624 : i32
      %mul3A_91 = arith.muli %arg1, %mul3A_90 : i32
      %mul3A_92 = arith.constant 624 : i32
      %mul3A_93 = arith.muli %arg1, %mul3A_92 : i32
      "tpu.region"() ({
        %run_scoped3A_99 = tpu.sem_alloc : memref<!tpu.dma_semaphore, #tpu.memory_space<semaphore_mem>>
        %dma_start3A_100 = arith.constant 0 : i32
        %dma_start3A_101 = tpu.memref_slice %arg5[%mul3A_93, %dma_start3A_100] : memref<10000x128xf32, #tpu.memory_space<hbm>> -> memref<624x128xf32, #tpu.memory_space<hbm>>
        %dma_start3A_102 = arith.constant 0 : i32
        %dma_start3A_103 = tpu.memref_slice %arg12[%mul3A_91, %dma_start3A_102] : memref<10016x128xf32, #tpu.memory_space<vmem_shared>> -> memref<624x128xf32, #tpu.memory_space<vmem_shared>>
        tpu.enqueue_dma source(%dma_start3A_103 : memref<624x128xf32, #tpu.memory_space<vmem_shared>>) target(%dma_start3A_101 : memref<624x128xf32, #tpu.memory_space<hbm>>) target_semaphore(%run_scoped3A_99 : memref<!tpu.dma_semaphore, #tpu.memory_space<semaphore_mem>>)
        %dma_wait3A_104 = arith.constant 0 : i32
        %dma_wait3A_105 = tpu.memref_slice %arg5[%mul3A_93, %dma_wait3A_104] : memref<10000x128xf32, #tpu.memory_space<hbm>> -> memref<624x128xf32, #tpu.memory_space<hbm>>
        %dma_wait3A_106 = arith.constant 0 : i32
        %dma_wait3A_107 = tpu.memref_slice %arg12[%mul3A_91, %dma_wait3A_106] : memref<10016x128xf32, #tpu.memory_space<vmem_shared>> -> memref<624x128xf32, #tpu.memory_space<vmem_shared>>
        tpu.wait_dma2 semaphore(%run_scoped3A_99 : memref<!tpu.dma_semaphore, #tpu.memory_space<semaphore_mem>>) src(%dma_wait3A_107 : memref<624x128xf32, #tpu.memory_space<vmem_shared>>) dst(%dma_wait3A_105 : memref<624x128xf32, #tpu.memory_space<hbm>>)
        tpu.yield
      }) : () -> ()
      %eq3A_94 = arith.constant 15 : i32
      %eq3A_95 = arith.cmpi eq, %arg1, %eq3A_94 : i32
      %convert_element_type3A_96 = arith.extui %eq3A_95 : i1 to i32
      %cond3A_97 = arith.constant 0 : i32
      %cond3A_98 = arith.cmpi ne, %convert_element_type3A_96, %cond3A_97 : i32
      scf.if %cond3A_98 {
        "tpu.region"() ({
          %run_scoped3A_99 = tpu.sem_alloc : memref<!tpu.dma_semaphore, #tpu.memory_space<semaphore_mem>>
          %dma_start3A_100 = arith.constant 9984 : i32
          %dma_start3A_101 = arith.constant 0 : i32
          %dma_start3A_102 = tpu.memref_slice %arg5[%dma_start3A_100, %dma_start3A_101] : memref<10000x128xf32, #tpu.memory_space<hbm>> -> memref<16x128xf32, #tpu.memory_space<hbm>>
          %dma_start3A_103 = arith.constant 9984 : i32
          %dma_start3A_104 = arith.constant 0 : i32
          %dma_start3A_105 = tpu.memref_slice %arg12[%dma_start3A_103, %dma_start3A_104] : memref<10016x128xf32, #tpu.memory_space<vmem_shared>> -> memref<16x128xf32, #tpu.memory_space<vmem_shared>>
          tpu.enqueue_dma source(%dma_start3A_105 : memref<16x128xf32, #tpu.memory_space<vmem_shared>>) target(%dma_start3A_102 : memref<16x128xf32, #tpu.memory_space<hbm>>) target_semaphore(%run_scoped3A_99 : memref<!tpu.dma_semaphore, #tpu.memory_space<semaphore_mem>>)
          %dma_wait3A_106 = arith.constant 9984 : i32
          %dma_wait3A_107 = arith.constant 0 : i32
          %dma_wait3A_108 = tpu.memref_slice %arg5[%dma_wait3A_106, %dma_wait3A_107] : memref<10000x128xf32, #tpu.memory_space<hbm>> -> memref<16x128xf32, #tpu.memory_space<hbm>>
          %dma_wait3A_109 = arith.constant 9984 : i32
          %dma_wait3A_110 = arith.constant 0 : i32
          %dma_wait3A_111 = tpu.memref_slice %arg12[%dma_wait3A_109, %dma_wait3A_110] : memref<10016x128xf32, #tpu.memory_space<vmem_shared>> -> memref<16x128xf32, #tpu.memory_space<vmem_shared>>
          tpu.wait_dma2 semaphore(%run_scoped3A_99 : memref<!tpu.dma_semaphore, #tpu.memory_space<semaphore_mem>>) src(%dma_wait3A_111 : memref<16x128xf32, #tpu.memory_space<vmem_shared>>) dst(%dma_wait3A_108 : memref<16x128xf32, #tpu.memory_space<hbm>>)
          tpu.yield
        }) : () -> ()
      } else {
      }
    } else {
    }
    %eq3A_85 = arith.constant 1 : i32
    %eq3A_86 = arith.cmpi eq, %arg0, %eq3A_85 : i32
    %convert_element_type3A_87 = arith.extui %eq3A_86 : i1 to i32
    %cond3A_88 = arith.constant 0 : i32
    %cond3A_89 = arith.cmpi ne, %convert_element_type3A_87, %cond3A_88 : i32
    scf.if %cond3A_89 {
      %mul3A_90 = arith.constant 624 : i32
      %mul3A_91 = arith.muli %arg1, %mul3A_90 : i32
      %mul3A_92 = arith.constant 624 : i32
      %mul3A_93 = arith.muli %arg1, %mul3A_92 : i32
      "tpu.region"() ({
        %run_scoped3A_99 = tpu.sem_alloc : memref<!tpu.dma_semaphore, #tpu.memory_space<semaphore_mem>>
        %dma_start3A_100 = arith.constant 0 : i32
        %dma_start3A_101 = tpu.memref_slice %arg6[%mul3A_93, %dma_start3A_100] : memref<10000x128xf32, #tpu.memory_space<hbm>> -> memref<624x128xf32, #tpu.memory_space<hbm>>
        %dma_start3A_102 = arith.constant 0 : i32
        %dma_start3A_103 = tpu.memref_slice %arg12[%mul3A_91, %dma_start3A_102] : memref<10016x128xf32, #tpu.memory_space<vmem_shared>> -> memref<624x128xf32, #tpu.memory_space<vmem_shared>>
        tpu.enqueue_dma source(%dma_start3A_103 : memref<624x128xf32, #tpu.memory_space<vmem_shared>>) target(%dma_start3A_101 : memref<624x128xf32, #tpu.memory_space<hbm>>) target_semaphore(%run_scoped3A_99 : memref<!tpu.dma_semaphore, #tpu.memory_space<semaphore_mem>>)
        %dma_wait3A_104 = arith.constant 0 : i32
        %dma_wait3A_105 = tpu.memref_slice %arg6[%mul3A_93, %dma_wait3A_104] : memref<10000x128xf32, #tpu.memory_space<hbm>> -> memref<624x128xf32, #tpu.memory_space<hbm>>
        %dma_wait3A_106 = arith.constant 0 : i32
        %dma_wait3A_107 = tpu.memref_slice %arg12[%mul3A_91, %dma_wait3A_106] : memref<10016x128xf32, #tpu.memory_space<vmem_shared>> -> memref<624x128xf32, #tpu.memory_space<vmem_shared>>
        tpu.wait_dma2 semaphore(%run_scoped3A_99 : memref<!tpu.dma_semaphore, #tpu.memory_space<semaphore_mem>>) src(%dma_wait3A_107 : memref<624x128xf32, #tpu.memory_space<vmem_shared>>) dst(%dma_wait3A_105 : memref<624x128xf32, #tpu.memory_space<hbm>>)
        tpu.yield
      }) : () -> ()
      %eq3A_94 = arith.constant 15 : i32
      %eq3A_95 = arith.cmpi eq, %arg1, %eq3A_94 : i32
      %convert_element_type3A_96 = arith.extui %eq3A_95 : i1 to i32
      %cond3A_97 = arith.constant 0 : i32
      %cond3A_98 = arith.cmpi ne, %convert_element_type3A_96, %cond3A_97 : i32
      scf.if %cond3A_98 {
        "tpu.region"() ({
          %run_scoped3A_99 = tpu.sem_alloc : memref<!tpu.dma_semaphore, #tpu.memory_space<semaphore_mem>>
          %dma_start3A_100 = arith.constant 9984 : i32
          %dma_start3A_101 = arith.constant 0 : i32
          %dma_start3A_102 = tpu.memref_slice %arg6[%dma_start3A_100, %dma_start3A_101] : memref<10000x128xf32, #tpu.memory_space<hbm>> -> memref<16x128xf32, #tpu.memory_space<hbm>>
          %dma_start3A_103 = arith.constant 9984 : i32
          %dma_start3A_104 = arith.constant 0 : i32
          %dma_start3A_105 = tpu.memref_slice %arg12[%dma_start3A_103, %dma_start3A_104] : memref<10016x128xf32, #tpu.memory_space<vmem_shared>> -> memref<16x128xf32, #tpu.memory_space<vmem_shared>>
          tpu.enqueue_dma source(%dma_start3A_105 : memref<16x128xf32, #tpu.memory_space<vmem_shared>>) target(%dma_start3A_102 : memref<16x128xf32, #tpu.memory_space<hbm>>) target_semaphore(%run_scoped3A_99 : memref<!tpu.dma_semaphore, #tpu.memory_space<semaphore_mem>>)
          %dma_wait3A_106 = arith.constant 9984 : i32
          %dma_wait3A_107 = arith.constant 0 : i32
          %dma_wait3A_108 = tpu.memref_slice %arg6[%dma_wait3A_106, %dma_wait3A_107] : memref<10000x128xf32, #tpu.memory_space<hbm>> -> memref<16x128xf32, #tpu.memory_space<hbm>>
          %dma_wait3A_109 = arith.constant 9984 : i32
          %dma_wait3A_110 = arith.constant 0 : i32
          %dma_wait3A_111 = tpu.memref_slice %arg12[%dma_wait3A_109, %dma_wait3A_110] : memref<10016x128xf32, #tpu.memory_space<vmem_shared>> -> memref<16x128xf32, #tpu.memory_space<vmem_shared>>
          tpu.wait_dma2 semaphore(%run_scoped3A_99 : memref<!tpu.dma_semaphore, #tpu.memory_space<semaphore_mem>>) src(%dma_wait3A_111 : memref<16x128xf32, #tpu.memory_space<vmem_shared>>) dst(%dma_wait3A_108 : memref<16x128xf32, #tpu.memory_space<hbm>>)
          tpu.yield
        }) : () -> ()
      } else {
      }
    } else {
    }
    return
  }
}

#map = affine_map<(d0, d1) -> (0, 0)>
#map1 = affine_map<(d0, d1) -> (0, 0, 0)>
module attributes {stable_mosaic.version = 14 : i64} {
  func.func @agg_kernel(%arg0: i32, %arg1: i32, %arg2: memref<10000x48xf32, #tpu.memory_space<hbm>>, %arg3: memref<32x125x80xi32, #tpu.memory_space<hbm>>, %arg4: memref<32x125x80xi32, #tpu.memory_space<hbm>>, %arg5: memref<10000x48xf32, #tpu.memory_space<hbm>>, %arg6: memref<10000x48xf32, #tpu.memory_space<hbm>>, %arg7: memref<125x80xi32, #tpu.memory_space<vmem>>, %arg8: memref<125x80xi32, #tpu.memory_space<vmem>>, %arg9: memref<80x48xf32, #tpu.memory_space<vmem>>, %arg10: memref<80x48xf32, #tpu.memory_space<vmem>>, %arg11: memref<80x48xf32, #tpu.memory_space<vmem>>, %arg12: memref<10016x48xf32, #tpu.memory_space<vmem_shared>>, %arg13: memref<!tpu.dma_semaphore, #tpu.memory_space<semaphore_mem>>, %arg14: memref<!tpu.dma_semaphore, #tpu.memory_space<semaphore_mem>>, %arg15: memref<!tpu.dma_semaphore, #tpu.memory_space<semaphore_mem>>) attributes {dimension_semantics = [#tpu.dimension_semantics<core_parallel>, #tpu.dimension_semantics<subcore_parallel>], iteration_bounds = array<i64: 2, 16>, scalar_prefetch = 0 : i64, scratch_operands = 9 : i64, tpu.core_type = #tpu.core_type<sc_vector_subcore>, window_params = [{transform_indices = #map}, {transform_indices = #map1}, {transform_indices = #map1}, {transform_indices = #map}, {transform_indices = #map}]} {
    %mul3A = arith.constant 16 : i32
    %mul3A_0 = arith.muli %arg0, %mul3A : i32
    %add3A = arith.addi %mul3A_0, %arg1 : i32
    %broadcast_in_dim3A = arith.constant 0.000000e+00 : f32
    %broadcast_in_dim3A_1 = vector.broadcast %broadcast_in_dim3A : f32 to vector<16xf32>
    %scan3A = arith.constant 0 : i32
    %scan3A_2 = arith.constant 80 : i32
    %scan3A_3 = arith.addi %scan3A, %scan3A_2 : i32
    %scan3A_4 = arith.constant 1 : i32
    scf.for %scan3A_90 = %scan3A to %scan3A_3 step %scan3A_4  : i32 {
      %mul3A_91 = arith.constant 1 : i32
      %mul3A_92 = arith.muli %scan3A_90, %mul3A_91 : i32
      %add3A_93 = arith.constant 0 : i32
      %add3A_94 = arith.addi %add3A_93, %mul3A_92 : i32
      %swap3A = arith.index_cast %add3A_94 : i32 to index
      %swap3A_95 = arith.constant 0 : index
      %swap3A_96 = tpu.vector_load %arg9[%swap3A, %swap3A_95] {strides = array<i32>} : memref<80x48xf32, #tpu.memory_space<vmem>>, vector<1x16xf32>,
      %swap3A_97 = vector.shape_cast %swap3A_96 : vector<1x16xf32> to vector<16xf32>
      %swap3A_98 = vector.shape_cast %broadcast_in_dim3A_1 : vector<16xf32> to vector<1x16xf32>
      tpu.vector_store %arg9[%swap3A, %swap3A_95], %swap3A_98 {strides = array<i32>} : memref<80x48xf32, #tpu.memory_space<vmem>>, vector<1x16xf32>,
      %swap3A_99 = arith.index_cast %add3A_94 : i32 to index
      %swap3A_100 = arith.constant 16 : index
      %swap3A_101 = tpu.vector_load %arg9[%swap3A_99, %swap3A_100] {strides = array<i32>} : memref<80x48xf32, #tpu.memory_space<vmem>>, vector<1x16xf32>,
      %swap3A_102 = vector.shape_cast %swap3A_101 : vector<1x16xf32> to vector<16xf32>
      %swap3A_103 = vector.shape_cast %broadcast_in_dim3A_1 : vector<16xf32> to vector<1x16xf32>
      tpu.vector_store %arg9[%swap3A_99, %swap3A_100], %swap3A_103 {strides = array<i32>} : memref<80x48xf32, #tpu.memory_space<vmem>>, vector<1x16xf32>,
      %swap3A_104 = arith.index_cast %add3A_94 : i32 to index
      %swap3A_105 = arith.constant 32 : index
      %swap3A_106 = tpu.vector_load %arg9[%swap3A_104, %swap3A_105] {strides = array<i32>} : memref<80x48xf32, #tpu.memory_space<vmem>>, vector<1x16xf32>,
      %swap3A_107 = vector.shape_cast %swap3A_106 : vector<1x16xf32> to vector<16xf32>
      %swap3A_108 = vector.shape_cast %broadcast_in_dim3A_1 : vector<16xf32> to vector<1x16xf32>
      tpu.vector_store %arg9[%swap3A_104, %swap3A_105], %swap3A_108 {strides = array<i32>} : memref<80x48xf32, #tpu.memory_space<vmem>>, vector<1x16xf32>,
    }
    %scan3A_5 = arith.constant 80 : i32
    %mul3A_6 = arith.constant 624 : i32
    %mul3A_7 = arith.muli %arg1, %mul3A_6 : i32
    %add3A_8 = arith.constant 0 : i32
    %add3A_9 = arith.addi %mul3A_7, %add3A_8 : i32
    "tpu.region"() ({
      %run_scoped3A_90 = tpu.sem_alloc : memref<!tpu.dma_semaphore, #tpu.memory_space<semaphore_mem>>
      %dma_start3A_91 = arith.constant 0 : i32
      %dma_start3A_92 = tpu.memref_slice %arg12[%add3A_9, %dma_start3A_91] : memref<10016x48xf32, #tpu.memory_space<vmem_shared>> -> memref<80x48xf32, #tpu.memory_space<vmem_shared>>
      %dma_start3A_93 = arith.constant 0 : i32
      %dma_start3A_94 = tpu.memref_slice %arg12[%add3A_9, %dma_start3A_93] : memref<10016x48xf32, #tpu.memory_space<vmem_shared>> -> memref<80x48xf32, #tpu.memory_space<vmem_shared>>
      tpu.enqueue_dma source(%arg9 : memref<80x48xf32, #tpu.memory_space<vmem>>) target(%dma_start3A_94 : memref<80x48xf32, #tpu.memory_space<vmem_shared>>) target_semaphore(%run_scoped3A_90 : memref<!tpu.dma_semaphore, #tpu.memory_space<semaphore_mem>>)
      %dma_wait3A_95 = arith.constant 0 : i32
      %dma_wait3A_96 = tpu.memref_slice %arg12[%add3A_9, %dma_wait3A_95] : memref<10016x48xf32, #tpu.memory_space<vmem_shared>> -> memref<80x48xf32, #tpu.memory_space<vmem_shared>>
      %dma_wait3A_97 = arith.constant 0 : i32
      %dma_wait3A_98 = tpu.memref_slice %arg12[%add3A_9, %dma_wait3A_97] : memref<10016x48xf32, #tpu.memory_space<vmem_shared>> -> memref<80x48xf32, #tpu.memory_space<vmem_shared>>
      tpu.wait_dma2 semaphore(%run_scoped3A_90 : memref<!tpu.dma_semaphore, #tpu.memory_space<semaphore_mem>>) src(%arg9 : memref<80x48xf32, #tpu.memory_space<vmem>>) dst(%dma_wait3A_98 : memref<80x48xf32, #tpu.memory_space<vmem_shared>>)
      tpu.yield
    }) : () -> ()
    %mul3A_10 = arith.constant 624 : i32
    %mul3A_11 = arith.muli %arg1, %mul3A_10 : i32
    %add3A_12 = arith.constant 80 : i32
    %add3A_13 = arith.addi %mul3A_11, %add3A_12 : i32
    "tpu.region"() ({
      %run_scoped3A_90 = tpu.sem_alloc : memref<!tpu.dma_semaphore, #tpu.memory_space<semaphore_mem>>
      %dma_start3A_91 = arith.constant 0 : i32
      %dma_start3A_92 = tpu.memref_slice %arg12[%add3A_13, %dma_start3A_91] : memref<10016x48xf32, #tpu.memory_space<vmem_shared>> -> memref<80x48xf32, #tpu.memory_space<vmem_shared>>
      %dma_start3A_93 = arith.constant 0 : i32
      %dma_start3A_94 = tpu.memref_slice %arg12[%add3A_13, %dma_start3A_93] : memref<10016x48xf32, #tpu.memory_space<vmem_shared>> -> memref<80x48xf32, #tpu.memory_space<vmem_shared>>
      tpu.enqueue_dma source(%arg9 : memref<80x48xf32, #tpu.memory_space<vmem>>) target(%dma_start3A_94 : memref<80x48xf32, #tpu.memory_space<vmem_shared>>) target_semaphore(%run_scoped3A_90 : memref<!tpu.dma_semaphore, #tpu.memory_space<semaphore_mem>>)
      %dma_wait3A_95 = arith.constant 0 : i32
      %dma_wait3A_96 = tpu.memref_slice %arg12[%add3A_13, %dma_wait3A_95] : memref<10016x48xf32, #tpu.memory_space<vmem_shared>> -> memref<80x48xf32, #tpu.memory_space<vmem_shared>>
      %dma_wait3A_97 = arith.constant 0 : i32
      %dma_wait3A_98 = tpu.memref_slice %arg12[%add3A_13, %dma_wait3A_97] : memref<10016x48xf32, #tpu.memory_space<vmem_shared>> -> memref<80x48xf32, #tpu.memory_space<vmem_shared>>
      tpu.wait_dma2 semaphore(%run_scoped3A_90 : memref<!tpu.dma_semaphore, #tpu.memory_space<semaphore_mem>>) src(%arg9 : memref<80x48xf32, #tpu.memory_space<vmem>>) dst(%dma_wait3A_98 : memref<80x48xf32, #tpu.memory_space<vmem_shared>>)
      tpu.yield
    }) : () -> ()
    %mul3A_14 = arith.constant 624 : i32
    %mul3A_15 = arith.muli %arg1, %mul3A_14 : i32
    %add3A_16 = arith.constant 160 : i32
    %add3A_17 = arith.addi %mul3A_15, %add3A_16 : i32
    "tpu.region"() ({
      %run_scoped3A_90 = tpu.sem_alloc : memref<!tpu.dma_semaphore, #tpu.memory_space<semaphore_mem>>
      %dma_start3A_91 = arith.constant 0 : i32
      %dma_start3A_92 = tpu.memref_slice %arg12[%add3A_17, %dma_start3A_91] : memref<10016x48xf32, #tpu.memory_space<vmem_shared>> -> memref<80x48xf32, #tpu.memory_space<vmem_shared>>
      %dma_start3A_93 = arith.constant 0 : i32
      %dma_start3A_94 = tpu.memref_slice %arg12[%add3A_17, %dma_start3A_93] : memref<10016x48xf32, #tpu.memory_space<vmem_shared>> -> memref<80x48xf32, #tpu.memory_space<vmem_shared>>
      tpu.enqueue_dma source(%arg9 : memref<80x48xf32, #tpu.memory_space<vmem>>) target(%dma_start3A_94 : memref<80x48xf32, #tpu.memory_space<vmem_shared>>) target_semaphore(%run_scoped3A_90 : memref<!tpu.dma_semaphore, #tpu.memory_space<semaphore_mem>>)
      %dma_wait3A_95 = arith.constant 0 : i32
      %dma_wait3A_96 = tpu.memref_slice %arg12[%add3A_17, %dma_wait3A_95] : memref<10016x48xf32, #tpu.memory_space<vmem_shared>> -> memref<80x48xf32, #tpu.memory_space<vmem_shared>>
      %dma_wait3A_97 = arith.constant 0 : i32
      %dma_wait3A_98 = tpu.memref_slice %arg12[%add3A_17, %dma_wait3A_97] : memref<10016x48xf32, #tpu.memory_space<vmem_shared>> -> memref<80x48xf32, #tpu.memory_space<vmem_shared>>
      tpu.wait_dma2 semaphore(%run_scoped3A_90 : memref<!tpu.dma_semaphore, #tpu.memory_space<semaphore_mem>>) src(%arg9 : memref<80x48xf32, #tpu.memory_space<vmem>>) dst(%dma_wait3A_98 : memref<80x48xf32, #tpu.memory_space<vmem_shared>>)
      tpu.yield
    }) : () -> ()
    %mul3A_18 = arith.constant 624 : i32
    %mul3A_19 = arith.muli %arg1, %mul3A_18 : i32
    %add3A_20 = arith.constant 240 : i32
    %add3A_21 = arith.addi %mul3A_19, %add3A_20 : i32
    "tpu.region"() ({
      %run_scoped3A_90 = tpu.sem_alloc : memref<!tpu.dma_semaphore, #tpu.memory_space<semaphore_mem>>
      %dma_start3A_91 = arith.constant 0 : i32
      %dma_start3A_92 = tpu.memref_slice %arg12[%add3A_21, %dma_start3A_91] : memref<10016x48xf32, #tpu.memory_space<vmem_shared>> -> memref<80x48xf32, #tpu.memory_space<vmem_shared>>
      %dma_start3A_93 = arith.constant 0 : i32
      %dma_start3A_94 = tpu.memref_slice %arg12[%add3A_21, %dma_start3A_93] : memref<10016x48xf32, #tpu.memory_space<vmem_shared>> -> memref<80x48xf32, #tpu.memory_space<vmem_shared>>
      tpu.enqueue_dma source(%arg9 : memref<80x48xf32, #tpu.memory_space<vmem>>) target(%dma_start3A_94 : memref<80x48xf32, #tpu.memory_space<vmem_shared>>) target_semaphore(%run_scoped3A_90 : memref<!tpu.dma_semaphore, #tpu.memory_space<semaphore_mem>>)
      %dma_wait3A_95 = arith.constant 0 : i32
      %dma_wait3A_96 = tpu.memref_slice %arg12[%add3A_21, %dma_wait3A_95] : memref<10016x48xf32, #tpu.memory_space<vmem_shared>> -> memref<80x48xf32, #tpu.memory_space<vmem_shared>>
      %dma_wait3A_97 = arith.constant 0 : i32
      %dma_wait3A_98 = tpu.memref_slice %arg12[%add3A_21, %dma_wait3A_97] : memref<10016x48xf32, #tpu.memory_space<vmem_shared>> -> memref<80x48xf32, #tpu.memory_space<vmem_shared>>
      tpu.wait_dma2 semaphore(%run_scoped3A_90 : memref<!tpu.dma_semaphore, #tpu.memory_space<semaphore_mem>>) src(%arg9 : memref<80x48xf32, #tpu.memory_space<vmem>>) dst(%dma_wait3A_98 : memref<80x48xf32, #tpu.memory_space<vmem_shared>>)
      tpu.yield
    }) : () -> ()
    %mul3A_22 = arith.constant 624 : i32
    %mul3A_23 = arith.muli %arg1, %mul3A_22 : i32
    %add3A_24 = arith.constant 320 : i32
    %add3A_25 = arith.addi %mul3A_23, %add3A_24 : i32
    "tpu.region"() ({
      %run_scoped3A_90 = tpu.sem_alloc : memref<!tpu.dma_semaphore, #tpu.memory_space<semaphore_mem>>
      %dma_start3A_91 = arith.constant 0 : i32
      %dma_start3A_92 = tpu.memref_slice %arg12[%add3A_25, %dma_start3A_91] : memref<10016x48xf32, #tpu.memory_space<vmem_shared>> -> memref<80x48xf32, #tpu.memory_space<vmem_shared>>
      %dma_start3A_93 = arith.constant 0 : i32
      %dma_start3A_94 = tpu.memref_slice %arg12[%add3A_25, %dma_start3A_93] : memref<10016x48xf32, #tpu.memory_space<vmem_shared>> -> memref<80x48xf32, #tpu.memory_space<vmem_shared>>
      tpu.enqueue_dma source(%arg9 : memref<80x48xf32, #tpu.memory_space<vmem>>) target(%dma_start3A_94 : memref<80x48xf32, #tpu.memory_space<vmem_shared>>) target_semaphore(%run_scoped3A_90 : memref<!tpu.dma_semaphore, #tpu.memory_space<semaphore_mem>>)
      %dma_wait3A_95 = arith.constant 0 : i32
      %dma_wait3A_96 = tpu.memref_slice %arg12[%add3A_25, %dma_wait3A_95] : memref<10016x48xf32, #tpu.memory_space<vmem_shared>> -> memref<80x48xf32, #tpu.memory_space<vmem_shared>>
      %dma_wait3A_97 = arith.constant 0 : i32
      %dma_wait3A_98 = tpu.memref_slice %arg12[%add3A_25, %dma_wait3A_97] : memref<10016x48xf32, #tpu.memory_space<vmem_shared>> -> memref<80x48xf32, #tpu.memory_space<vmem_shared>>
      tpu.wait_dma2 semaphore(%run_scoped3A_90 : memref<!tpu.dma_semaphore, #tpu.memory_space<semaphore_mem>>) src(%arg9 : memref<80x48xf32, #tpu.memory_space<vmem>>) dst(%dma_wait3A_98 : memref<80x48xf32, #tpu.memory_space<vmem_shared>>)
      tpu.yield
    }) : () -> ()
    %mul3A_26 = arith.constant 624 : i32
    %mul3A_27 = arith.muli %arg1, %mul3A_26 : i32
    %add3A_28 = arith.constant 400 : i32
    %add3A_29 = arith.addi %mul3A_27, %add3A_28 : i32
    "tpu.region"() ({
      %run_scoped3A_90 = tpu.sem_alloc : memref<!tpu.dma_semaphore, #tpu.memory_space<semaphore_mem>>
      %dma_start3A_91 = arith.constant 0 : i32
      %dma_start3A_92 = tpu.memref_slice %arg12[%add3A_29, %dma_start3A_91] : memref<10016x48xf32, #tpu.memory_space<vmem_shared>> -> memref<80x48xf32, #tpu.memory_space<vmem_shared>>
      %dma_start3A_93 = arith.constant 0 : i32
      %dma_start3A_94 = tpu.memref_slice %arg12[%add3A_29, %dma_start3A_93] : memref<10016x48xf32, #tpu.memory_space<vmem_shared>> -> memref<80x48xf32, #tpu.memory_space<vmem_shared>>
      tpu.enqueue_dma source(%arg9 : memref<80x48xf32, #tpu.memory_space<vmem>>) target(%dma_start3A_94 : memref<80x48xf32, #tpu.memory_space<vmem_shared>>) target_semaphore(%run_scoped3A_90 : memref<!tpu.dma_semaphore, #tpu.memory_space<semaphore_mem>>)
      %dma_wait3A_95 = arith.constant 0 : i32
      %dma_wait3A_96 = tpu.memref_slice %arg12[%add3A_29, %dma_wait3A_95] : memref<10016x48xf32, #tpu.memory_space<vmem_shared>> -> memref<80x48xf32, #tpu.memory_space<vmem_shared>>
      %dma_wait3A_97 = arith.constant 0 : i32
      %dma_wait3A_98 = tpu.memref_slice %arg12[%add3A_29, %dma_wait3A_97] : memref<10016x48xf32, #tpu.memory_space<vmem_shared>> -> memref<80x48xf32, #tpu.memory_space<vmem_shared>>
      tpu.wait_dma2 semaphore(%run_scoped3A_90 : memref<!tpu.dma_semaphore, #tpu.memory_space<semaphore_mem>>) src(%arg9 : memref<80x48xf32, #tpu.memory_space<vmem>>) dst(%dma_wait3A_98 : memref<80x48xf32, #tpu.memory_space<vmem_shared>>)
      tpu.yield
    }) : () -> ()
    %mul3A_30 = arith.constant 624 : i32
    %mul3A_31 = arith.muli %arg1, %mul3A_30 : i32
    %add3A_32 = arith.constant 480 : i32
    %add3A_33 = arith.addi %mul3A_31, %add3A_32 : i32
    "tpu.region"() ({
      %run_scoped3A_90 = tpu.sem_alloc : memref<!tpu.dma_semaphore, #tpu.memory_space<semaphore_mem>>
      %dma_start3A_91 = arith.constant 0 : i32
      %dma_start3A_92 = tpu.memref_slice %arg12[%add3A_33, %dma_start3A_91] : memref<10016x48xf32, #tpu.memory_space<vmem_shared>> -> memref<80x48xf32, #tpu.memory_space<vmem_shared>>
      %dma_start3A_93 = arith.constant 0 : i32
      %dma_start3A_94 = tpu.memref_slice %arg12[%add3A_33, %dma_start3A_93] : memref<10016x48xf32, #tpu.memory_space<vmem_shared>> -> memref<80x48xf32, #tpu.memory_space<vmem_shared>>
      tpu.enqueue_dma source(%arg9 : memref<80x48xf32, #tpu.memory_space<vmem>>) target(%dma_start3A_94 : memref<80x48xf32, #tpu.memory_space<vmem_shared>>) target_semaphore(%run_scoped3A_90 : memref<!tpu.dma_semaphore, #tpu.memory_space<semaphore_mem>>)
      %dma_wait3A_95 = arith.constant 0 : i32
      %dma_wait3A_96 = tpu.memref_slice %arg12[%add3A_33, %dma_wait3A_95] : memref<10016x48xf32, #tpu.memory_space<vmem_shared>> -> memref<80x48xf32, #tpu.memory_space<vmem_shared>>
      %dma_wait3A_97 = arith.constant 0 : i32
      %dma_wait3A_98 = tpu.memref_slice %arg12[%add3A_33, %dma_wait3A_97] : memref<10016x48xf32, #tpu.memory_space<vmem_shared>> -> memref<80x48xf32, #tpu.memory_space<vmem_shared>>
      tpu.wait_dma2 semaphore(%run_scoped3A_90 : memref<!tpu.dma_semaphore, #tpu.memory_space<semaphore_mem>>) src(%arg9 : memref<80x48xf32, #tpu.memory_space<vmem>>) dst(%dma_wait3A_98 : memref<80x48xf32, #tpu.memory_space<vmem_shared>>)
      tpu.yield
    }) : () -> ()
    %mul3A_34 = arith.constant 624 : i32
    %mul3A_35 = arith.muli %arg1, %mul3A_34 : i32
    %add3A_36 = arith.constant 560 : i32
    %add3A_37 = arith.addi %mul3A_35, %add3A_36 : i32
    "tpu.region"() ({
      %run_scoped3A_90 = tpu.sem_alloc : memref<!tpu.dma_semaphore, #tpu.memory_space<semaphore_mem>>
      %dma_start3A_91 = arith.constant 0 : i32
      %dma_start3A_92 = arith.constant 0 : i32
      %dma_start3A_93 = tpu.memref_slice %arg9[%dma_start3A_91, %dma_start3A_92] : memref<80x48xf32, #tpu.memory_space<vmem>> -> memref<64x48xf32, #tpu.memory_space<vmem>>
      %dma_start3A_94 = arith.constant 0 : i32
      %dma_start3A_95 = tpu.memref_slice %arg12[%add3A_37, %dma_start3A_94] : memref<10016x48xf32, #tpu.memory_space<vmem_shared>> -> memref<64x48xf32, #tpu.memory_space<vmem_shared>>
      %dma_start3A_96 = arith.constant 0 : i32
      %dma_start3A_97 = tpu.memref_slice %arg12[%add3A_37, %dma_start3A_96] : memref<10016x48xf32, #tpu.memory_space<vmem_shared>> -> memref<64x48xf32, #tpu.memory_space<vmem_shared>>
      %dma_start3A_98 = arith.constant 0 : i32
      %dma_start3A_99 = arith.constant 0 : i32
      %dma_start3A_100 = tpu.memref_slice %arg9[%dma_start3A_98, %dma_start3A_99] : memref<80x48xf32, #tpu.memory_space<vmem>> -> memref<64x48xf32, #tpu.memory_space<vmem>>
      tpu.enqueue_dma source(%dma_start3A_100 : memref<64x48xf32, #tpu.memory_space<vmem>>) target(%dma_start3A_97 : memref<64x48xf32, #tpu.memory_space<vmem_shared>>) target_semaphore(%run_scoped3A_90 : memref<!tpu.dma_semaphore, #tpu.memory_space<semaphore_mem>>)
      %dma_wait3A_101 = arith.constant 0 : i32
      %dma_wait3A_102 = arith.constant 0 : i32
      %dma_wait3A_103 = tpu.memref_slice %arg9[%dma_wait3A_101, %dma_wait3A_102] : memref<80x48xf32, #tpu.memory_space<vmem>> -> memref<64x48xf32, #tpu.memory_space<vmem>>
      %dma_wait3A_104 = arith.constant 0 : i32
      %dma_wait3A_105 = tpu.memref_slice %arg12[%add3A_37, %dma_wait3A_104] : memref<10016x48xf32, #tpu.memory_space<vmem_shared>> -> memref<64x48xf32, #tpu.memory_space<vmem_shared>>
      %dma_wait3A_106 = arith.constant 0 : i32
      %dma_wait3A_107 = tpu.memref_slice %arg12[%add3A_37, %dma_wait3A_106] : memref<10016x48xf32, #tpu.memory_space<vmem_shared>> -> memref<64x48xf32, #tpu.memory_space<vmem_shared>>
      %dma_wait3A_108 = arith.constant 0 : i32
      %dma_wait3A_109 = arith.constant 0 : i32
      %dma_wait3A_110 = tpu.memref_slice %arg9[%dma_wait3A_108, %dma_wait3A_109] : memref<80x48xf32, #tpu.memory_space<vmem>> -> memref<64x48xf32, #tpu.memory_space<vmem>>
      tpu.wait_dma2 semaphore(%run_scoped3A_90 : memref<!tpu.dma_semaphore, #tpu.memory_space<semaphore_mem>>) src(%dma_wait3A_110 : memref<64x48xf32, #tpu.memory_space<vmem>>) dst(%dma_wait3A_107 : memref<64x48xf32, #tpu.memory_space<vmem_shared>>)
      tpu.yield
    }) : () -> ()
    %eq3A = arith.constant 15 : i32
    %eq3A_38 = arith.cmpi eq, %arg1, %eq3A : i32
    %convert_element_type3A = arith.extui %eq3A_38 : i1 to i32
    %cond3A = arith.constant 0 : i32
    %cond3A_39 = arith.cmpi ne, %convert_element_type3A, %cond3A : i32
    scf.if %cond3A_39 {
      "tpu.region"() ({
        %run_scoped3A_90 = tpu.sem_alloc : memref<!tpu.dma_semaphore, #tpu.memory_space<semaphore_mem>>
        %dma_start3A_91 = arith.constant 0 : i32
        %dma_start3A_92 = arith.constant 0 : i32
        %dma_start3A_93 = tpu.memref_slice %arg9[%dma_start3A_91, %dma_start3A_92] : memref<80x48xf32, #tpu.memory_space<vmem>> -> memref<16x48xf32, #tpu.memory_space<vmem>>
        %dma_start3A_94 = arith.constant 9984 : i32
        %dma_start3A_95 = arith.constant 0 : i32
        %dma_start3A_96 = tpu.memref_slice %arg12[%dma_start3A_94, %dma_start3A_95] : memref<10016x48xf32, #tpu.memory_space<vmem_shared>> -> memref<16x48xf32, #tpu.memory_space<vmem_shared>>
        %dma_start3A_97 = arith.constant 9984 : i32
        %dma_start3A_98 = arith.constant 0 : i32
        %dma_start3A_99 = tpu.memref_slice %arg12[%dma_start3A_97, %dma_start3A_98] : memref<10016x48xf32, #tpu.memory_space<vmem_shared>> -> memref<16x48xf32, #tpu.memory_space<vmem_shared>>
        %dma_start3A_100 = arith.constant 0 : i32
        %dma_start3A_101 = arith.constant 0 : i32
        %dma_start3A_102 = tpu.memref_slice %arg9[%dma_start3A_100, %dma_start3A_101] : memref<80x48xf32, #tpu.memory_space<vmem>> -> memref<16x48xf32, #tpu.memory_space<vmem>>
        tpu.enqueue_dma source(%dma_start3A_102 : memref<16x48xf32, #tpu.memory_space<vmem>>) target(%dma_start3A_99 : memref<16x48xf32, #tpu.memory_space<vmem_shared>>) target_semaphore(%run_scoped3A_90 : memref<!tpu.dma_semaphore, #tpu.memory_space<semaphore_mem>>)
        %dma_wait3A_103 = arith.constant 0 : i32
        %dma_wait3A_104 = arith.constant 0 : i32
        %dma_wait3A_105 = tpu.memref_slice %arg9[%dma_wait3A_103, %dma_wait3A_104] : memref<80x48xf32, #tpu.memory_space<vmem>> -> memref<16x48xf32, #tpu.memory_space<vmem>>
        %dma_wait3A_106 = arith.constant 9984 : i32
        %dma_wait3A_107 = arith.constant 0 : i32
        %dma_wait3A_108 = tpu.memref_slice %arg12[%dma_wait3A_106, %dma_wait3A_107] : memref<10016x48xf32, #tpu.memory_space<vmem_shared>> -> memref<16x48xf32, #tpu.memory_space<vmem_shared>>
        %dma_wait3A_109 = arith.constant 9984 : i32
        %dma_wait3A_110 = arith.constant 0 : i32
        %dma_wait3A_111 = tpu.memref_slice %arg12[%dma_wait3A_109, %dma_wait3A_110] : memref<10016x48xf32, #tpu.memory_space<vmem_shared>> -> memref<16x48xf32, #tpu.memory_space<vmem_shared>>
        %dma_wait3A_112 = arith.constant 0 : i32
        %dma_wait3A_113 = arith.constant 0 : i32
        %dma_wait3A_114 = tpu.memref_slice %arg9[%dma_wait3A_112, %dma_wait3A_113] : memref<80x48xf32, #tpu.memory_space<vmem>> -> memref<16x48xf32, #tpu.memory_space<vmem>>
        tpu.wait_dma2 semaphore(%run_scoped3A_90 : memref<!tpu.dma_semaphore, #tpu.memory_space<semaphore_mem>>) src(%dma_wait3A_114 : memref<16x48xf32, #tpu.memory_space<vmem>>) dst(%dma_wait3A_111 : memref<16x48xf32, #tpu.memory_space<vmem_shared>>)
        tpu.yield
      }) : () -> ()
    } else {
    }
    "tpu.region"() ({
      %run_scoped3A_90 = tpu.sem_alloc : memref<!tpu.dma_semaphore, #tpu.memory_space<semaphore_mem>>
      %dma_start3A_91 = arith.constant 0 : i32
      %dma_start3A_92 = arith.constant 0 : i32
      %dma_start3A_93 = tpu.memref_slice %arg3[%add3A, %dma_start3A_91, %dma_start3A_92] : memref<32x125x80xi32, #tpu.memory_space<hbm>> -> memref<1x125x80xi32, #tpu.memory_space<hbm>>
      %dma_start3A_94 = tpu.memref_squeeze %dma_start3A_93 : memref<1x125x80xi32, #tpu.memory_space<hbm>> -> memref<125x80xi32, #tpu.memory_space<hbm>>
      %dma_start3A_95 = arith.constant 0 : i32
      %dma_start3A_96 = arith.constant 0 : i32
      %dma_start3A_97 = tpu.memref_slice %arg3[%add3A, %dma_start3A_95, %dma_start3A_96] : memref<32x125x80xi32, #tpu.memory_space<hbm>> -> memref<1x125x80xi32, #tpu.memory_space<hbm>>
      %dma_start3A_98 = tpu.memref_squeeze %dma_start3A_97 : memref<1x125x80xi32, #tpu.memory_space<hbm>> -> memref<125x80xi32, #tpu.memory_space<hbm>>
      tpu.enqueue_dma source(%dma_start3A_98 : memref<125x80xi32, #tpu.memory_space<hbm>>) target(%arg7 : memref<125x80xi32, #tpu.memory_space<vmem>>) target_semaphore(%run_scoped3A_90 : memref<!tpu.dma_semaphore, #tpu.memory_space<semaphore_mem>>)
      %dma_wait3A_99 = arith.constant 0 : i32
      %dma_wait3A_100 = arith.constant 0 : i32
      %dma_wait3A_101 = tpu.memref_slice %arg3[%add3A, %dma_wait3A_99, %dma_wait3A_100] : memref<32x125x80xi32, #tpu.memory_space<hbm>> -> memref<1x125x80xi32, #tpu.memory_space<hbm>>
      %dma_wait3A_102 = tpu.memref_squeeze %dma_wait3A_101 : memref<1x125x80xi32, #tpu.memory_space<hbm>> -> memref<125x80xi32, #tpu.memory_space<hbm>>
      %dma_wait3A_103 = arith.constant 0 : i32
      %dma_wait3A_104 = arith.constant 0 : i32
      %dma_wait3A_105 = tpu.memref_slice %arg3[%add3A, %dma_wait3A_103, %dma_wait3A_104] : memref<32x125x80xi32, #tpu.memory_space<hbm>> -> memref<1x125x80xi32, #tpu.memory_space<hbm>>
      %dma_wait3A_106 = tpu.memref_squeeze %dma_wait3A_105 : memref<1x125x80xi32, #tpu.memory_space<hbm>> -> memref<125x80xi32, #tpu.memory_space<hbm>>
      tpu.wait_dma2 semaphore(%run_scoped3A_90 : memref<!tpu.dma_semaphore, #tpu.memory_space<semaphore_mem>>) src(%dma_wait3A_106 : memref<125x80xi32, #tpu.memory_space<hbm>>) dst(%arg7 : memref<125x80xi32, #tpu.memory_space<vmem>>)
      tpu.yield
    }) : () -> ()
    "tpu.region"() ({
      %run_scoped3A_90 = tpu.sem_alloc : memref<!tpu.dma_semaphore, #tpu.memory_space<semaphore_mem>>
      %dma_start3A_91 = arith.constant 0 : i32
      %dma_start3A_92 = arith.constant 0 : i32
      %dma_start3A_93 = tpu.memref_slice %arg4[%add3A, %dma_start3A_91, %dma_start3A_92] : memref<32x125x80xi32, #tpu.memory_space<hbm>> -> memref<1x125x80xi32, #tpu.memory_space<hbm>>
      %dma_start3A_94 = tpu.memref_squeeze %dma_start3A_93 : memref<1x125x80xi32, #tpu.memory_space<hbm>> -> memref<125x80xi32, #tpu.memory_space<hbm>>
      %dma_start3A_95 = arith.constant 0 : i32
      %dma_start3A_96 = arith.constant 0 : i32
      %dma_start3A_97 = tpu.memref_slice %arg4[%add3A, %dma_start3A_95, %dma_start3A_96] : memref<32x125x80xi32, #tpu.memory_space<hbm>> -> memref<1x125x80xi32, #tpu.memory_space<hbm>>
      %dma_start3A_98 = tpu.memref_squeeze %dma_start3A_97 : memref<1x125x80xi32, #tpu.memory_space<hbm>> -> memref<125x80xi32, #tpu.memory_space<hbm>>
      tpu.enqueue_dma source(%dma_start3A_98 : memref<125x80xi32, #tpu.memory_space<hbm>>) target(%arg8 : memref<125x80xi32, #tpu.memory_space<vmem>>) target_semaphore(%run_scoped3A_90 : memref<!tpu.dma_semaphore, #tpu.memory_space<semaphore_mem>>)
      %dma_wait3A_99 = arith.constant 0 : i32
      %dma_wait3A_100 = arith.constant 0 : i32
      %dma_wait3A_101 = tpu.memref_slice %arg4[%add3A, %dma_wait3A_99, %dma_wait3A_100] : memref<32x125x80xi32, #tpu.memory_space<hbm>> -> memref<1x125x80xi32, #tpu.memory_space<hbm>>
      %dma_wait3A_102 = tpu.memref_squeeze %dma_wait3A_101 : memref<1x125x80xi32, #tpu.memory_space<hbm>> -> memref<125x80xi32, #tpu.memory_space<hbm>>
      %dma_wait3A_103 = arith.constant 0 : i32
      %dma_wait3A_104 = arith.constant 0 : i32
      %dma_wait3A_105 = tpu.memref_slice %arg4[%add3A, %dma_wait3A_103, %dma_wait3A_104] : memref<32x125x80xi32, #tpu.memory_space<hbm>> -> memref<1x125x80xi32, #tpu.memory_space<hbm>>
      %dma_wait3A_106 = tpu.memref_squeeze %dma_wait3A_105 : memref<1x125x80xi32, #tpu.memory_space<hbm>> -> memref<125x80xi32, #tpu.memory_space<hbm>>
      tpu.wait_dma2 semaphore(%run_scoped3A_90 : memref<!tpu.dma_semaphore, #tpu.memory_space<semaphore_mem>>) src(%dma_wait3A_106 : memref<125x80xi32, #tpu.memory_space<hbm>>) dst(%arg8 : memref<125x80xi32, #tpu.memory_space<vmem>>)
      tpu.yield
    }) : () -> ()
    %barrier3A = arith.constant 0 : index
    tpu.barrier barrier_id(%barrier3A)
    %dma_start3A = arith.constant 0 : i32
    %dma_start3A_40 = arith.constant 0 : i32
    %dma_start3A_41 = tpu.memref_slice %arg7[%dma_start3A, %dma_start3A_40] : memref<125x80xi32, #tpu.memory_space<vmem>> -> memref<1x80xi32, #tpu.memory_space<vmem>>
    %dma_start3A_42 = tpu.memref_squeeze %dma_start3A_41 : memref<1x80xi32, #tpu.memory_space<vmem>> -> memref<80xi32, #tpu.memory_space<vmem>>
    %dma_start3A_43 = arith.constant 0 : i32
    %dma_start3A_44 = arith.constant 0 : i32
    %dma_start3A_45 = tpu.memref_slice %arg2[%dma_start3A_43, %dma_start3A_44] : memref<10000x48xf32, #tpu.memory_space<hbm>> -> memref<10000x48xf32, #tpu.memory_space<hbm>>
    tpu.enqueue_indirect_dma source(%dma_start3A_45 : memref<10000x48xf32, #tpu.memory_space<hbm>>) target(%arg9 : memref<80x48xf32, #tpu.memory_space<vmem>>) offsets(%dma_start3A_42 : memref<80xi32, #tpu.memory_space<vmem>>) semaphore(%arg13 : memref<!tpu.dma_semaphore, #tpu.memory_space<semaphore_mem>>)
    %dma_start3A_46 = arith.constant 1 : i32
    %dma_start3A_47 = arith.constant 0 : i32
    %dma_start3A_48 = tpu.memref_slice %arg7[%dma_start3A_46, %dma_start3A_47] : memref<125x80xi32, #tpu.memory_space<vmem>> -> memref<1x80xi32, #tpu.memory_space<vmem>>
    %dma_start3A_49 = tpu.memref_squeeze %dma_start3A_48 : memref<1x80xi32, #tpu.memory_space<vmem>> -> memref<80xi32, #tpu.memory_space<vmem>>
    %dma_start3A_50 = arith.constant 0 : i32
    %dma_start3A_51 = arith.constant 0 : i32
    %dma_start3A_52 = tpu.memref_slice %arg2[%dma_start3A_50, %dma_start3A_51] : memref<10000x48xf32, #tpu.memory_space<hbm>> -> memref<10000x48xf32, #tpu.memory_space<hbm>>
    tpu.enqueue_indirect_dma source(%dma_start3A_52 : memref<10000x48xf32, #tpu.memory_space<hbm>>) target(%arg10 : memref<80x48xf32, #tpu.memory_space<vmem>>) offsets(%dma_start3A_49 : memref<80xi32, #tpu.memory_space<vmem>>) semaphore(%arg14 : memref<!tpu.dma_semaphore, #tpu.memory_space<semaphore_mem>>)
    %dma_start3A_53 = arith.constant 2 : i32
    %dma_start3A_54 = arith.constant 0 : i32
    %dma_start3A_55 = tpu.memref_slice %arg7[%dma_start3A_53, %dma_start3A_54] : memref<125x80xi32, #tpu.memory_space<vmem>> -> memref<1x80xi32, #tpu.memory_space<vmem>>
    %dma_start3A_56 = tpu.memref_squeeze %dma_start3A_55 : memref<1x80xi32, #tpu.memory_space<vmem>> -> memref<80xi32, #tpu.memory_space<vmem>>
    %dma_start3A_57 = arith.constant 0 : i32
    %dma_start3A_58 = arith.constant 0 : i32
    %dma_start3A_59 = tpu.memref_slice %arg2[%dma_start3A_57, %dma_start3A_58] : memref<10000x48xf32, #tpu.memory_space<hbm>> -> memref<10000x48xf32, #tpu.memory_space<hbm>>
    tpu.enqueue_indirect_dma source(%dma_start3A_59 : memref<10000x48xf32, #tpu.memory_space<hbm>>) target(%arg11 : memref<80x48xf32, #tpu.memory_space<vmem>>) offsets(%dma_start3A_56 : memref<80xi32, #tpu.memory_space<vmem>>) semaphore(%arg15 : memref<!tpu.dma_semaphore, #tpu.memory_space<semaphore_mem>>)
    %scan3A_60 = arith.constant 0 : i32
    %scan3A_61 = arith.constant 41 : i32
    %scan3A_62 = arith.addi %scan3A_60, %scan3A_61 : i32
    %scan3A_63 = arith.constant 1 : i32
    scf.for %scan3A_90 = %scan3A_60 to %scan3A_62 step %scan3A_63  : i32 {
      %mul3A_91 = arith.constant 1 : i32
      %mul3A_92 = arith.muli %scan3A_90, %mul3A_91 : i32
      %add3A_93 = arith.constant 0 : i32
      %add3A_94 = arith.addi %add3A_93, %mul3A_92 : i32
      %mul3A_95 = arith.constant 3 : i32
      %mul3A_96 = arith.muli %mul3A_95, %add3A_94 : i32
      %add3A_97 = arith.constant 0 : i32
      %add3A_98 = arith.addi %mul3A_96, %add3A_97 : i32
      %dma_wait3A_99 = arith.constant 0 : i32
      %dma_wait3A_100 = arith.constant 0 : i32
      %dma_wait3A_101 = tpu.memref_slice %arg7[%dma_wait3A_99, %dma_wait3A_100] : memref<125x80xi32, #tpu.memory_space<vmem>> -> memref<1x80xi32, #tpu.memory_space<vmem>>
      %dma_wait3A_102 = tpu.memref_squeeze %dma_wait3A_101 : memref<1x80xi32, #tpu.memory_space<vmem>> -> memref<80xi32, #tpu.memory_space<vmem>>
      %dma_wait3A_103 = arith.constant 0 : i32
      %dma_wait3A_104 = arith.constant 0 : i32
      %dma_wait3A_105 = tpu.memref_slice %arg2[%dma_wait3A_103, %dma_wait3A_104] : memref<10000x48xf32, #tpu.memory_space<hbm>> -> memref<10000x48xf32, #tpu.memory_space<hbm>>
      tpu.wait_indirect_dma semaphore(%arg13 : memref<!tpu.dma_semaphore, #tpu.memory_space<semaphore_mem>>) src(%dma_wait3A_105 : memref<10000x48xf32, #tpu.memory_space<hbm>>) dst(%arg9 : memref<80x48xf32, #tpu.memory_space<vmem>>)
      "tpu.region"() ({
        %run_scoped3A_148 = tpu.sem_alloc : memref<!tpu.dma_semaphore, #tpu.memory_space<semaphore_mem>>
        %dma_start3A_149 = arith.constant 0 : i32
        %dma_start3A_150 = tpu.memref_slice %arg8[%add3A_98, %dma_start3A_149] : memref<125x80xi32, #tpu.memory_space<vmem>> -> memref<1x80xi32, #tpu.memory_space<vmem>>
        %dma_start3A_151 = tpu.memref_squeeze %dma_start3A_150 : memref<1x80xi32, #tpu.memory_space<vmem>> -> memref<80xi32, #tpu.memory_space<vmem>>
        %dma_start3A_152 = arith.constant 0 : i32
        %dma_start3A_153 = arith.constant 0 : i32
        %dma_start3A_154 = tpu.memref_slice %arg12[%dma_start3A_152, %dma_start3A_153] : memref<10016x48xf32, #tpu.memory_space<vmem_shared>> -> memref<10016x48xf32, #tpu.memory_space<vmem_shared>>
        tpu.enqueue_indirect_dma source(%arg9 : memref<80x48xf32, #tpu.memory_space<vmem>>) target(%dma_start3A_154 : memref<10016x48xf32, #tpu.memory_space<vmem_shared>>) offsets(%dma_start3A_151 : memref<80xi32, #tpu.memory_space<vmem>>) semaphore(%run_scoped3A_148 : memref<!tpu.dma_semaphore, #tpu.memory_space<semaphore_mem>>) {add = true}
        %dma_wait3A_155 = arith.constant 0 : i32
        %dma_wait3A_156 = tpu.memref_slice %arg8[%add3A_98, %dma_wait3A_155] : memref<125x80xi32, #tpu.memory_space<vmem>> -> memref<1x80xi32, #tpu.memory_space<vmem>>
        %dma_wait3A_157 = tpu.memref_squeeze %dma_wait3A_156 : memref<1x80xi32, #tpu.memory_space<vmem>> -> memref<80xi32, #tpu.memory_space<vmem>>
        %dma_wait3A_158 = arith.constant 0 : i32
        %dma_wait3A_159 = arith.constant 0 : i32
        %dma_wait3A_160 = tpu.memref_slice %arg12[%dma_wait3A_158, %dma_wait3A_159] : memref<10016x48xf32, #tpu.memory_space<vmem_shared>> -> memref<10016x48xf32, #tpu.memory_space<vmem_shared>>
        tpu.wait_indirect_dma semaphore(%run_scoped3A_148 : memref<!tpu.dma_semaphore, #tpu.memory_space<semaphore_mem>>) src(%arg9 : memref<80x48xf32, #tpu.memory_space<vmem>>) dst(%dma_wait3A_160 : memref<10016x48xf32, #tpu.memory_space<vmem_shared>>)
        tpu.yield
      }) : () -> ()
      %add3A_106 = arith.constant 3 : i32
      %add3A_107 = arith.addi %add3A_98, %add3A_106 : i32
      %lt3A = arith.constant 125 : i32
      %lt3A_108 = arith.cmpi slt, %add3A_107, %lt3A : i32
      %convert_element_type3A_109 = arith.extui %lt3A_108 : i1 to i32
      %cond3A_110 = arith.constant 0 : i32
      %cond3A_111 = arith.cmpi ne, %convert_element_type3A_109, %cond3A_110 : i32
      scf.if %cond3A_111 {
        %add3A_148 = arith.constant 3 : i32
        %add3A_149 = arith.addi %add3A_98, %add3A_148 : i32
        %dma_start3A_150 = arith.constant 0 : i32
        %dma_start3A_151 = tpu.memref_slice %arg7[%add3A_149, %dma_start3A_150] : memref<125x80xi32, #tpu.memory_space<vmem>> -> memref<1x80xi32, #tpu.memory_space<vmem>>
        %dma_start3A_152 = tpu.memref_squeeze %dma_start3A_151 : memref<1x80xi32, #tpu.memory_space<vmem>> -> memref<80xi32, #tpu.memory_space<vmem>>
        %dma_start3A_153 = arith.constant 0 : i32
        %dma_start3A_154 = arith.constant 0 : i32
        %dma_start3A_155 = tpu.memref_slice %arg2[%dma_start3A_153, %dma_start3A_154] : memref<10000x48xf32, #tpu.memory_space<hbm>> -> memref<10000x48xf32, #tpu.memory_space<hbm>>
        tpu.enqueue_indirect_dma source(%dma_start3A_155 : memref<10000x48xf32, #tpu.memory_space<hbm>>) target(%arg9 : memref<80x48xf32, #tpu.memory_space<vmem>>) offsets(%dma_start3A_152 : memref<80xi32, #tpu.memory_space<vmem>>) semaphore(%arg13 : memref<!tpu.dma_semaphore, #tpu.memory_space<semaphore_mem>>)
      } else {
      }
      %mul3A_112 = arith.constant 3 : i32
      %mul3A_113 = arith.muli %mul3A_112, %add3A_94 : i32
      %add3A_114 = arith.constant 1 : i32
      %add3A_115 = arith.addi %mul3A_113, %add3A_114 : i32
      %dma_wait3A_116 = arith.constant 0 : i32
      %dma_wait3A_117 = arith.constant 0 : i32
      %dma_wait3A_118 = tpu.memref_slice %arg7[%dma_wait3A_116, %dma_wait3A_117] : memref<125x80xi32, #tpu.memory_space<vmem>> -> memref<1x80xi32, #tpu.memory_space<vmem>>
      %dma_wait3A_119 = tpu.memref_squeeze %dma_wait3A_118 : memref<1x80xi32, #tpu.memory_space<vmem>> -> memref<80xi32, #tpu.memory_space<vmem>>
      %dma_wait3A_120 = arith.constant 0 : i32
      %dma_wait3A_121 = arith.constant 0 : i32
      %dma_wait3A_122 = tpu.memref_slice %arg2[%dma_wait3A_120, %dma_wait3A_121] : memref<10000x48xf32, #tpu.memory_space<hbm>> -> memref<10000x48xf32, #tpu.memory_space<hbm>>
      tpu.wait_indirect_dma semaphore(%arg14 : memref<!tpu.dma_semaphore, #tpu.memory_space<semaphore_mem>>) src(%dma_wait3A_122 : memref<10000x48xf32, #tpu.memory_space<hbm>>) dst(%arg9 : memref<80x48xf32, #tpu.memory_space<vmem>>)
      "tpu.region"() ({
        %run_scoped3A_148 = tpu.sem_alloc : memref<!tpu.dma_semaphore, #tpu.memory_space<semaphore_mem>>
        %dma_start3A_149 = arith.constant 0 : i32
        %dma_start3A_150 = tpu.memref_slice %arg8[%add3A_115, %dma_start3A_149] : memref<125x80xi32, #tpu.memory_space<vmem>> -> memref<1x80xi32, #tpu.memory_space<vmem>>
        %dma_start3A_151 = tpu.memref_squeeze %dma_start3A_150 : memref<1x80xi32, #tpu.memory_space<vmem>> -> memref<80xi32, #tpu.memory_space<vmem>>
        %dma_start3A_152 = arith.constant 0 : i32
        %dma_start3A_153 = arith.constant 0 : i32
        %dma_start3A_154 = tpu.memref_slice %arg12[%dma_start3A_152, %dma_start3A_153] : memref<10016x48xf32, #tpu.memory_space<vmem_shared>> -> memref<10016x48xf32, #tpu.memory_space<vmem_shared>>
        tpu.enqueue_indirect_dma source(%arg10 : memref<80x48xf32, #tpu.memory_space<vmem>>) target(%dma_start3A_154 : memref<10016x48xf32, #tpu.memory_space<vmem_shared>>) offsets(%dma_start3A_151 : memref<80xi32, #tpu.memory_space<vmem>>) semaphore(%run_scoped3A_148 : memref<!tpu.dma_semaphore, #tpu.memory_space<semaphore_mem>>) {add = true}
        %dma_wait3A_155 = arith.constant 0 : i32
        %dma_wait3A_156 = tpu.memref_slice %arg8[%add3A_115, %dma_wait3A_155] : memref<125x80xi32, #tpu.memory_space<vmem>> -> memref<1x80xi32, #tpu.memory_space<vmem>>
        %dma_wait3A_157 = tpu.memref_squeeze %dma_wait3A_156 : memref<1x80xi32, #tpu.memory_space<vmem>> -> memref<80xi32, #tpu.memory_space<vmem>>
        %dma_wait3A_158 = arith.constant 0 : i32
        %dma_wait3A_159 = arith.constant 0 : i32
        %dma_wait3A_160 = tpu.memref_slice %arg12[%dma_wait3A_158, %dma_wait3A_159] : memref<10016x48xf32, #tpu.memory_space<vmem_shared>> -> memref<10016x48xf32, #tpu.memory_space<vmem_shared>>
        tpu.wait_indirect_dma semaphore(%run_scoped3A_148 : memref<!tpu.dma_semaphore, #tpu.memory_space<semaphore_mem>>) src(%arg10 : memref<80x48xf32, #tpu.memory_space<vmem>>) dst(%dma_wait3A_160 : memref<10016x48xf32, #tpu.memory_space<vmem_shared>>)
        tpu.yield
      }) : () -> ()
      %add3A_123 = arith.constant 3 : i32
      %add3A_124 = arith.addi %add3A_115, %add3A_123 : i32
      %lt3A_125 = arith.constant 125 : i32
      %lt3A_126 = arith.cmpi slt, %add3A_124, %lt3A_125 : i32
      %convert_element_type3A_127 = arith.extui %lt3A_126 : i1 to i32
      %cond3A_128 = arith.constant 0 : i32
      %cond3A_129 = arith.cmpi ne, %convert_element_type3A_127, %cond3A_128 : i32
      scf.if %cond3A_129 {
        %add3A_148 = arith.constant 3 : i32
        %add3A_149 = arith.addi %add3A_115, %add3A_148 : i32
        %dma_start3A_150 = arith.constant 0 : i32
        %dma_start3A_151 = tpu.memref_slice %arg7[%add3A_149, %dma_start3A_150] : memref<125x80xi32, #tpu.memory_space<vmem>> -> memref<1x80xi32, #tpu.memory_space<vmem>>
        %dma_start3A_152 = tpu.memref_squeeze %dma_start3A_151 : memref<1x80xi32, #tpu.memory_space<vmem>> -> memref<80xi32, #tpu.memory_space<vmem>>
        %dma_start3A_153 = arith.constant 0 : i32
        %dma_start3A_154 = arith.constant 0 : i32
        %dma_start3A_155 = tpu.memref_slice %arg2[%dma_start3A_153, %dma_start3A_154] : memref<10000x48xf32, #tpu.memory_space<hbm>> -> memref<10000x48xf32, #tpu.memory_space<hbm>>
        tpu.enqueue_indirect_dma source(%dma_start3A_155 : memref<10000x48xf32, #tpu.memory_space<hbm>>) target(%arg10 : memref<80x48xf32, #tpu.memory_space<vmem>>) offsets(%dma_start3A_152 : memref<80xi32, #tpu.memory_space<vmem>>) semaphore(%arg14 : memref<!tpu.dma_semaphore, #tpu.memory_space<semaphore_mem>>)
      } else {
      }
      %mul3A_130 = arith.constant 3 : i32
      %mul3A_131 = arith.muli %mul3A_130, %add3A_94 : i32
      %add3A_132 = arith.constant 2 : i32
      %add3A_133 = arith.addi %mul3A_131, %add3A_132 : i32
      %dma_wait3A_134 = arith.constant 0 : i32
      %dma_wait3A_135 = arith.constant 0 : i32
      %dma_wait3A_136 = tpu.memref_slice %arg7[%dma_wait3A_134, %dma_wait3A_135] : memref<125x80xi32, #tpu.memory_space<vmem>> -> memref<1x80xi32, #tpu.memory_space<vmem>>
      %dma_wait3A_137 = tpu.memref_squeeze %dma_wait3A_136 : memref<1x80xi32, #tpu.memory_space<vmem>> -> memref<80xi32, #tpu.memory_space<vmem>>
      %dma_wait3A_138 = arith.constant 0 : i32
      %dma_wait3A_139 = arith.constant 0 : i32
      %dma_wait3A_140 = tpu.memref_slice %arg2[%dma_wait3A_138, %dma_wait3A_139] : memref<10000x48xf32, #tpu.memory_space<hbm>> -> memref<10000x48xf32, #tpu.memory_space<hbm>>
      tpu.wait_indirect_dma semaphore(%arg15 : memref<!tpu.dma_semaphore, #tpu.memory_space<semaphore_mem>>) src(%dma_wait3A_140 : memref<10000x48xf32, #tpu.memory_space<hbm>>) dst(%arg9 : memref<80x48xf32, #tpu.memory_space<vmem>>)
      "tpu.region"() ({
        %run_scoped3A_148 = tpu.sem_alloc : memref<!tpu.dma_semaphore, #tpu.memory_space<semaphore_mem>>
        %dma_start3A_149 = arith.constant 0 : i32
        %dma_start3A_150 = tpu.memref_slice %arg8[%add3A_133, %dma_start3A_149] : memref<125x80xi32, #tpu.memory_space<vmem>> -> memref<1x80xi32, #tpu.memory_space<vmem>>
        %dma_start3A_151 = tpu.memref_squeeze %dma_start3A_150 : memref<1x80xi32, #tpu.memory_space<vmem>> -> memref<80xi32, #tpu.memory_space<vmem>>
        %dma_start3A_152 = arith.constant 0 : i32
        %dma_start3A_153 = arith.constant 0 : i32
        %dma_start3A_154 = tpu.memref_slice %arg12[%dma_start3A_152, %dma_start3A_153] : memref<10016x48xf32, #tpu.memory_space<vmem_shared>> -> memref<10016x48xf32, #tpu.memory_space<vmem_shared>>
        tpu.enqueue_indirect_dma source(%arg11 : memref<80x48xf32, #tpu.memory_space<vmem>>) target(%dma_start3A_154 : memref<10016x48xf32, #tpu.memory_space<vmem_shared>>) offsets(%dma_start3A_151 : memref<80xi32, #tpu.memory_space<vmem>>) semaphore(%run_scoped3A_148 : memref<!tpu.dma_semaphore, #tpu.memory_space<semaphore_mem>>) {add = true}
        %dma_wait3A_155 = arith.constant 0 : i32
        %dma_wait3A_156 = tpu.memref_slice %arg8[%add3A_133, %dma_wait3A_155] : memref<125x80xi32, #tpu.memory_space<vmem>> -> memref<1x80xi32, #tpu.memory_space<vmem>>
        %dma_wait3A_157 = tpu.memref_squeeze %dma_wait3A_156 : memref<1x80xi32, #tpu.memory_space<vmem>> -> memref<80xi32, #tpu.memory_space<vmem>>
        %dma_wait3A_158 = arith.constant 0 : i32
        %dma_wait3A_159 = arith.constant 0 : i32
        %dma_wait3A_160 = tpu.memref_slice %arg12[%dma_wait3A_158, %dma_wait3A_159] : memref<10016x48xf32, #tpu.memory_space<vmem_shared>> -> memref<10016x48xf32, #tpu.memory_space<vmem_shared>>
        tpu.wait_indirect_dma semaphore(%run_scoped3A_148 : memref<!tpu.dma_semaphore, #tpu.memory_space<semaphore_mem>>) src(%arg11 : memref<80x48xf32, #tpu.memory_space<vmem>>) dst(%dma_wait3A_160 : memref<10016x48xf32, #tpu.memory_space<vmem_shared>>)
        tpu.yield
      }) : () -> ()
      %add3A_141 = arith.constant 3 : i32
      %add3A_142 = arith.addi %add3A_133, %add3A_141 : i32
      %lt3A_143 = arith.constant 125 : i32
      %lt3A_144 = arith.cmpi slt, %add3A_142, %lt3A_143 : i32
      %convert_element_type3A_145 = arith.extui %lt3A_144 : i1 to i32
      %cond3A_146 = arith.constant 0 : i32
      %cond3A_147 = arith.cmpi ne, %convert_element_type3A_145, %cond3A_146 : i32
      scf.if %cond3A_147 {
        %add3A_148 = arith.constant 3 : i32
        %add3A_149 = arith.addi %add3A_133, %add3A_148 : i32
        %dma_start3A_150 = arith.constant 0 : i32
        %dma_start3A_151 = tpu.memref_slice %arg7[%add3A_149, %dma_start3A_150] : memref<125x80xi32, #tpu.memory_space<vmem>> -> memref<1x80xi32, #tpu.memory_space<vmem>>
        %dma_start3A_152 = tpu.memref_squeeze %dma_start3A_151 : memref<1x80xi32, #tpu.memory_space<vmem>> -> memref<80xi32, #tpu.memory_space<vmem>>
        %dma_start3A_153 = arith.constant 0 : i32
        %dma_start3A_154 = arith.constant 0 : i32
        %dma_start3A_155 = tpu.memref_slice %arg2[%dma_start3A_153, %dma_start3A_154] : memref<10000x48xf32, #tpu.memory_space<hbm>> -> memref<10000x48xf32, #tpu.memory_space<hbm>>
        tpu.enqueue_indirect_dma source(%dma_start3A_155 : memref<10000x48xf32, #tpu.memory_space<hbm>>) target(%arg11 : memref<80x48xf32, #tpu.memory_space<vmem>>) offsets(%dma_start3A_152 : memref<80xi32, #tpu.memory_space<vmem>>) semaphore(%arg15 : memref<!tpu.dma_semaphore, #tpu.memory_space<semaphore_mem>>)
      } else {
      }
    }
    %scan3A_64 = arith.constant 41 : i32
    %dma_wait3A = arith.constant 0 : i32
    %dma_wait3A_65 = arith.constant 0 : i32
    %dma_wait3A_66 = tpu.memref_slice %arg7[%dma_wait3A, %dma_wait3A_65] : memref<125x80xi32, #tpu.memory_space<vmem>> -> memref<1x80xi32, #tpu.memory_space<vmem>>
    %dma_wait3A_67 = tpu.memref_squeeze %dma_wait3A_66 : memref<1x80xi32, #tpu.memory_space<vmem>> -> memref<80xi32, #tpu.memory_space<vmem>>
    %dma_wait3A_68 = arith.constant 0 : i32
    %dma_wait3A_69 = arith.constant 0 : i32
    %dma_wait3A_70 = tpu.memref_slice %arg2[%dma_wait3A_68, %dma_wait3A_69] : memref<10000x48xf32, #tpu.memory_space<hbm>> -> memref<10000x48xf32, #tpu.memory_space<hbm>>
    tpu.wait_indirect_dma semaphore(%arg13 : memref<!tpu.dma_semaphore, #tpu.memory_space<semaphore_mem>>) src(%dma_wait3A_70 : memref<10000x48xf32, #tpu.memory_space<hbm>>) dst(%arg9 : memref<80x48xf32, #tpu.memory_space<vmem>>)
    %run_scoped3A = arith.constant 123 : i32
    "tpu.region"() ({
      %run_scoped3A_90 = tpu.sem_alloc : memref<!tpu.dma_semaphore, #tpu.memory_space<semaphore_mem>>
      %dma_start3A_91 = arith.constant 0 : i32
      %dma_start3A_92 = tpu.memref_slice %arg8[%run_scoped3A, %dma_start3A_91] : memref<125x80xi32, #tpu.memory_space<vmem>> -> memref<1x80xi32, #tpu.memory_space<vmem>>
      %dma_start3A_93 = tpu.memref_squeeze %dma_start3A_92 : memref<1x80xi32, #tpu.memory_space<vmem>> -> memref<80xi32, #tpu.memory_space<vmem>>
      %dma_start3A_94 = arith.constant 0 : i32
      %dma_start3A_95 = arith.constant 0 : i32
      %dma_start3A_96 = tpu.memref_slice %arg12[%dma_start3A_94, %dma_start3A_95] : memref<10016x48xf32, #tpu.memory_space<vmem_shared>> -> memref<10016x48xf32, #tpu.memory_space<vmem_shared>>
      tpu.enqueue_indirect_dma source(%arg9 : memref<80x48xf32, #tpu.memory_space<vmem>>) target(%dma_start3A_96 : memref<10016x48xf32, #tpu.memory_space<vmem_shared>>) offsets(%dma_start3A_93 : memref<80xi32, #tpu.memory_space<vmem>>) semaphore(%run_scoped3A_90 : memref<!tpu.dma_semaphore, #tpu.memory_space<semaphore_mem>>) {add = true}
      %dma_wait3A_97 = arith.constant 0 : i32
      %dma_wait3A_98 = tpu.memref_slice %arg8[%run_scoped3A, %dma_wait3A_97] : memref<125x80xi32, #tpu.memory_space<vmem>> -> memref<1x80xi32, #tpu.memory_space<vmem>>
      %dma_wait3A_99 = tpu.memref_squeeze %dma_wait3A_98 : memref<1x80xi32, #tpu.memory_space<vmem>> -> memref<80xi32, #tpu.memory_space<vmem>>
      %dma_wait3A_100 = arith.constant 0 : i32
      %dma_wait3A_101 = arith.constant 0 : i32
      %dma_wait3A_102 = tpu.memref_slice %arg12[%dma_wait3A_100, %dma_wait3A_101] : memref<10016x48xf32, #tpu.memory_space<vmem_shared>> -> memref<10016x48xf32, #tpu.memory_space<vmem_shared>>
      tpu.wait_indirect_dma semaphore(%run_scoped3A_90 : memref<!tpu.dma_semaphore, #tpu.memory_space<semaphore_mem>>) src(%arg9 : memref<80x48xf32, #tpu.memory_space<vmem>>) dst(%dma_wait3A_102 : memref<10016x48xf32, #tpu.memory_space<vmem_shared>>)
      tpu.yield
    }) : () -> ()
    %dma_wait3A_71 = arith.constant 0 : i32
    %dma_wait3A_72 = arith.constant 0 : i32
    %dma_wait3A_73 = tpu.memref_slice %arg7[%dma_wait3A_71, %dma_wait3A_72] : memref<125x80xi32, #tpu.memory_space<vmem>> -> memref<1x80xi32, #tpu.memory_space<vmem>>
    %dma_wait3A_74 = tpu.memref_squeeze %dma_wait3A_73 : memref<1x80xi32, #tpu.memory_space<vmem>> -> memref<80xi32, #tpu.memory_space<vmem>>
    %dma_wait3A_75 = arith.constant 0 : i32
    %dma_wait3A_76 = arith.constant 0 : i32
    %dma_wait3A_77 = tpu.memref_slice %arg2[%dma_wait3A_75, %dma_wait3A_76] : memref<10000x48xf32, #tpu.memory_space<hbm>> -> memref<10000x48xf32, #tpu.memory_space<hbm>>
    tpu.wait_indirect_dma semaphore(%arg14 : memref<!tpu.dma_semaphore, #tpu.memory_space<semaphore_mem>>) src(%dma_wait3A_77 : memref<10000x48xf32, #tpu.memory_space<hbm>>) dst(%arg9 : memref<80x48xf32, #tpu.memory_space<vmem>>)
    %run_scoped3A_78 = arith.constant 124 : i32
    "tpu.region"() ({
      %run_scoped3A_90 = tpu.sem_alloc : memref<!tpu.dma_semaphore, #tpu.memory_space<semaphore_mem>>
      %dma_start3A_91 = arith.constant 0 : i32
      %dma_start3A_92 = tpu.memref_slice %arg8[%run_scoped3A_78, %dma_start3A_91] : memref<125x80xi32, #tpu.memory_space<vmem>> -> memref<1x80xi32, #tpu.memory_space<vmem>>
      %dma_start3A_93 = tpu.memref_squeeze %dma_start3A_92 : memref<1x80xi32, #tpu.memory_space<vmem>> -> memref<80xi32, #tpu.memory_space<vmem>>
      %dma_start3A_94 = arith.constant 0 : i32
      %dma_start3A_95 = arith.constant 0 : i32
      %dma_start3A_96 = tpu.memref_slice %arg12[%dma_start3A_94, %dma_start3A_95] : memref<10016x48xf32, #tpu.memory_space<vmem_shared>> -> memref<10016x48xf32, #tpu.memory_space<vmem_shared>>
      tpu.enqueue_indirect_dma source(%arg10 : memref<80x48xf32, #tpu.memory_space<vmem>>) target(%dma_start3A_96 : memref<10016x48xf32, #tpu.memory_space<vmem_shared>>) offsets(%dma_start3A_93 : memref<80xi32, #tpu.memory_space<vmem>>) semaphore(%run_scoped3A_90 : memref<!tpu.dma_semaphore, #tpu.memory_space<semaphore_mem>>) {add = true}
      %dma_wait3A_97 = arith.constant 0 : i32
      %dma_wait3A_98 = tpu.memref_slice %arg8[%run_scoped3A_78, %dma_wait3A_97] : memref<125x80xi32, #tpu.memory_space<vmem>> -> memref<1x80xi32, #tpu.memory_space<vmem>>
      %dma_wait3A_99 = tpu.memref_squeeze %dma_wait3A_98 : memref<1x80xi32, #tpu.memory_space<vmem>> -> memref<80xi32, #tpu.memory_space<vmem>>
      %dma_wait3A_100 = arith.constant 0 : i32
      %dma_wait3A_101 = arith.constant 0 : i32
      %dma_wait3A_102 = tpu.memref_slice %arg12[%dma_wait3A_100, %dma_wait3A_101] : memref<10016x48xf32, #tpu.memory_space<vmem_shared>> -> memref<10016x48xf32, #tpu.memory_space<vmem_shared>>
      tpu.wait_indirect_dma semaphore(%run_scoped3A_90 : memref<!tpu.dma_semaphore, #tpu.memory_space<semaphore_mem>>) src(%arg10 : memref<80x48xf32, #tpu.memory_space<vmem>>) dst(%dma_wait3A_102 : memref<10016x48xf32, #tpu.memory_space<vmem_shared>>)
      tpu.yield
    }) : () -> ()
    %barrier3A_79 = arith.constant 0 : index
    tpu.barrier barrier_id(%barrier3A_79)
    %eq3A_80 = arith.constant 0 : i32
    %eq3A_81 = arith.cmpi eq, %arg0, %eq3A_80 : i32
    %convert_element_type3A_82 = arith.extui %eq3A_81 : i1 to i32
    %cond3A_83 = arith.constant 0 : i32
    %cond3A_84 = arith.cmpi ne, %convert_element_type3A_82, %cond3A_83 : i32
    scf.if %cond3A_84 {
      %mul3A_90 = arith.constant 624 : i32
      %mul3A_91 = arith.muli %arg1, %mul3A_90 : i32
      %mul3A_92 = arith.constant 624 : i32
      %mul3A_93 = arith.muli %arg1, %mul3A_92 : i32
      "tpu.region"() ({
        %run_scoped3A_99 = tpu.sem_alloc : memref<!tpu.dma_semaphore, #tpu.memory_space<semaphore_mem>>
        %dma_start3A_100 = arith.constant 0 : i32
        %dma_start3A_101 = tpu.memref_slice %arg5[%mul3A_93, %dma_start3A_100] : memref<10000x48xf32, #tpu.memory_space<hbm>> -> memref<624x48xf32, #tpu.memory_space<hbm>>
        %dma_start3A_102 = arith.constant 0 : i32
        %dma_start3A_103 = tpu.memref_slice %arg12[%mul3A_91, %dma_start3A_102] : memref<10016x48xf32, #tpu.memory_space<vmem_shared>> -> memref<624x48xf32, #tpu.memory_space<vmem_shared>>
        tpu.enqueue_dma source(%dma_start3A_103 : memref<624x48xf32, #tpu.memory_space<vmem_shared>>) target(%dma_start3A_101 : memref<624x48xf32, #tpu.memory_space<hbm>>) target_semaphore(%run_scoped3A_99 : memref<!tpu.dma_semaphore, #tpu.memory_space<semaphore_mem>>)
        %dma_wait3A_104 = arith.constant 0 : i32
        %dma_wait3A_105 = tpu.memref_slice %arg5[%mul3A_93, %dma_wait3A_104] : memref<10000x48xf32, #tpu.memory_space<hbm>> -> memref<624x48xf32, #tpu.memory_space<hbm>>
        %dma_wait3A_106 = arith.constant 0 : i32
        %dma_wait3A_107 = tpu.memref_slice %arg12[%mul3A_91, %dma_wait3A_106] : memref<10016x48xf32, #tpu.memory_space<vmem_shared>> -> memref<624x48xf32, #tpu.memory_space<vmem_shared>>
        tpu.wait_dma2 semaphore(%run_scoped3A_99 : memref<!tpu.dma_semaphore, #tpu.memory_space<semaphore_mem>>) src(%dma_wait3A_107 : memref<624x48xf32, #tpu.memory_space<vmem_shared>>) dst(%dma_wait3A_105 : memref<624x48xf32, #tpu.memory_space<hbm>>)
        tpu.yield
      }) : () -> ()
      %eq3A_94 = arith.constant 15 : i32
      %eq3A_95 = arith.cmpi eq, %arg1, %eq3A_94 : i32
      %convert_element_type3A_96 = arith.extui %eq3A_95 : i1 to i32
      %cond3A_97 = arith.constant 0 : i32
      %cond3A_98 = arith.cmpi ne, %convert_element_type3A_96, %cond3A_97 : i32
      scf.if %cond3A_98 {
        "tpu.region"() ({
          %run_scoped3A_99 = tpu.sem_alloc : memref<!tpu.dma_semaphore, #tpu.memory_space<semaphore_mem>>
          %dma_start3A_100 = arith.constant 9984 : i32
          %dma_start3A_101 = arith.constant 0 : i32
          %dma_start3A_102 = tpu.memref_slice %arg5[%dma_start3A_100, %dma_start3A_101] : memref<10000x48xf32, #tpu.memory_space<hbm>> -> memref<16x48xf32, #tpu.memory_space<hbm>>
          %dma_start3A_103 = arith.constant 9984 : i32
          %dma_start3A_104 = arith.constant 0 : i32
          %dma_start3A_105 = tpu.memref_slice %arg12[%dma_start3A_103, %dma_start3A_104] : memref<10016x48xf32, #tpu.memory_space<vmem_shared>> -> memref<16x48xf32, #tpu.memory_space<vmem_shared>>
          tpu.enqueue_dma source(%dma_start3A_105 : memref<16x48xf32, #tpu.memory_space<vmem_shared>>) target(%dma_start3A_102 : memref<16x48xf32, #tpu.memory_space<hbm>>) target_semaphore(%run_scoped3A_99 : memref<!tpu.dma_semaphore, #tpu.memory_space<semaphore_mem>>)
          %dma_wait3A_106 = arith.constant 9984 : i32
          %dma_wait3A_107 = arith.constant 0 : i32
          %dma_wait3A_108 = tpu.memref_slice %arg5[%dma_wait3A_106, %dma_wait3A_107] : memref<10000x48xf32, #tpu.memory_space<hbm>> -> memref<16x48xf32, #tpu.memory_space<hbm>>
          %dma_wait3A_109 = arith.constant 9984 : i32
          %dma_wait3A_110 = arith.constant 0 : i32
          %dma_wait3A_111 = tpu.memref_slice %arg12[%dma_wait3A_109, %dma_wait3A_110] : memref<10016x48xf32, #tpu.memory_space<vmem_shared>> -> memref<16x48xf32, #tpu.memory_space<vmem_shared>>
          tpu.wait_dma2 semaphore(%run_scoped3A_99 : memref<!tpu.dma_semaphore, #tpu.memory_space<semaphore_mem>>) src(%dma_wait3A_111 : memref<16x48xf32, #tpu.memory_space<vmem_shared>>) dst(%dma_wait3A_108 : memref<16x48xf32, #tpu.memory_space<hbm>>)
          tpu.yield
        }) : () -> ()
      } else {
      }
    } else {
    }
    %eq3A_85 = arith.constant 1 : i32
    %eq3A_86 = arith.cmpi eq, %arg0, %eq3A_85 : i32
    %convert_element_type3A_87 = arith.extui %eq3A_86 : i1 to i32
    %cond3A_88 = arith.constant 0 : i32
    %cond3A_89 = arith.cmpi ne, %convert_element_type3A_87, %cond3A_88 : i32
    scf.if %cond3A_89 {
      %mul3A_90 = arith.constant 624 : i32
      %mul3A_91 = arith.muli %arg1, %mul3A_90 : i32
      %mul3A_92 = arith.constant 624 : i32
      %mul3A_93 = arith.muli %arg1, %mul3A_92 : i32
      "tpu.region"() ({
        %run_scoped3A_99 = tpu.sem_alloc : memref<!tpu.dma_semaphore, #tpu.memory_space<semaphore_mem>>
        %dma_start3A_100 = arith.constant 0 : i32
        %dma_start3A_101 = tpu.memref_slice %arg6[%mul3A_93, %dma_start3A_100] : memref<10000x48xf32, #tpu.memory_space<hbm>> -> memref<624x48xf32, #tpu.memory_space<hbm>>
        %dma_start3A_102 = arith.constant 0 : i32
        %dma_start3A_103 = tpu.memref_slice %arg12[%mul3A_91, %dma_start3A_102] : memref<10016x48xf32, #tpu.memory_space<vmem_shared>> -> memref<624x48xf32, #tpu.memory_space<vmem_shared>>
        tpu.enqueue_dma source(%dma_start3A_103 : memref<624x48xf32, #tpu.memory_space<vmem_shared>>) target(%dma_start3A_101 : memref<624x48xf32, #tpu.memory_space<hbm>>) target_semaphore(%run_scoped3A_99 : memref<!tpu.dma_semaphore, #tpu.memory_space<semaphore_mem>>)
        %dma_wait3A_104 = arith.constant 0 : i32
        %dma_wait3A_105 = tpu.memref_slice %arg6[%mul3A_93, %dma_wait3A_104] : memref<10000x48xf32, #tpu.memory_space<hbm>> -> memref<624x48xf32, #tpu.memory_space<hbm>>
        %dma_wait3A_106 = arith.constant 0 : i32
        %dma_wait3A_107 = tpu.memref_slice %arg12[%mul3A_91, %dma_wait3A_106] : memref<10016x48xf32, #tpu.memory_space<vmem_shared>> -> memref<624x48xf32, #tpu.memory_space<vmem_shared>>
        tpu.wait_dma2 semaphore(%run_scoped3A_99 : memref<!tpu.dma_semaphore, #tpu.memory_space<semaphore_mem>>) src(%dma_wait3A_107 : memref<624x48xf32, #tpu.memory_space<vmem_shared>>) dst(%dma_wait3A_105 : memref<624x48xf32, #tpu.memory_space<hbm>>)
        tpu.yield
      }) : () -> ()
      %eq3A_94 = arith.constant 15 : i32
      %eq3A_95 = arith.cmpi eq, %arg1, %eq3A_94 : i32
      %convert_element_type3A_96 = arith.extui %eq3A_95 : i1 to i32
      %cond3A_97 = arith.constant 0 : i32
      %cond3A_98 = arith.cmpi ne, %convert_element_type3A_96, %cond3A_97 : i32
      scf.if %cond3A_98 {
        "tpu.region"() ({
          %run_scoped3A_99 = tpu.sem_alloc : memref<!tpu.dma_semaphore, #tpu.memory_space<semaphore_mem>>
          %dma_start3A_100 = arith.constant 9984 : i32
          %dma_start3A_101 = arith.constant 0 : i32
          %dma_start3A_102 = tpu.memref_slice %arg6[%dma_start3A_100, %dma_start3A_101] : memref<10000x48xf32, #tpu.memory_space<hbm>> -> memref<16x48xf32, #tpu.memory_space<hbm>>
          %dma_start3A_103 = arith.constant 9984 : i32
          %dma_start3A_104 = arith.constant 0 : i32
          %dma_start3A_105 = tpu.memref_slice %arg12[%dma_start3A_103, %dma_start3A_104] : memref<10016x48xf32, #tpu.memory_space<vmem_shared>> -> memref<16x48xf32, #tpu.memory_space<vmem_shared>>
          tpu.enqueue_dma source(%dma_start3A_105 : memref<16x48xf32, #tpu.memory_space<vmem_shared>>) target(%dma_start3A_102 : memref<16x48xf32, #tpu.memory_space<hbm>>) target_semaphore(%run_scoped3A_99 : memref<!tpu.dma_semaphore, #tpu.memory_space<semaphore_mem>>)
          %dma_wait3A_106 = arith.constant 9984 : i32
          %dma_wait3A_107 = arith.constant 0 : i32
          %dma_wait3A_108 = tpu.memref_slice %arg6[%dma_wait3A_106, %dma_wait3A_107] : memref<10000x48xf32, #tpu.memory_space<hbm>> -> memref<16x48xf32, #tpu.memory_space<hbm>>
          %dma_wait3A_109 = arith.constant 9984 : i32
          %dma_wait3A_110 = arith.constant 0 : i32
          %dma_wait3A_111 = tpu.memref_slice %arg12[%dma_wait3A_109, %dma_wait3A_110] : memref<10016x48xf32, #tpu.memory_space<vmem_shared>> -> memref<16x48xf32, #tpu.memory_space<vmem_shared>>
          tpu.wait_dma2 semaphore(%run_scoped3A_99 : memref<!tpu.dma_semaphore, #tpu.memory_space<semaphore_mem>>) src(%dma_wait3A_111 : memref<16x48xf32, #tpu.memory_space<vmem_shared>>) dst(%dma_wait3A_108 : memref<16x48xf32, #tpu.memory_space<hbm>>)
          tpu.yield
        }) : () -> ()
      } else {
      }
    } else {
    }
    return
  }
}

module attributes {stable_mosaic.version = 14 : i64} {
  func.func @body(%arg0: i32, %arg1: memref<1000x128xf32, #tpu.memory_space<vmem>>, %arg2: memref<128x128xf32, #tpu.memory_space<vmem>>, %arg3: memref<1000x128xf32, #tpu.memory_space<vmem>>) attributes {dimension_semantics = [#tpu.dimension_semantics<arbitrary>], iteration_bounds = array<i64: 10>, scalar_prefetch = 0 : i64, scratch_operands = 0 : i64, tpu.core_type = #tpu.core_type<tc>, window_params = [{transform_indices = @transform_0, window_bounds = array<i64: 1000, 128>}, {pipeline_mode = #tpu.pipeline_mode<synchronous>, transform_indices = @transform_1, window_bounds = array<i64: 128, 128>}, {transform_indices = @transform_2, window_bounds = array<i64: 1000, 128>}]} {
    %get3A = arith.constant 0 : index
    %get3A_0 = arith.constant 0 : index
    %get3A_1 = vector.load %arg1[%get3A, %get3A_0] : memref<1000x128xf32, #tpu.memory_space<vmem>>, vector<1000x128xf32>
    %get3A_2 = arith.constant 0 : index
    %get3A_3 = arith.constant 0 : index
    %get3A_4 = vector.load %arg2[%get3A_2, %get3A_3] : memref<128x128xf32, #tpu.memory_space<vmem>>, vector<128x128xf32>
    %dot_general3A = arith.constant dense<0.000000e+00> : vector<1000x128xf32>
    %dot_general3A_5 = tpu.matmul %get3A_1, %get3A_4, %dot_general3A {dimension_numbers = #tpu.dot_dimension_numbers<[1], [0], [0], [1], [0, 0, 1, 1], [], []>, precision = #tpu.contract_precision<fp32>, transpose_lhs_hint = false} : vector<1000x128xf32>, vector<128x128xf32>, vector<1000x128xf32> -> vector<1000x128xf32>
    %swap3A = arith.constant 0 : index
    %swap3A_6 = arith.constant 0 : index
    %swap3A_7 = vector.load %arg3[%swap3A, %swap3A_6] : memref<1000x128xf32, #tpu.memory_space<vmem>>, vector<1000x128xf32>
    tpu.vector_store %arg3[%swap3A, %swap3A_6], %dot_general3A_5 {strides = array<i32>} : memref<1000x128xf32, #tpu.memory_space<vmem>>, vector<1000x128xf32>,
    return
  }
  func.func @transform_0(%arg0: i32) -> (i32, i32) {
    %c0_i32 = arith.constant 0 : i32
    %c0_i32_0 = arith.constant 0 : i32
    return %arg0, %c0_i32 : i32, i32
  }
  func.func @transform_1(%arg0: i32) -> (i32, i32) {
    %c0_i32 = arith.constant 0 : i32
    %c0_i32_0 = arith.constant 0 : i32
    %c0_i32_1 = arith.constant 0 : i32
    return %c0_i32, %c0_i32_0 : i32, i32
  }
  func.func @transform_2(%arg0: i32) -> (i32, i32) {
    %c0_i32 = arith.constant 0 : i32
    %c0_i32_0 = arith.constant 0 : i32
    return %arg0, %c0_i32 : i32, i32
  }
}

module attributes {stable_mosaic.version = 14 : i64} {
  func.func @body(%arg0: i32, %arg1: memref<1000x128xf32, #tpu.memory_space<vmem>>, %arg2: memref<1000x128xf32, #tpu.memory_space<vmem>>, %arg3: memref<1000x1xf32, #tpu.memory_space<vmem>>, %arg4: memref<1x128xf32, #tpu.memory_space<vmem>>, %arg5: memref<128x128xf32, #tpu.memory_space<vmem>>, %arg6: memref<1000x128xf32, #tpu.memory_space<vmem>>) attributes {dimension_semantics = [#tpu.dimension_semantics<arbitrary>], iteration_bounds = array<i64: 10>, scalar_prefetch = 0 : i64, scratch_operands = 0 : i64, tpu.core_type = #tpu.core_type<tc>, window_params = [{transform_indices = @transform_0, window_bounds = array<i64: 1000, 128>}, {transform_indices = @transform_1, window_bounds = array<i64: 1000, 128>}, {transform_indices = @transform_2, window_bounds = array<i64: 1000, 1>}, {pipeline_mode = #tpu.pipeline_mode<synchronous>, transform_indices = @transform_3, window_bounds = array<i64: 1, 128>}, {pipeline_mode = #tpu.pipeline_mode<synchronous>, transform_indices = @transform_4, window_bounds = array<i64: 128, 128>}, {transform_indices = @transform_5, window_bounds = array<i64: 1000, 128>}]} {
    %get3A = arith.constant 0 : index
    %get3A_0 = arith.constant 0 : index
    %get3A_1 = vector.load %arg3[%get3A, %get3A_0] : memref<1000x1xf32, #tpu.memory_space<vmem>>, vector<1000x1xf32>
    %get3A_2 = arith.constant 0 : index
    %get3A_3 = arith.constant 0 : index
    %get3A_4 = vector.load %arg1[%get3A_2, %get3A_3] : memref<1000x128xf32, #tpu.memory_space<vmem>>, vector<1000x128xf32>
    %get3A_5 = arith.constant 0 : index
    %get3A_6 = arith.constant 0 : index
    %get3A_7 = vector.load %arg2[%get3A_5, %get3A_6] : memref<1000x128xf32, #tpu.memory_space<vmem>>, vector<1000x128xf32>
    %add3A = arith.addf %get3A_4, %get3A_7 : vector<1000x128xf32>
    %mul3A = vector.broadcast %get3A_1 : vector<1000x1xf32> to vector<1000x128xf32>
    %mul3A_8 = arith.mulf %mul3A, %add3A : vector<1000x128xf32>
    %get3A_9 = arith.constant 0 : index
    %get3A_10 = arith.constant 0 : index
    %get3A_11 = vector.load %arg4[%get3A_9, %get3A_10] : memref<1x128xf32, #tpu.memory_space<vmem>>, vector<1x128xf32>
    %add3A_12 = vector.broadcast %get3A_11 : vector<1x128xf32> to vector<1000x128xf32>
    %add3A_13 = arith.addf %mul3A_8, %add3A_12 : vector<1000x128xf32>
    %max3A = arith.constant 0.000000e+00 : f32
    %max3A_14 = vector.broadcast %max3A : f32 to vector<1000x128xf32>
    %max3A_15 = arith.maximumf %add3A_13, %max3A_14 : vector<1000x128xf32>
    %get3A_16 = arith.constant 0 : index
    %get3A_17 = arith.constant 0 : index
    %get3A_18 = vector.load %arg5[%get3A_16, %get3A_17] : memref<128x128xf32, #tpu.memory_space<vmem>>, vector<128x128xf32>
    %dot_general3A = arith.constant dense<0.000000e+00> : vector<1000x128xf32>
    %dot_general3A_19 = tpu.matmul %max3A_15, %get3A_18, %dot_general3A {dimension_numbers = #tpu.dot_dimension_numbers<[1], [0], [0], [1], [0, 0, 1, 1], [], []>, precision = #tpu.contract_precision<fp32>, transpose_lhs_hint = false} : vector<1000x128xf32>, vector<128x128xf32>, vector<1000x128xf32> -> vector<1000x128xf32>
    %swap3A = arith.constant 0 : index
    %swap3A_20 = arith.constant 0 : index
    %swap3A_21 = vector.load %arg6[%swap3A, %swap3A_20] : memref<1000x128xf32, #tpu.memory_space<vmem>>, vector<1000x128xf32>
    tpu.vector_store %arg6[%swap3A, %swap3A_20], %dot_general3A_19 {strides = array<i32>} : memref<1000x128xf32, #tpu.memory_space<vmem>>, vector<1000x128xf32>,
    return
  }
  func.func @transform_0(%arg0: i32) -> (i32, i32) {
    %c0_i32 = arith.constant 0 : i32
    %c0_i32_0 = arith.constant 0 : i32
    return %arg0, %c0_i32 : i32, i32
  }
  func.func @transform_1(%arg0: i32) -> (i32, i32) {
    %c0_i32 = arith.constant 0 : i32
    %c0_i32_0 = arith.constant 0 : i32
    return %arg0, %c0_i32 : i32, i32
  }
  func.func @transform_2(%arg0: i32) -> (i32, i32) {
    %c0_i32 = arith.constant 0 : i32
    %c0_i32_0 = arith.constant 0 : i32
    return %arg0, %c0_i32 : i32, i32
  }
  func.func @transform_3(%arg0: i32) -> (i32, i32) {
    %c0_i32 = arith.constant 0 : i32
    %c0_i32_0 = arith.constant 0 : i32
    %c0_i32_1 = arith.constant 0 : i32
    return %c0_i32, %c0_i32_0 : i32, i32
  }
  func.func @transform_4(%arg0: i32) -> (i32, i32) {
    %c0_i32 = arith.constant 0 : i32
    %c0_i32_0 = arith.constant 0 : i32
    %c0_i32_1 = arith.constant 0 : i32
    return %c0_i32, %c0_i32_0 : i32, i32
  }
  func.func @transform_5(%arg0: i32) -> (i32, i32) {
    %c0_i32 = arith.constant 0 : i32
    %c0_i32_0 = arith.constant 0 : i32
    return %arg0, %c0_i32 : i32, i32
  }
}

module attributes {stable_mosaic.version = 14 : i64} {
  func.func @body(%arg0: i32, %arg1: memref<1000x128xf32, #tpu.memory_space<vmem>>, %arg2: memref<1000x128xf32, #tpu.memory_space<vmem>>, %arg3: memref<1000x1xf32, #tpu.memory_space<vmem>>, %arg4: memref<1x128xf32, #tpu.memory_space<vmem>>, %arg5: memref<128x128xf32, #tpu.memory_space<vmem>>, %arg6: memref<1x128xf32, #tpu.memory_space<vmem>>, %arg7: memref<1x128xf32, #tpu.memory_space<vmem>>, %arg8: memref<128x48xf32, #tpu.memory_space<vmem>>, %arg9: memref<1000x48xf32, #tpu.memory_space<vmem>>) attributes {dimension_semantics = [#tpu.dimension_semantics<arbitrary>], iteration_bounds = array<i64: 10>, scalar_prefetch = 0 : i64, scratch_operands = 0 : i64, tpu.core_type = #tpu.core_type<tc>, window_params = [{transform_indices = @transform_0, window_bounds = array<i64: 1000, 128>}, {transform_indices = @transform_1, window_bounds = array<i64: 1000, 128>}, {transform_indices = @transform_2, window_bounds = array<i64: 1000, 1>}, {pipeline_mode = #tpu.pipeline_mode<synchronous>, transform_indices = @transform_3, window_bounds = array<i64: 1, 128>}, {pipeline_mode = #tpu.pipeline_mode<synchronous>, transform_indices = @transform_4, window_bounds = array<i64: 128, 128>}, {pipeline_mode = #tpu.pipeline_mode<synchronous>, transform_indices = @transform_5, window_bounds = array<i64: 1, 128>}, {pipeline_mode = #tpu.pipeline_mode<synchronous>, transform_indices = @transform_6, window_bounds = array<i64: 1, 128>}, {pipeline_mode = #tpu.pipeline_mode<synchronous>, transform_indices = @transform_7, window_bounds = array<i64: 128, 48>}, {transform_indices = @transform_8, window_bounds = array<i64: 1000, 48>}]} {
    %get3A = arith.constant 0 : index
    %get3A_0 = arith.constant 0 : index
    %get3A_1 = vector.load %arg3[%get3A, %get3A_0] : memref<1000x1xf32, #tpu.memory_space<vmem>>, vector<1000x1xf32>
    %get3A_2 = arith.constant 0 : index
    %get3A_3 = arith.constant 0 : index
    %get3A_4 = vector.load %arg1[%get3A_2, %get3A_3] : memref<1000x128xf32, #tpu.memory_space<vmem>>, vector<1000x128xf32>
    %get3A_5 = arith.constant 0 : index
    %get3A_6 = arith.constant 0 : index
    %get3A_7 = vector.load %arg2[%get3A_5, %get3A_6] : memref<1000x128xf32, #tpu.memory_space<vmem>>, vector<1000x128xf32>
    %add3A = arith.addf %get3A_4, %get3A_7 : vector<1000x128xf32>
    %mul3A = vector.broadcast %get3A_1 : vector<1000x1xf32> to vector<1000x128xf32>
    %mul3A_8 = arith.mulf %mul3A, %add3A : vector<1000x128xf32>
    %get3A_9 = arith.constant 0 : index
    %get3A_10 = arith.constant 0 : index
    %get3A_11 = vector.load %arg4[%get3A_9, %get3A_10] : memref<1x128xf32, #tpu.memory_space<vmem>>, vector<1x128xf32>
    %add3A_12 = vector.broadcast %get3A_11 : vector<1x128xf32> to vector<1000x128xf32>
    %add3A_13 = arith.addf %mul3A_8, %add3A_12 : vector<1000x128xf32>
    %max3A = arith.constant 0.000000e+00 : f32
    %max3A_14 = vector.broadcast %max3A : f32 to vector<1000x128xf32>
    %max3A_15 = arith.maximumf %add3A_13, %max3A_14 : vector<1000x128xf32>
    %get3A_16 = arith.constant 0 : index
    %get3A_17 = arith.constant 0 : index
    %get3A_18 = vector.load %arg5[%get3A_16, %get3A_17] : memref<128x128xf32, #tpu.memory_space<vmem>>, vector<128x128xf32>
    %dot_general3A = arith.constant dense<0.000000e+00> : vector<1000x128xf32>
    %dot_general3A_19 = tpu.matmul %max3A_15, %get3A_18, %dot_general3A {dimension_numbers = #tpu.dot_dimension_numbers<[1], [0], [0], [1], [0, 0, 1, 1], [], []>, precision = #tpu.contract_precision<fp32>, transpose_lhs_hint = false} : vector<1000x128xf32>, vector<128x128xf32>, vector<1000x128xf32> -> vector<1000x128xf32>
    %mul3A_20 = arith.constant 2.500000e-01 : f32
    %mul3A_21 = vector.broadcast %mul3A_20 : f32 to vector<1000x128xf32>
    %mul3A_22 = arith.mulf %dot_general3A_19, %mul3A_21 : vector<1000x128xf32>
    %sub3A = arith.subf %max3A_15, %mul3A_22 : vector<1000x128xf32>
    %mul3A_23 = arith.mulf %sub3A, %sub3A : vector<1000x128xf32>
    %get3A_24 = arith.constant 0 : index
    %get3A_25 = arith.constant 0 : index
    %get3A_26 = vector.load %arg5[%get3A_24, %get3A_25] : memref<128x128xf32, #tpu.memory_space<vmem>>, vector<128x128xf32>
    %dot_general3A_27 = arith.constant dense<0.000000e+00> : vector<1000x128xf32>
    %dot_general3A_28 = tpu.matmul %mul3A_23, %get3A_26, %dot_general3A_27 {dimension_numbers = #tpu.dot_dimension_numbers<[1], [0], [0], [1], [0, 0, 1, 1], [], []>, precision = #tpu.contract_precision<fp32>, transpose_lhs_hint = false} : vector<1000x128xf32>, vector<128x128xf32>, vector<1000x128xf32> -> vector<1000x128xf32>
    %mul3A_29 = arith.constant 2.500000e-01 : f32
    %mul3A_30 = vector.broadcast %mul3A_29 : f32 to vector<1000x128xf32>
    %mul3A_31 = arith.mulf %dot_general3A_28, %mul3A_30 : vector<1000x128xf32>
    %add3A_32 = arith.constant 9.99999974E-6 : f32
    %add3A_33 = vector.broadcast %add3A_32 : f32 to vector<1000x128xf32>
    %add3A_34 = arith.addf %mul3A_31, %add3A_33 : vector<1000x128xf32>
    %rsqrt3A = math.rsqrt %add3A_34 : vector<1000x128xf32>
    %mul3A_35 = arith.mulf %sub3A, %rsqrt3A : vector<1000x128xf32>
    %get3A_36 = arith.constant 0 : index
    %get3A_37 = arith.constant 0 : index
    %get3A_38 = vector.load %arg6[%get3A_36, %get3A_37] : memref<1x128xf32, #tpu.memory_space<vmem>>, vector<1x128xf32>
    %mul3A_39 = vector.broadcast %get3A_38 : vector<1x128xf32> to vector<1000x128xf32>
    %mul3A_40 = arith.mulf %mul3A_35, %mul3A_39 : vector<1000x128xf32>
    %get3A_41 = arith.constant 0 : index
    %get3A_42 = arith.constant 0 : index
    %get3A_43 = vector.load %arg7[%get3A_41, %get3A_42] : memref<1x128xf32, #tpu.memory_space<vmem>>, vector<1x128xf32>
    %add3A_44 = vector.broadcast %get3A_43 : vector<1x128xf32> to vector<1000x128xf32>
    %add3A_45 = arith.addf %mul3A_40, %add3A_44 : vector<1000x128xf32>
    %get3A_46 = arith.constant 0 : index
    %get3A_47 = arith.constant 0 : index
    %get3A_48 = vector.load %arg8[%get3A_46, %get3A_47] : memref<128x48xf32, #tpu.memory_space<vmem>>, vector<128x48xf32>
    %dot_general3A_49 = arith.constant dense<0.000000e+00> : vector<1000x48xf32>
    %dot_general3A_50 = tpu.matmul %add3A_45, %get3A_48, %dot_general3A_49 {dimension_numbers = #tpu.dot_dimension_numbers<[1], [0], [0], [1], [0, 0, 1, 1], [], []>, precision = #tpu.contract_precision<fp32>, transpose_lhs_hint = false} : vector<1000x128xf32>, vector<128x48xf32>, vector<1000x48xf32> -> vector<1000x48xf32>
    %swap3A = arith.constant 0 : index
    %swap3A_51 = arith.constant 0 : index
    %swap3A_52 = vector.load %arg9[%swap3A, %swap3A_51] : memref<1000x48xf32, #tpu.memory_space<vmem>>, vector<1000x48xf32>
    tpu.vector_store %arg9[%swap3A, %swap3A_51], %dot_general3A_50 {strides = array<i32>} : memref<1000x48xf32, #tpu.memory_space<vmem>>, vector<1000x48xf32>,
    return
  }
  func.func @transform_0(%arg0: i32) -> (i32, i32) {
    %c0_i32 = arith.constant 0 : i32
    %c0_i32_0 = arith.constant 0 : i32
    return %arg0, %c0_i32 : i32, i32
  }
  func.func @transform_1(%arg0: i32) -> (i32, i32) {
    %c0_i32 = arith.constant 0 : i32
    %c0_i32_0 = arith.constant 0 : i32
    return %arg0, %c0_i32 : i32, i32
  }
  func.func @transform_2(%arg0: i32) -> (i32, i32) {
    %c0_i32 = arith.constant 0 : i32
    %c0_i32_0 = arith.constant 0 : i32
    return %arg0, %c0_i32 : i32, i32
  }
  func.func @transform_3(%arg0: i32) -> (i32, i32) {
    %c0_i32 = arith.constant 0 : i32
    %c0_i32_0 = arith.constant 0 : i32
    %c0_i32_1 = arith.constant 0 : i32
    return %c0_i32, %c0_i32_0 : i32, i32
  }
  func.func @transform_4(%arg0: i32) -> (i32, i32) {
    %c0_i32 = arith.constant 0 : i32
    %c0_i32_0 = arith.constant 0 : i32
    %c0_i32_1 = arith.constant 0 : i32
    return %c0_i32, %c0_i32_0 : i32, i32
  }
  func.func @transform_5(%arg0: i32) -> (i32, i32) {
    %c0_i32 = arith.constant 0 : i32
    %c0_i32_0 = arith.constant 0 : i32
    %c0_i32_1 = arith.constant 0 : i32
    return %c0_i32, %c0_i32_0 : i32, i32
  }
  func.func @transform_6(%arg0: i32) -> (i32, i32) {
    %c0_i32 = arith.constant 0 : i32
    %c0_i32_0 = arith.constant 0 : i32
    %c0_i32_1 = arith.constant 0 : i32
    return %c0_i32, %c0_i32_0 : i32, i32
  }
  func.func @transform_7(%arg0: i32) -> (i32, i32) {
    %c0_i32 = arith.constant 0 : i32
    %c0_i32_0 = arith.constant 0 : i32
    %c0_i32_1 = arith.constant 0 : i32
    return %c0_i32, %c0_i32_0 : i32, i32
  }
  func.func @transform_8(%arg0: i32) -> (i32, i32) {
    %c0_i32 = arith.constant 0 : i32
    %c0_i32_0 = arith.constant 0 : i32
    return %arg0, %c0_i32 : i32, i32
  }
}

module attributes {stable_mosaic.version = 14 : i64} {
  func.func @body(%arg0: i32, %arg1: memref<1000x48xf32, #tpu.memory_space<vmem>>, %arg2: memref<1000x48xf32, #tpu.memory_space<vmem>>, %arg3: memref<1000x1xf32, #tpu.memory_space<vmem>>, %arg4: memref<1x48xf32, #tpu.memory_space<vmem>>, %arg5: memref<1000x48xf32, #tpu.memory_space<vmem>>) attributes {dimension_semantics = [#tpu.dimension_semantics<arbitrary>], iteration_bounds = array<i64: 10>, scalar_prefetch = 0 : i64, scratch_operands = 0 : i64, tpu.core_type = #tpu.core_type<tc>, window_params = [{transform_indices = @transform_0, window_bounds = array<i64: 1000, 48>}, {transform_indices = @transform_1, window_bounds = array<i64: 1000, 48>}, {transform_indices = @transform_2, window_bounds = array<i64: 1000, 1>}, {pipeline_mode = #tpu.pipeline_mode<synchronous>, transform_indices = @transform_3, window_bounds = array<i64: 1, 48>}, {transform_indices = @transform_4, window_bounds = array<i64: 1000, 48>}]} {
    %get3A = arith.constant 0 : index
    %get3A_0 = arith.constant 0 : index
    %get3A_1 = vector.load %arg3[%get3A, %get3A_0] : memref<1000x1xf32, #tpu.memory_space<vmem>>, vector<1000x1xf32>
    %get3A_2 = arith.constant 0 : index
    %get3A_3 = arith.constant 0 : index
    %get3A_4 = vector.load %arg1[%get3A_2, %get3A_3] : memref<1000x48xf32, #tpu.memory_space<vmem>>, vector<1000x48xf32>
    %get3A_5 = arith.constant 0 : index
    %get3A_6 = arith.constant 0 : index
    %get3A_7 = vector.load %arg2[%get3A_5, %get3A_6] : memref<1000x48xf32, #tpu.memory_space<vmem>>, vector<1000x48xf32>
    %add3A = arith.addf %get3A_4, %get3A_7 : vector<1000x48xf32>
    %mul3A = vector.broadcast %get3A_1 : vector<1000x1xf32> to vector<1000x48xf32>
    %mul3A_8 = arith.mulf %mul3A, %add3A : vector<1000x48xf32>
    %get3A_9 = arith.constant 0 : index
    %get3A_10 = arith.constant 0 : index
    %get3A_11 = vector.load %arg4[%get3A_9, %get3A_10] : memref<1x48xf32, #tpu.memory_space<vmem>>, vector<1x48xf32>
    %add3A_12 = vector.broadcast %get3A_11 : vector<1x48xf32> to vector<1000x48xf32>
    %add3A_13 = arith.addf %mul3A_8, %add3A_12 : vector<1000x48xf32>
    %iota3A = tpu.iota {dimensions = array<i32: 1>} : vector<1000x48xi32>
    %lt3A = arith.constant 40 : i32
    %lt3A_14 = vector.broadcast %lt3A : i32 to vector<1000x48xi32>
    %lt3A_15 = arith.cmpi slt, %iota3A, %lt3A_14 : vector<1000x48xi32>
    %jit3A = arith.constant -1.000000e+30 : f32
    %broadcast_in_dim3A = vector.broadcast %jit3A : f32 to vector<1000x48xf32>
    %select_n3A = arith.select %lt3A_15, %add3A_13, %broadcast_in_dim3A : vector<1000x48xi1>, vector<1000x48xf32>
    %reduce_max3A = arith.constant dense<0xFF800000> : vector<1000xf32>
    %reduce_max3A_16 = vector.multi_reduction <maximumf>, %select_n3A, %reduce_max3A [1] : vector<1000x48xf32> to vector<1000xf32>
    %broadcast_in_dim3A_17 = vector.shape_cast %reduce_max3A_16 : vector<1000xf32> to vector<1000x1xf32>
    %sub3A = vector.broadcast %broadcast_in_dim3A_17 : vector<1000x1xf32> to vector<1000x48xf32>
    %sub3A_18 = arith.subf %select_n3A, %sub3A : vector<1000x48xf32>
    %exp3A = math.exp %sub3A_18 : vector<1000x48xf32>
    %reduce_sum3A = arith.constant dense<0.000000e+00> : vector<1000xf32>
    %reduce_sum3A_19 = vector.multi_reduction <add>, %exp3A, %reduce_sum3A [1] : vector<1000x48xf32> to vector<1000xf32>
    %broadcast_in_dim3A_20 = vector.shape_cast %reduce_sum3A_19 : vector<1000xf32> to vector<1000x1xf32>
    %sub3A_21 = vector.broadcast %broadcast_in_dim3A_17 : vector<1000x1xf32> to vector<1000x48xf32>
    %sub3A_22 = arith.subf %select_n3A, %sub3A_21 : vector<1000x48xf32>
    %log3A = math.log %broadcast_in_dim3A_20 : vector<1000x1xf32>
    %sub3A_23 = vector.broadcast %log3A : vector<1000x1xf32> to vector<1000x48xf32>
    %sub3A_24 = arith.subf %sub3A_22, %sub3A_23 : vector<1000x48xf32>
    %swap3A = arith.constant 0 : index
    %swap3A_25 = arith.constant 0 : index
    %swap3A_26 = vector.load %arg5[%swap3A, %swap3A_25] : memref<1000x48xf32, #tpu.memory_space<vmem>>, vector<1000x48xf32>
    tpu.vector_store %arg5[%swap3A, %swap3A_25], %sub3A_24 {strides = array<i32>} : memref<1000x48xf32, #tpu.memory_space<vmem>>, vector<1000x48xf32>,
    return
  }
  func.func @transform_0(%arg0: i32) -> (i32, i32) {
    %c0_i32 = arith.constant 0 : i32
    %c0_i32_0 = arith.constant 0 : i32
    return %arg0, %c0_i32 : i32, i32
  }
  func.func @transform_1(%arg0: i32) -> (i32, i32) {
    %c0_i32 = arith.constant 0 : i32
    %c0_i32_0 = arith.constant 0 : i32
    return %arg0, %c0_i32 : i32, i32
  }
  func.func @transform_2(%arg0: i32) -> (i32, i32) {
    %c0_i32 = arith.constant 0 : i32
    %c0_i32_0 = arith.constant 0 : i32
    return %arg0, %c0_i32 : i32, i32
  }
  func.func @transform_3(%arg0: i32) -> (i32, i32) {
    %c0_i32 = arith.constant 0 : i32
    %c0_i32_0 = arith.constant 0 : i32
    %c0_i32_1 = arith.constant 0 : i32
    return %c0_i32, %c0_i32_0 : i32, i32
  }
  func.func @transform_4(%arg0: i32) -> (i32, i32) {
    %c0_i32 = arith.constant 0 : i32
    %c0_i32_0 = arith.constant 0 : i32
    return %arg0, %c0_i32 : i32, i32
  }
}

</mosaic_0001>

<sc_bundles>
// kernel: kernel.12.cloned.1.call-start
scs
__scs_entry_jumppad:
0x0: {  	(pc) =	sbr.rel $0x88, $3  }
0x1: {  	(tag) =	ssettag $0x0;
	lr =	simm.s32 $0x1  }
0x2: {  	[smem:$0x3F95] =	sst lr;
	_ =	strace $0xD0000000  }
0x3: {  	_ = 	snop  }
0x4: {  	_ = 	snop  }
0x5: {  	_ = 	snop  }
0x6: {  	_ = 	snop  }
0x7: {  	_ = 	snop  }
__scs_overlays_trampoline_lowered:
0x8: {  	[smem:$0x3FA4] =	sst s0  }
0x9: {  	[smem:$0x3FA5] =	sst s1  }
0xa: {  	[smem:$0x3FA6] =	sst s2  }
0xb: {  	[smem:$0x3FA7] =	sst s3  }
0xc: {  	[smem:$0x3FA8] =	sst s4  }
0xd: {  	[smem:$0x3FA9] =	sst s5  }
0xe: {  	[smem:$0x3FAA] =	sst s6  }
0xf: {  	[smem:$0x3FAB] =	sst s7  }
0x10: {  	[smem:$0x3FAC] =	sst s8  }
0x11: {  	[smem:$0x3FAD] =	sst s9;
	s0 =	simm.s32 @!p0 $0x0  }
0x12: {  	s1 =	sld [smem:$0x3F93];
	s0 =	simm.s32 @p0 $0x1  }
0x13: {  	[smem:$0x3FAE] =	sst s0;
	s0 =	simm.s32 @!p1 $0x0  }
0x14: {  	s2 =	sld [smem:$0x3F92];
	s0 =	simm.s32 @p1 $0x1  }
0x15: {  	[smem:$0x3FAF] =	sst s0;
	s0 =	simm.s32 @!p2 $0x0  }
0x16: {  	s3 =	sld [smem:$0x3FDB];
	s0 =	simm.s32 @p2 $0x1  }
0x17: {  	s4 =	simm.s32 $0x1BF5;
	[smem:$0x3FB1] =	sst s0  }
0x18: {  	s0 =	sld [smem:$0x3F94];
	_ =	swait.ge [sflag:s4], $0x0  }
0x19: {  	s7 =	sld [smem:$0x3F95]  }
0x1a: {  	s8 =	sadd.s32 $0xFFFFE003, lr  }
0x1b: {  	s9 =	sadd.s32 $0xFFFFFEF7, lr;
	s5 =	simm.s32 $0xFFFFFFFF;
	p2 =	slt.u32 s8, $0xFFFFF086  }
0x1c: {  	p1 =	slt.u32 s9, $0xF7A;
	s5 =	simm.s32 @!p2 $0x0  }
0x1d: {  	s5 =	simm.s32 @p1 $0x1;
	p0 =	seq.s32 s7, s2  }
0x1e: {  	s7 =	smul.u32 @!p0 $0xF7A, s2;
	p2 =	seq.s32 @!p0 s5, $0x0  }
0x1f: {  	s9 =	smul.u32 $0xF7A, s1;
	s8 =	simm.s32 @!p0 $0x1BF5;
	p2 =	por !p2, p0  }
0x20: {  	[sflag:s8] =	ssyncset.s32 @!p0 $0xFFFFF086;
	s6 =	sadd.s32 @!p0 s3, s7;
	s7 =	simm.s32 @!p0 $0x108  }
0x21: {  	s3 =	sadd.s32 s3, s9;
	s6 =	sadd.s32 @!p0 $0x88, s6;
	s7 =	simm.s32 @p2 $0x1082  }
0x22: {  	[simem:s7], [sflag:s8] =	dma.local @!p0 [hbm:s6], $0xF7A  }
0x23: {  	s9 =	sor.u32 $0xD0000000, s2;
	s6 =	simm.s32 $0x108;
	_ =	swait.ge @!p0 [sflag:s8], $0x0  }
0x24: {  	s3 =	sadd.s32 $0x88, s3;
	s6 =	simm.s32 @!p1 $0x1082;
	[sflag:s4] =	ssyncset.s32 $0xFFFFF086  }
0x25: {  	[simem:s6], [sflag:s4] =	dma.local [hbm:s3], $0xF7A  }
0x26: {  	[smem:$0x3F95] =	sst s1;
	(tag) =	ssettag s2;
	_ =	strace s9  }
0x27: {  	s1 =	sld [smem:$0x3FA5]  }
0x28: {  	s2 =	sld [smem:$0x3FA6]  }
0x29: {  	s4 =	sld [smem:$0x3FA8]  }
0x2a: {  	p0 =	seq.s32 s5, $0x0;
	s5 =	sld [smem:$0x3FA9]  }
0x2b: {  	s6 =	sld [smem:$0x3FAA]  }
0x2c: {  	s7 =	sld [smem:$0x3FAB]  }
0x2d: {  	s3 =	simm.s32 $0x108;
	s8 =	sld [smem:$0x3FAC]  }
0x2e: {  	s3 =	simm.s32 @!p0 $0x1082;
	s9 =	sld [smem:$0x3FAD]  }
0x2f: {  	lr =	sadd.s32 s0, s3;
	s0 =	sld [smem:$0x3FA4]  }
0x30: {  	s3 =	sld [smem:$0x3FA7]  }
0x31: {  	[smem:$0x3FB0] =	sst s10  }
0x32: {  	s10 =	sld [smem:$0x3FAE];
	_ =	sdelay $0x3  }
0x33: {  	p0 =	seq.s32 s10, $0x1;
	s10 =	sld [smem:$0x3FB0];
	_ =	sdelay $0x3  }
0x34: {  	[smem:$0x3FB0] =	sst s10  }
0x35: {  	s10 =	sld [smem:$0x3FAF];
	_ =	sdelay $0x3  }
0x36: {  	p1 =	seq.s32 s10, $0x1;
	s10 =	sld [smem:$0x3FB0];
	_ =	sdelay $0x3  }
0x37: {  	[smem:$0x3FB0] =	sst s10  }
0x38: {  	s10 =	sld [smem:$0x3FB1]  }
0x39: {  	_ = 	snop;
	(pc) =	sbr.ind lr, $3  }
0x3a: {  	_ = 	snop  }
0x3b: {  	_ = 	snop  }
0x3c: {  	p2 =	seq.s32 s10, $0x1;
	s10 =	sld [smem:$0x3FB0]  }
0x3d: {  	_ =	shalt  }
0x3e: {  	_ =	shalt  }
0x3f: {  	_ =	shalt  }
0x40: {  	_ =	shalt  }
0x41: {  	_ =	shalt  }
0x42: {  	_ =	shalt  }
0x43: {  	_ =	shalt  }
0x44: {  	_ =	shalt  }
0x45: {  	_ =	shalt  }
0x46: {  	_ =	shalt  }
0x47: {  	_ =	shalt  }
0x48: {  	_ =	shalt  }
0x49: {  	_ =	shalt  }
0x4a: {  	_ =	shalt  }
0x4b: {  	_ =	shalt  }
0x4c: {  	_ =	shalt  }
0x4d: {  	_ =	shalt  }
0x4e: {  	_ =	shalt  }
0x4f: {  	_ =	shalt  }
0x50: {  	_ =	shalt  }
0x51: {  	_ =	shalt  }
0x52: {  	_ =	shalt  }
0x53: {  	_ =	shalt  }
0x54: {  	_ =	shalt  }
0x55: {  	_ =	shalt  }
0x56: {  	_ =	shalt  }
0x57: {  	_ =	shalt  }
0x58: {  	_ =	shalt  }
0x59: {  	_ =	shalt  }
0x5a: {  	_ =	shalt  }
0x5b: {  	_ =	shalt  }
0x5c: {  	_ =	shalt  }
0x5d: {  	_ =	shalt  }
0x5e: {  	_ =	shalt  }
0x5f: {  	_ =	shalt  }
0x60: {  	_ =	shalt  }
0x61: {  	_ =	shalt  }
0x62: {  	_ =	shalt  }
0x63: {  	_ =	shalt  }
0x64: {  	_ =	shalt  }
0x65: {  	_ =	shalt  }
0x66: {  	_ =	shalt  }
0x67: {  	_ =	shalt  }
0x68: {  	_ =	shalt  }
0x69: {  	_ =	shalt  }
0x6a: {  	_ =	shalt  }
0x6b: {  	_ =	shalt  }
0x6c: {  	_ =	shalt  }
0x6d: {  	_ =	shalt  }
0x6e: {  	_ =	shalt  }
0x6f: {  	_ =	shalt  }
0x70: {  	_ =	shalt  }
0x71: {  	_ =	shalt  }
0x72: {  	_ =	shalt  }
0x73: {  	_ =	shalt  }
0x74: {  	_ =	shalt  }
0x75: {  	_ =	shalt  }
0x76: {  	_ =	shalt  }
0x77: {  	_ =	shalt  }
0x78: {  	_ =	shalt  }
0x79: {  	_ =	shalt  }
0x7a: {  	_ =	shalt  }
0x7b: {  	_ =	shalt  }
0x7c: {  	_ =	shalt  }
0x7d: {  	_ =	shalt  }
0x7e: {  	_ =	shalt  }
0x7f: {  	_ =	shalt  }
0x80: {  	_ =	shalt  }
0x81: {  	_ =	shalt  }
0x82: {  	_ =	shalt  }
0x83: {  	_ =	shalt  }
0x84: {  	_ =	shalt  }
0x85: {  	_ =	shalt  }
0x86: {  	_ =	shalt  }
0x87: {  	_ =	shalt  }
.Lfunc_end0:
.L_simem_size_0:
called_computation.1_lowered:
.L_overlay_start_0:
0x88: {  	s2 =	sld [smem:$0x3FD9]  }
0x89: {  	s3 =	sld [smem:$0x3FFE];
	_ =	sdelay $0x1  }
0x8a: {  	s1 =	srdreg.scid  }
0x8b: {  	s0 =	sand.u32 $0x1, s1  }
0x8c: {  	s17 =	sshll.u32 s0, $0xA;
	s2 =	sadd.s32 s3, s2  }
0x8d: {  	s2 =	sadd.s32 s2, s17  }
0x8e: {  	[smem:$0x3FBC] =	sst s2  }
0x8f: {  	_ = 	snop  }
0x90: {  	s2 =	sld [smem:$0x3FC8]  }
0x91: {  	s18 =	sld [smem:$0x3FC7];
	(tm) =	ssettm $0x1  }
0x92: {  	s4 =	sld [smem:$0x3FFB];
	_ =	sdelay $0x3  }
0x93: {  	_ =	strace s4  }
0x94: {  	s4 =	sld [smem:$0x3FFC];
	_ =	sdelay $0x3  }
0x95: {  	_ =	strace s4  }
0x96: {  	s4 =	sld [smem:$0x3FFD];
	_ =	sdelay $0x3  }
0x97: {  	_ =	strace s4  }
0x98: {  	_ =	strace $0x8FFFFFFF  }
0x99: {  	s19 =	sld [smem:$0x3FDB];
	_ =	sdelay $0x1  }
0x9a: {  	s5 =	simm.s32 $_scs_section_size  }
0x9b: {  	s6 =	simm.s32 $_size__tile_overlayer_lowered;
	s7 =	simm.s32 $_tile_overlayer_lowered  }
0x9c: {  	s22 =	simm.s32 $0x1BFF;
	s21 =	sshll.u32 s7, $0x1;
	s4 =	sadd.s32 s5, s19  }
0x9d: {  	s8 =	simm.s32 $0x0;
	s20 =	sshll.u32 s6, $0x1;
	s6 =	sadd.s32 s21, s4  }
0x9e: {  	[timem:s8], [sflag:s22] =	dma.local [hbm:s6], s20  }
0x9f: {  	_ =	swait.ge [sflag:s22], s20  }
0xa0: {  	s5 =	ssub.s32 $0x0, s20;
	[sflag:s22] =	ssyncset.done $0x0  }
0xa1: {  	[sflag:s22] =	ssyncadd.s32 s5;
	_ =	sdelay $0x1  }
0xa2: {  	s23 =	simm.s32 $0x1B8B  }
0xa3: {  	_ =	swait.ge [sflag:s23], $0x1  }
0xa4: {  	[sflag:s23] =	ssyncset.done $0x0  }
0xa5: {  	s25 =	simm.s32 $0x1B8E;
	s24 =	sld [smem:$0x3FFE];
	[sflag:s23] =	ssyncadd.s32 $0xFFFFFFFF  }
0xa6: {  	s26 =	simm.s32 $execute0_lowered;
	[smem:$0x3FD2] =	sst s25  }
0xa7: {  	s6 =	sshll.u32 s26, $0x1;
	_ =	strace $0x80000049;
	[dreg:$0x1] =	wrdreg $0xFFFFFFFF  }
0xa8: {  	s28 =	simm.s32 $_size_execute0_lowered;
	s4 =	sadd.s32 s4, s6;
	[dreg:$0x0] =	wrdreg $0x0  }
0xa9: {  	s6 =	sshll.u32 s28, $0x1;
	[dreg:$0x2] =	wrdreg s4  }
0xaa: {  	[dreg:$0x3] =	wrdreg s6  }
0xab: {  	[dreg:$0x4] =	wrdreg $0xC0  }
0xac: {  	_ =	task [dreg:s8], $0x5FFFF  }
0xad: {  	[dreg:$0x1] =	wrdreg $0xFFFFFFFF  }
0xae: {  	[dreg:$0x0] =	wrdreg $0x60  }
0xaf: {  	[dreg:$0x2] =	wrdreg s24  }
0xb0: {  	[dreg:$0x3] =	wrdreg s2  }
0xb1: {  	[dreg:$0x4] =	wrdreg s18  }
0xb2: {  	[dreg:$0x5] =	wrdreg $0xC6200  }
0xb3: {  	[dreg:$0x6] =	wrdreg $0x9  }
0xb4: {  	_ =	task.clear_ibuf [dreg:s8], $0x7FFFF;
	_ =	strace $0x90000049  }
0xb5: {  	s29 =	simm.s32 $0x9;
	_ =	strace $0x8000004B  }
0xb6: {  	_ =	swait.ge [sflag:s29], $0x1  }
0xb7: {  	[sflag:s29] =	ssyncadd.s32 $0xFFFFFFFF  }
0xb8: {  	_ =	strace $0x9000004B  }
0xb9: {  	_ =	sfence  }
0xba: {  	s30 =	sld [smem:$0x0];
	_ =	sdelay $0x2  }
0xbb: {  	s31 =	sshll.u32 s1, $0xD;
	s1 =	sshrl.u32 s1, $0x2  }
0xbc: {  	s3 =	sand.u32 $0x4000, s31;
	s1 =	sadd.s32 s1, s30  }
0xbd: {  	s0 =	sor.u32 s3, s0;
	s1 =	sshll.u32 s1, $0x11  }
0xbe: {  	s0 =	sor.u32 s1, s0  }
0xbf: {  	s0 =	sadd.s32 $0x8F2B, s0  }
0xc0: {  	[sflag:s0] =	ssyncadd.remote.s32 $0x1  }
0xc1: {  	_ =	sfence.sel $0xFFFF  }
0xc2: {  	[dreg:$0x0] =	wrdreg $0xFFFFFFFF;
	(pc) =	sbr.abs _section_cstart, $3  }
0xc3: {  	[dreg:$0x1] =	wrdreg $0xFFFFFFFF  }
0xc4: {  	_ =	task.clear_ibuf [dreg:s8], $0x2FFFF;
	_ =	strace $0x9FFFFFFF  }
0xc5: {  	(tm) =	ssettm $0x7FFFFFFF  }
tec
execute0_lowered:
.L_overlay_start_1:
0x0: {  	(tag) =	ssettag $0x1  }
0x1: {  	s0 =	rddreg [dreg:$0x0]  }
0x2: {  	s5 =	rddreg [dreg:$0x1]  }
0x3: {  	s6 =	rddreg [dreg:$0x2]  }
0x4: {  	s1 =	rddreg [dreg:$0x3]  }
0x5: {  	s3 =	simm.s32 $0x0;
	s4 =	srdreg.scid;
	s2 =	stileid.u32  }
0x6: {  	s22 =	simm.s32 $0x4;
	s28 =	simm.s32 $0x9E20;
	s29 =	simm.s32 $0x1  }
0x7: {  	s30 =	simm.s32 $0x2;
	s31 =	simm.s32 $0x3;
	[smem:$0x7FF] =	sst s3  }
0x8: {  	s18 =	sand.u32 $0x1, s4;
	s4 =	sadd.s32 $0x3C00, s0;
	s8 =	smul.u32 $0x4E000, s2  }
0x9: {  	s20 =	sadd.s32 $0x2AE00, s0;
	s21 =	sadd.s32 $0x52000, s0;
	s17 =	smul.u32 $0x13800, s2  }
0xa: {  	s15 =	sadd.s32 $0x138000, s1;
	p1 =	sne.s32 s2, $0xF;
	p2 =	seq.s32 s2, $0xF  }
0xb: {  	_ =	strace $0x8000004A;
	s7 =	ssub.s32 $0x2, s18;
	[dreg:$0x5] =	wrdreg s20  }
0xc: {  	s9 =	sshll.u32 s18, $0x4;
	p0 =	seq.s32 s18, $0x1;
	[dreg:$0x6] =	wrdreg s21  }
0xd: {  	s18 =	simm.s32 $0x4D30;
	s24 =	sshrl.u32 s7, $0x1;
	s8 =	sshrl.u32 s8, $0x2  }
0xe: {  	s12 =	sor.u32 s2, s9;
	s25 =	sshrl.u32 s17, $0x3;
	s0 =	ssub.s32 s7, s24  }
0xf: {  	s14 =	sadd.s32 s8, s1;
	s7 =	sadd.s32 s17, s1;
	s19 =	smul.u32 $0x4E2, s12  }
0x10: {  	s26 =	sadd.s32 s20, s25;
	s24 =	simm.s32 $0x50;
	s8 =	sadd.s32 $0x2800, s14  }
0x11: {  	s9 =	sadd.s32 $0x5000, s14;
	s10 =	sadd.s32 $0x7800, s14;
	s11 =	sadd.s32 $0xA000, s14  }
.Ltmp0:
0x12: {  	s12 =	sadd.s32 $0xC800, s14;
	s13 =	sadd.s32 $0xF000, s14;
	(pc) =	sbr.rel .LBB2_1-.Ltmp0, $4  }
0x13: {  	s14 =	sadd.s32 $0x11800, s14;
	[dreg:$0x7] =	wrdreg s26;
	s20 =	smax.u32 s0, $0x1  }
0x14: {  	s26 =	simm.s32 $0x4DD0;
	s16 =	sadd.s32 s5, s19;
	s17 =	sadd.s32 s6, s19  }
0x15: {  	s5 =	sadd.s32 s21, s25;
	s21 =	simm.s32 $0x4E20;
	s25 =	simm.s32 $0x7620  }
0x16: {  	v0 =	vimm.f32 $0.0e+00;
	s6 =	simm.s32 $0x26C0;
	s19 =	simm.s32 $0x4D80;
	[dreg:$0x8] =	wrdreg s5  }
.LBB2_8:
0x17: {  	s5 =	sadd.s32 $0x27000, s5;
	s23 =	sshrl.u32 s15, $0x3  }
0x18: {  	[hbm:s5], [sflag:s0] =	dma.local [spmem:s23], $0x100  }
0x19: {  	_ =	swait.ge [sflag:s22], $0x100  }
0x1a: {  	[sflag:s22] =	ssyncset.done $0x0  }
0x1b: {  	[sflag:s22] =	ssyncadd.s32 $0xFFFFFF00  }
.LBB2_9:
0x1c: {  	s3 =	sadd.s32 $0x1, s3  }
0x1d: {  	p3 =	sne.s32 s3, s20  }
.Ltmp1:
0x1e: {  	_ = 	snop;
	(pc) =	sbr.rel @!p3 .LBB2_10-.Ltmp1, $1  }
0x1f: {  	_ =	sdelay $0x3  }
.LBB2_1:
0x20: {  	s0 =	simm.s32 $0x0;
	s23 =	simm.s32 $0x200  }
.LBB2_2:
0x21: {  	p3 =	sne.s32 s23, $0x9E00;
	[tilespmem:s0+$0x4E90] =	vst v0  }
0x22: {  	[tilespmem:s0+$0x4E20] =	vst v0  }
0x23: {  	[tilespmem:s0+$0x4E30] =	vst v0  }
.Ltmp2:
0x24: {  	[tilespmem:s0+$0x4E40] =	vst v0;
	(pc) =	sbr.rel @p3 .LBB2_2-.Ltmp2, $4  }
0x25: {  	[tilespmem:s0+$0x4E50] =	vst v0  }
0x26: {  	[tilespmem:s0+$0x4E60] =	vst v0  }
0x27: {  	[tilespmem:s0+$0x4E70] =	vst v0  }
0x28: {  	[tilespmem:s0+$0x4E80] =	vst v0;
	s0 =	sshra.s32 s23, $0x2;
	s23 =	sadd.s32 $0x200, s23  }
0x29: {  	[tilespmem:s0+$0x4E90] =	vst v0  }
0x2a: {  	[tilespmem:s0+$0x4E20] =	vst v0  }
0x2b: {  	[tilespmem:s0+$0x4E30] =	vst v0  }
0x2c: {  	[tilespmem:s0+$0x4E40] =	vst v0  }
0x2d: {  	[tilespmem:s0+$0x4E50] =	vst v0  }
0x2e: {  	[tilespmem:s0+$0x4E60] =	vst v0  }
0x2f: {  	[tilespmem:s0+$0x4E70] =	vst v0  }
0x30: {  	[tilespmem:s0+$0x4E80] =	vst v0  }
0x31: {  	[spmem:s7] =	stream.linear.scatter [tilespmem:s21], [sflag:$0x4], $0x2800, $0x38;
	[tilespmem:$0x1FF20] =	vst v63  }
0x32: {  	_ =	swait.ge [sflag:s22], $0x2800  }
0x33: {  	[sflag:s22] =	ssyncset.done $0x0  }
0x34: {  	[sflag:s22] =	ssyncadd.s32 $0xFFFFD800  }
0x35: {  	[spmem:s8] =	stream.linear.scatter [tilespmem:s21], [sflag:$0x4], $0x2800, $0x38;
	[tilespmem:$0x1FF20] =	vst v63  }
0x36: {  	_ =	swait.ge [sflag:s22], $0x2800  }
0x37: {  	[sflag:s22] =	ssyncset.done $0x0  }
0x38: {  	[sflag:s22] =	ssyncadd.s32 $0xFFFFD800  }
0x39: {  	[spmem:s9] =	stream.linear.scatter [tilespmem:s21], [sflag:$0x4], $0x2800, $0x38;
	[tilespmem:$0x1FF20] =	vst v63  }
0x3a: {  	_ =	swait.ge [sflag:s22], $0x2800  }
0x3b: {  	[sflag:s22] =	ssyncset.done $0x0  }
0x3c: {  	[sflag:s22] =	ssyncadd.s32 $0xFFFFD800  }
0x3d: {  	[spmem:s10] =	stream.linear.scatter [tilespmem:s21], [sflag:$0x4], $0x2800, $0x38;
	[tilespmem:$0x1FF20] =	vst v63  }
0x3e: {  	_ =	swait.ge [sflag:s22], $0x2800  }
0x3f: {  	[sflag:s22] =	ssyncset.done $0x0  }
0x40: {  	[sflag:s22] =	ssyncadd.s32 $0xFFFFD800  }
0x41: {  	[spmem:s11] =	stream.linear.scatter [tilespmem:s21], [sflag:$0x4], $0x2800, $0x38;
	[tilespmem:$0x1FF20] =	vst v63  }
0x42: {  	_ =	swait.ge [sflag:s22], $0x2800  }
0x43: {  	[sflag:s22] =	ssyncset.done $0x0  }
0x44: {  	[sflag:s22] =	ssyncadd.s32 $0xFFFFD800  }
0x45: {  	[spmem:s12] =	stream.linear.scatter [tilespmem:s21], [sflag:$0x4], $0x2800, $0x38;
	[tilespmem:$0x1FF20] =	vst v63  }
0x46: {  	_ =	swait.ge [sflag:s22], $0x2800  }
0x47: {  	[sflag:s22] =	ssyncset.done $0x0  }
0x48: {  	[sflag:s22] =	ssyncadd.s32 $0xFFFFD800  }
0x49: {  	[spmem:s13] =	stream.linear.scatter [tilespmem:s21], [sflag:$0x4], $0x2800, $0x38;
	[tilespmem:$0x1FF20] =	vst v63  }
0x4a: {  	_ =	swait.ge [sflag:s22], $0x2800  }
0x4b: {  	[sflag:s22] =	ssyncset.done $0x0  }
0x4c: {  	[sflag:s22] =	ssyncadd.s32 $0xFFFFD800  }
0x4d: {  	[spmem:s14] =	stream.linear.scatter [tilespmem:s21], [sflag:$0x4], $0x2000, $0x38;
	[tilespmem:$0x1FF20] =	vst v63  }
0x4e: {  	_ =	swait.ge [sflag:s22], $0x2000  }
0x4f: {  	[sflag:s22] =	ssyncset.done $0x0  }
0x50: {  	s0 =	simm.s32 @!p1 $0x4E20;
	[sflag:s22] =	ssyncadd.s32 $0xFFFFE000  }
0x51: {  	[spmem:s15] =	stream.linear.scatter @!p1 [tilespmem:s0], [sflag:$0x4], $0x800, $0x38;
	[tilespmem:$0x1FF20] =	vst v63  }
0x52: {  	s0 =	simm.s32 @!p1 $0x4  }
0x53: {  	_ =	swait.ge @!p1 [sflag:s0], $0x800  }
0x54: {  	[sflag:s0] =	ssyncset.done @!p1 $0x0  }
0x55: {  	s23 =	simm.s32 $0x0;
	[sflag:s0] =	ssyncadd.s32 @!p1 $0xFFFFF800  }
0x56: {  	[tilespmem:s23], [sflag:$0x4] =	stream.linear.gather [hbm4b:s16+s23], $0x2710, $0x38;
	[tilespmem:$0x1FF20] =	vst v63  }
0x57: {  	_ =	swait.ge [sflag:s22], $0x2710  }
0x58: {  	[sflag:s22] =	ssyncset.done $0x0  }
0x59: {  	s5 =	simm.s32 $0x2710;
	[sflag:s22] =	ssyncadd.s32 $0xFFFFD8F0  }
0x5a: {  	[tilespmem:s5], [sflag:$0x4] =	stream.linear.gather [hbm4b:s17+s23], $0x2710, $0x38;
	[tilespmem:$0x1FF20] =	vst v63  }
0x5b: {  	_ =	swait.ge [sflag:s22], $0x2710  }
0x5c: {  	[sflag:s22] =	ssyncset.done $0x0  }
0x5d: {  	[sflag:s22] =	ssyncadd.s32 $0xFFFFD8F0  }
0x5e: {  	[bflag:$0x0] =	sbarrier.arrive $0xFFFF  }
0x5f: {  	[tilespmem:s21], [sflag:$0x1] =	stream.indirect.gather [hbm4b:s4+s24], $0x80, s23, s24, $0xb8;
	[tilespmem:$0x1FF20] =	vst v63  }
0x60: {  	_ = 	snop  }
0x61: {  	[tilespmem:s25], [sflag:$0x2] =	stream.indirect.gather [hbm4b:s4+s24], $0x80, s24, s24, $0xb8;
	[tilespmem:$0x1FF20] =	vst v63  }
0x62: {  	s5 =	simm.s32 $0xA0  }
0x63: {  	[tilespmem:s28], [sflag:$0x3] =	stream.indirect.gather [hbm4b:s4+s24], $0x80, s5, s24, $0xb8;
	[tilespmem:$0x1FF20] =	vst v63  }
0x64: {  	_ =	swait.ge [sflag:s29], $0x2800  }
0x65: {  	[sflag:s29] =	ssyncset.done $0x0  }
0x66: {  	s23 =	simm.s32 $0x2710;
	[sflag:s29] =	ssyncadd.s32 $0xFFFFD800  }
0x67: {  	[spmem:s1] =	stream.indirect.scatter.add.f32 [tilespmem:s21], [sflag:$0x4], $0x80, s23, s24, $0xb8;
	[tilespmem:$0x1FF20] =	vst v63  }
0x68: {  	_ =	swait.ge [sflag:s22], $0x2800  }
0x69: {  	[sflag:s22] =	ssyncset.done $0x0  }
0x6a: {  	s5 =	simm.s32 $0xF0;
	[sflag:s22] =	ssyncadd.s32 $0xFFFFD800  }
0x6b: {  	[tilespmem:s21], [sflag:$0x1] =	stream.indirect.gather [hbm4b:s4+s24], $0x80, s5, s24, $0xb8;
	[tilespmem:$0x1FF20] =	vst v63  }
0x6c: {  	_ =	swait.ge [sflag:s30], $0x2800  }
0x6d: {  	[sflag:s30] =	ssyncset.done $0x0  }
0x6e: {  	s23 =	simm.s32 $0x2760;
	[sflag:s30] =	ssyncadd.s32 $0xFFFFD800  }
0x6f: {  	[spmem:s1] =	stream.indirect.scatter.add.f32 [tilespmem:s25], [sflag:$0x4], $0x80, s23, s24, $0xb8;
	[tilespmem:$0x1FF20] =	vst v63  }
0x70: {  	_ =	swait.ge [sflag:s22], $0x2800  }
0x71: {  	[sflag:s22] =	ssyncset.done $0x0  }
0x72: {  	s5 =	simm.s32 $0x140;
	[sflag:s22] =	ssyncadd.s32 $0xFFFFD800  }
0x73: {  	[tilespmem:s25], [sflag:$0x2] =	stream.indirect.gather [hbm4b:s4+s24], $0x80, s5, s24, $0xb8;
	[tilespmem:$0x1FF20] =	vst v63  }
0x74: {  	_ =	swait.ge [sflag:s31], $0x2800  }
0x75: {  	[sflag:s31] =	ssyncset.done $0x0  }
0x76: {  	s23 =	simm.s32 $0x27B0;
	[sflag:s31] =	ssyncadd.s32 $0xFFFFD800  }
0x77: {  	[spmem:s1] =	stream.indirect.scatter.add.f32 [tilespmem:s28], [sflag:$0x4], $0x80, s23, s24, $0xb8;
	[tilespmem:$0x1FF20] =	vst v63  }
0x78: {  	_ =	swait.ge [sflag:s22], $0x2800  }
0x79: {  	[sflag:s22] =	ssyncset.done $0x0  }
0x7a: {  	s0 =	simm.s32 $0x3C0;
	s5 =	simm.s32 $0x190;
	[sflag:s22] =	ssyncadd.s32 $0xFFFFD800  }
.LBB2_4:
0x7b: {  	[tilespmem:s28], [sflag:$0x3] =	stream.indirect.gather [hbm4b:s4+s24], $0x80, s5, s24, $0xb8;
	[tilespmem:$0x1FF20] =	vst v63  }
0x7c: {  	s5 =	smov.u32 s0  }
0x7d: {  	p3 =	sne.s32 s0, $0x9240;
	s0 =	sadd.s32 $0x3C0, s0;
	_ =	swait.ge [sflag:s29], $0x2800  }
0x7e: {  	s5 =	sshra.s32 s5, $0x2;
	[sflag:s29] =	ssyncset.done $0x0  }
0x7f: {  	s23 =	sadd.s32 $0x2710, s5;
	[sflag:s29] =	ssyncadd.s32 $0xFFFFD800  }
0x80: {  	[spmem:s1] =	stream.indirect.scatter.add.f32 [tilespmem:s21], [sflag:$0x4], $0x80, s23, s24, $0xb8;
	[tilespmem:$0x1FF20] =	vst v63  }
0x81: {  	_ =	swait.ge [sflag:s22], $0x2800  }
0x82: {  	[sflag:s22] =	ssyncset.done $0x0  }
0x83: {  	s23 =	sadd.s32 $0xF0, s5;
	[sflag:s22] =	ssyncadd.s32 $0xFFFFD800  }
0x84: {  	[tilespmem:s21], [sflag:$0x1] =	stream.indirect.gather [hbm4b:s4+s24], $0x80, s23, s24, $0xb8;
	[tilespmem:$0x1FF20] =	vst v63  }
0x85: {  	_ =	swait.ge [sflag:s30], $0x2800  }
0x86: {  	[sflag:s30] =	ssyncset.done $0x0  }
0x87: {  	s23 =	sadd.s32 $0x2760, s5;
	[sflag:s30] =	ssyncadd.s32 $0xFFFFD800  }
0x88: {  	[spmem:s1] =	stream.indirect.scatter.add.f32 [tilespmem:s25], [sflag:$0x4], $0x80, s23, s24, $0xb8;
	[tilespmem:$0x1FF20] =	vst v63  }
0x89: {  	_ =	swait.ge [sflag:s22], $0x2800  }
0x8a: {  	[sflag:s22] =	ssyncset.done $0x0  }
0x8b: {  	s23 =	sadd.s32 $0x140, s5;
	[sflag:s22] =	ssyncadd.s32 $0xFFFFD800  }
0x8c: {  	[tilespmem:s25], [sflag:$0x2] =	stream.indirect.gather [hbm4b:s4+s24], $0x80, s23, s24, $0xb8;
	[tilespmem:$0x1FF20] =	vst v63  }
0x8d: {  	_ =	swait.ge [sflag:s31], $0x2800  }
0x8e: {  	[sflag:s31] =	ssyncset.done $0x0  }
.Ltmp3:
0x8f: {  	s23 =	sadd.s32 $0x27B0, s5;
	[sflag:s31] =	ssyncadd.s32 $0xFFFFD800;
	(pc) =	sbr.rel @p3 .LBB2_4-.Ltmp3, $4  }
0x90: {  	[spmem:s1] =	stream.indirect.scatter.add.f32 [tilespmem:s28], [sflag:$0x4], $0x80, s23, s24, $0xb8;
	[tilespmem:$0x1FF20] =	vst v63  }
0x91: {  	_ =	swait.ge [sflag:s22], $0x2800  }
0x92: {  	[sflag:s22] =	ssyncset.done $0x0  }
0x93: {  	s5 =	sadd.s32 $0x190, s5;
	[sflag:s22] =	ssyncadd.s32 $0xFFFFD800  }
0x94: {  	[tilespmem:s28], [sflag:$0x3] =	stream.indirect.gather [hbm4b:s4+s24], $0x80, s5, s24, $0xb8;
	[tilespmem:$0x1FF20] =	vst v63  }
0x95: {  	_ =	swait.ge [sflag:s29], $0x2800  }
0x96: {  	[sflag:s29] =	ssyncset.done $0x0  }
0x97: {  	s0 =	simm.s32 $0x4C90;
	[sflag:s29] =	ssyncadd.s32 $0xFFFFD800  }
0x98: {  	[spmem:s1] =	stream.indirect.scatter.add.f32 [tilespmem:s21], [sflag:$0x4], $0x80, s0, s24, $0xb8;
	[tilespmem:$0x1FF20] =	vst v63  }
0x99: {  	_ =	swait.ge [sflag:s22], $0x2800  }
0x9a: {  	[sflag:s22] =	ssyncset.done $0x0  }
0x9b: {  	s5 =	simm.s32 $0x2670;
	[sflag:s22] =	ssyncadd.s32 $0xFFFFD800  }
0x9c: {  	[tilespmem:s21], [sflag:$0x1] =	stream.indirect.gather [hbm4b:s4+s24], $0x80, s5, s24, $0xb8;
	[tilespmem:$0x1FF20] =	vst v63  }
0x9d: {  	_ =	swait.ge [sflag:s30], $0x2800  }
0x9e: {  	[sflag:s30] =	ssyncset.done $0x0  }
0x9f: {  	s23 =	simm.s32 $0x4CE0;
	[sflag:s30] =	ssyncadd.s32 $0xFFFFD800  }
0xa0: {  	[spmem:s1] =	stream.indirect.scatter.add.f32 [tilespmem:s25], [sflag:$0x4], $0x80, s23, s24, $0xb8;
	[tilespmem:$0x1FF20] =	vst v63  }
0xa1: {  	_ =	swait.ge [sflag:s22], $0x2800  }
0xa2: {  	[sflag:s22] =	ssyncset.done $0x0  }
0xa3: {  	[sflag:s22] =	ssyncadd.s32 $0xFFFFD800  }
0xa4: {  	[tilespmem:s25], [sflag:$0x2] =	stream.indirect.gather [hbm4b:s4+s24], $0x80, s6, s24, $0xb8;
	[tilespmem:$0x1FF20] =	vst v63  }
0xa5: {  	_ =	swait.ge [sflag:s31], $0x2800  }
0xa6: {  	[sflag:s31] =	ssyncset.done $0x0  }
0xa7: {  	[sflag:s31] =	ssyncadd.s32 $0xFFFFD800  }
0xa8: {  	[spmem:s1] =	stream.indirect.scatter.add.f32 [tilespmem:s28], [sflag:$0x4], $0x80, s18, s24, $0xb8;
	[tilespmem:$0x1FF20] =	vst v63  }
0xa9: {  	_ =	swait.ge [sflag:s22], $0x2800  }
0xaa: {  	[sflag:s22] =	ssyncset.done $0x0  }
0xab: {  	[sflag:s22] =	ssyncadd.s32 $0xFFFFD800  }
0xac: {  	_ =	swait.ge [sflag:s29], $0x2800  }
0xad: {  	[sflag:s29] =	ssyncset.done $0x0  }
0xae: {  	[sflag:s29] =	ssyncadd.s32 $0xFFFFD800  }
0xaf: {  	[spmem:s1] =	stream.indirect.scatter.add.f32 [tilespmem:s21], [sflag:$0x4], $0x80, s19, s24, $0xb8;
	[tilespmem:$0x1FF20] =	vst v63  }
0xb0: {  	_ =	swait.ge [sflag:s22], $0x2800  }
0xb1: {  	[sflag:s22] =	ssyncset.done $0x0  }
0xb2: {  	[sflag:s22] =	ssyncadd.s32 $0xFFFFD800  }
0xb3: {  	_ =	swait.ge [sflag:s30], $0x2800  }
0xb4: {  	[sflag:s30] =	ssyncset.done $0x0  }
0xb5: {  	[sflag:s30] =	ssyncadd.s32 $0xFFFFD800  }
0xb6: {  	[spmem:s1] =	stream.indirect.scatter.add.f32 [tilespmem:s25], [sflag:$0x4], $0x80, s26, s24, $0xb8;
	[tilespmem:$0x1FF20] =	vst v63  }
.Ltmp4:
0xb7: {  	_ =	swait.ge [sflag:s22], $0x2800;
	(pc) =	sbr.rel @!p0 .LBB2_6-.Ltmp4, $4  }
0xb8: {  	[sflag:s22] =	ssyncset.done $0x0  }
0xb9: {  	[sflag:s22] =	ssyncadd.s32 $0xFFFFD800  }
0xba: {  	s5 =	sshll.u32 s2, $0x6;
	[bflag:$0x0] =	sbarrier.arrive $0xFFFF  }
0xbb: {  	s0 =	sor.u32 $0x1C04, s5;
	s23 =	sshrl.u32 s7, $0x3  }
0xbc: {  	s0 =	sor.u32 $0x1C04, s5;
	s5 =	rddreg [dreg:$0x8]  }
0xbd: {  	[hbm:s5], [sflag:s0] =	dma.local [spmem:s23], $0x2700  }
.Ltmp5:
0xbe: {  	_ = 	snop;
	(pc) =	sbr.rel @p1 .LBB2_9-.Ltmp5, $4  }
.Ltmp6:
0xbf: {  	_ = 	snop;
	(pc) =	sbr.rel @!p1 .LBB2_8-.Ltmp6, $4  }
0xc0: {  	_ =	swait.ge [sflag:s22], $0x2700  }
0xc1: {  	[sflag:s22] =	ssyncset.done $0x0  }
0xc2: {  	s5 =	rddreg [dreg:$0x6];
	[sflag:s22] =	ssyncadd.s32 $0xFFFFD900  }
0xc3: {  	_ = 	snop  }
.LBB2_6:
0xc4: {  	s5 =	rddreg [dreg:$0x7]  }
0xc5: {  	[hbm:s5], [sflag:s0] =	dma.local [spmem:s23], $0x2700  }
.Ltmp7:
0xc6: {  	_ = 	snop;
	(pc) =	sbr.rel @p2 .LBB2_8-.Ltmp7, $4  }
.Ltmp8:
0xc7: {  	_ = 	snop;
	(pc) =	sbr.rel @!p2 .LBB2_9-.Ltmp8, $4  }
0xc8: {  	_ =	swait.ge [sflag:s22], $0x2700  }
0xc9: {  	[sflag:s22] =	ssyncset.done $0x0  }
0xca: {  	s5 =	rddreg [dreg:$0x5];
	[sflag:s22] =	ssyncadd.s32 $0xFFFFD900  }
0xcb: {  	_ = 	snop  }
.LBB2_10:
0xcc: {  	_ =	sfence.sel $0x180000  }
0xcd: {  	[bflag:$0x0] =	sbarrier.arrive $0xFFFF  }
0xce: {  	_ =	strace $0x9000004A  }
0xcf: {  	[bflag:$0x2] =	sbarrier.arrive $0xFFFF  }
0xd0: {  	p0 =	sne.s32 s2, $0x0;
	s0 =	rddreg [dreg:$0x4]  }
0xd1: {  	s0 =	sadd.s32 @!p0 $0x100000, s0  }
0xd2: {  	[sflag:s0] =	ssyncadd.tile.s32 @!p0 $0x1;
	_ =	shalt  }
.Lfunc_end2:
_tile_overlayer_lowered:
.L_overlay_start_2:
0xd3: {  	(tag) =	ssettag $0x2  }
0xd4: {  	s0 =	rddreg [dreg:$0x0];
	s2 =	stileid.u32  }
0xd5: {  	s1 =	rddreg [dreg:$0x1];
	p0 =	sne.s32 s2, $0x0  }
0xd6: {  	s3 =	rddreg [dreg:$0x2];
	[bflag:$0x3] =	sbarrier.arrive $0xFFFF;
	s2 =	simm.s32 @!p0 $0x1C04  }
0xd7: {  	[timem:s3], [sflag:s2] =	dma.local @!p0 [hbm:s0], s1  }
0xd8: {  	s0 =	simm.s32 @!p0 $0x4  }
0xd9: {  	_ =	swait.ge @!p0 [sflag:s0], s1  }
0xda: {  	s1 =	ssub.s32 @!p0 $0x0, s1;
	[sflag:s0] =	ssyncset.done @!p0 $0x0  }
0xdb: {  	[sflag:s0] =	ssyncadd.s32 @!p0 s1  }
0xdc: {  	[bflag:$0x3] =	sbarrier.arrive $0xFFFF  }
0xdd: {  	_ =	shalt  }

// kernel: kernel.15.cloned.1.call-start
scs
__scs_entry_jumppad:
0x0: {  	(pc) =	sbr.rel $0x88, $3  }
0x1: {  	(tag) =	ssettag $0x0;
	lr =	simm.s32 $0x1  }
0x2: {  	[smem:$0x3F95] =	sst lr;
	_ =	strace $0xD0000000  }
0x3: {  	_ = 	snop  }
0x4: {  	_ = 	snop  }
0x5: {  	_ = 	snop  }
0x6: {  	_ = 	snop  }
0x7: {  	_ = 	snop  }
__scs_overlays_trampoline_lowered:
0x8: {  	[smem:$0x3FA4] =	sst s0  }
0x9: {  	[smem:$0x3FA5] =	sst s1  }
0xa: {  	[smem:$0x3FA6] =	sst s2  }
0xb: {  	[smem:$0x3FA7] =	sst s3  }
0xc: {  	[smem:$0x3FA8] =	sst s4  }
0xd: {  	[smem:$0x3FA9] =	sst s5  }
0xe: {  	[smem:$0x3FAA] =	sst s6  }
0xf: {  	[smem:$0x3FAB] =	sst s7  }
0x10: {  	[smem:$0x3FAC] =	sst s8  }
0x11: {  	[smem:$0x3FAD] =	sst s9;
	s0 =	simm.s32 @!p0 $0x0  }
0x12: {  	s1 =	sld [smem:$0x3F93];
	s0 =	simm.s32 @p0 $0x1  }
0x13: {  	[smem:$0x3FAE] =	sst s0;
	s0 =	simm.s32 @!p1 $0x0  }
0x14: {  	s2 =	sld [smem:$0x3F92];
	s0 =	simm.s32 @p1 $0x1  }
0x15: {  	[smem:$0x3FAF] =	sst s0;
	s0 =	simm.s32 @!p2 $0x0  }
0x16: {  	s3 =	sld [smem:$0x3FDB];
	s0 =	simm.s32 @p2 $0x1  }
0x17: {  	s4 =	simm.s32 $0x1BF5;
	[smem:$0x3FB1] =	sst s0  }
0x18: {  	s0 =	sld [smem:$0x3F94];
	_ =	swait.ge [sflag:s4], $0x0  }
0x19: {  	s7 =	sld [smem:$0x3F95]  }
0x1a: {  	s8 =	sadd.s32 $0xFFFFE003, lr  }
0x1b: {  	s9 =	sadd.s32 $0xFFFFFEF7, lr;
	s5 =	simm.s32 $0xFFFFFFFF;
	p2 =	slt.u32 s8, $0xFFFFF086  }
0x1c: {  	p1 =	slt.u32 s9, $0xF7A;
	s5 =	simm.s32 @!p2 $0x0  }
0x1d: {  	s5 =	simm.s32 @p1 $0x1;
	p0 =	seq.s32 s7, s2  }
0x1e: {  	s7 =	smul.u32 @!p0 $0xF7A, s2;
	p2 =	seq.s32 @!p0 s5, $0x0  }
0x1f: {  	s9 =	smul.u32 $0xF7A, s1;
	s8 =	simm.s32 @!p0 $0x1BF5;
	p2 =	por !p2, p0  }
0x20: {  	[sflag:s8] =	ssyncset.s32 @!p0 $0xFFFFF086;
	s6 =	sadd.s32 @!p0 s3, s7;
	s7 =	simm.s32 @!p0 $0x108  }
0x21: {  	s3 =	sadd.s32 s3, s9;
	s6 =	sadd.s32 @!p0 $0x88, s6;
	s7 =	simm.s32 @p2 $0x1082  }
0x22: {  	[simem:s7], [sflag:s8] =	dma.local @!p0 [hbm:s6], $0xF7A  }
0x23: {  	s9 =	sor.u32 $0xD0000000, s2;
	s6 =	simm.s32 $0x108;
	_ =	swait.ge @!p0 [sflag:s8], $0x0  }
0x24: {  	s3 =	sadd.s32 $0x88, s3;
	s6 =	simm.s32 @!p1 $0x1082;
	[sflag:s4] =	ssyncset.s32 $0xFFFFF086  }
0x25: {  	[simem:s6], [sflag:s4] =	dma.local [hbm:s3], $0xF7A  }
0x26: {  	[smem:$0x3F95] =	sst s1;
	(tag) =	ssettag s2;
	_ =	strace s9  }
0x27: {  	s1 =	sld [smem:$0x3FA5]  }
0x28: {  	s2 =	sld [smem:$0x3FA6]  }
0x29: {  	s4 =	sld [smem:$0x3FA8]  }
0x2a: {  	p0 =	seq.s32 s5, $0x0;
	s5 =	sld [smem:$0x3FA9]  }
0x2b: {  	s6 =	sld [smem:$0x3FAA]  }
0x2c: {  	s7 =	sld [smem:$0x3FAB]  }
0x2d: {  	s3 =	simm.s32 $0x108;
	s8 =	sld [smem:$0x3FAC]  }
0x2e: {  	s3 =	simm.s32 @!p0 $0x1082;
	s9 =	sld [smem:$0x3FAD]  }
0x2f: {  	lr =	sadd.s32 s0, s3;
	s0 =	sld [smem:$0x3FA4]  }
0x30: {  	s3 =	sld [smem:$0x3FA7]  }
0x31: {  	[smem:$0x3FB0] =	sst s10  }
0x32: {  	s10 =	sld [smem:$0x3FAE];
	_ =	sdelay $0x3  }
0x33: {  	p0 =	seq.s32 s10, $0x1;
	s10 =	sld [smem:$0x3FB0];
	_ =	sdelay $0x3  }
0x34: {  	[smem:$0x3FB0] =	sst s10  }
0x35: {  	s10 =	sld [smem:$0x3FAF];
	_ =	sdelay $0x3  }
0x36: {  	p1 =	seq.s32 s10, $0x1;
	s10 =	sld [smem:$0x3FB0];
	_ =	sdelay $0x3  }
0x37: {  	[smem:$0x3FB0] =	sst s10  }
0x38: {  	s10 =	sld [smem:$0x3FB1]  }
0x39: {  	_ = 	snop;
	(pc) =	sbr.ind lr, $3  }
0x3a: {  	_ = 	snop  }
0x3b: {  	_ = 	snop  }
0x3c: {  	p2 =	seq.s32 s10, $0x1;
	s10 =	sld [smem:$0x3FB0]  }
0x3d: {  	_ =	shalt  }
0x3e: {  	_ =	shalt  }
0x3f: {  	_ =	shalt  }
0x40: {  	_ =	shalt  }
0x41: {  	_ =	shalt  }
0x42: {  	_ =	shalt  }
0x43: {  	_ =	shalt  }
0x44: {  	_ =	shalt  }
0x45: {  	_ =	shalt  }
0x46: {  	_ =	shalt  }
0x47: {  	_ =	shalt  }
0x48: {  	_ =	shalt  }
0x49: {  	_ =	shalt  }
0x4a: {  	_ =	shalt  }
0x4b: {  	_ =	shalt  }
0x4c: {  	_ =	shalt  }
0x4d: {  	_ =	shalt  }
0x4e: {  	_ =	shalt  }
0x4f: {  	_ =	shalt  }
0x50: {  	_ =	shalt  }
0x51: {  	_ =	shalt  }
0x52: {  	_ =	shalt  }
0x53: {  	_ =	shalt  }
0x54: {  	_ =	shalt  }
0x55: {  	_ =	shalt  }
0x56: {  	_ =	shalt  }
0x57: {  	_ =	shalt  }
0x58: {  	_ =	shalt  }
0x59: {  	_ =	shalt  }
0x5a: {  	_ =	shalt  }
0x5b: {  	_ =	shalt  }
0x5c: {  	_ =	shalt  }
0x5d: {  	_ =	shalt  }
0x5e: {  	_ =	shalt  }
0x5f: {  	_ =	shalt  }
0x60: {  	_ =	shalt  }
0x61: {  	_ =	shalt  }
0x62: {  	_ =	shalt  }
0x63: {  	_ =	shalt  }
0x64: {  	_ =	shalt  }
0x65: {  	_ =	shalt  }
0x66: {  	_ =	shalt  }
0x67: {  	_ =	shalt  }
0x68: {  	_ =	shalt  }
0x69: {  	_ =	shalt  }
0x6a: {  	_ =	shalt  }
0x6b: {  	_ =	shalt  }
0x6c: {  	_ =	shalt  }
0x6d: {  	_ =	shalt  }
0x6e: {  	_ =	shalt  }
0x6f: {  	_ =	shalt  }
0x70: {  	_ =	shalt  }
0x71: {  	_ =	shalt  }
0x72: {  	_ =	shalt  }
0x73: {  	_ =	shalt  }
0x74: {  	_ =	shalt  }
0x75: {  	_ =	shalt  }
0x76: {  	_ =	shalt  }
0x77: {  	_ =	shalt  }
0x78: {  	_ =	shalt  }
0x79: {  	_ =	shalt  }
0x7a: {  	_ =	shalt  }
0x7b: {  	_ =	shalt  }
0x7c: {  	_ =	shalt  }
0x7d: {  	_ =	shalt  }
0x7e: {  	_ =	shalt  }
0x7f: {  	_ =	shalt  }
0x80: {  	_ =	shalt  }
0x81: {  	_ =	shalt  }
0x82: {  	_ =	shalt  }
0x83: {  	_ =	shalt  }
0x84: {  	_ =	shalt  }
0x85: {  	_ =	shalt  }
0x86: {  	_ =	shalt  }
0x87: {  	_ =	shalt  }
.Lfunc_end0:
.L_simem_size_0:
called_computation.2_lowered:
.L_overlay_start_0:
0x88: {  	s2 =	sld [smem:$0x3FD9]  }
0x89: {  	s3 =	sld [smem:$0x3FFE];
	_ =	sdelay $0x1  }
0x8a: {  	s1 =	srdreg.scid  }
0x8b: {  	s0 =	sand.u32 $0x1, s1  }
0x8c: {  	s17 =	sshll.u32 s0, $0xA;
	s2 =	sadd.s32 s3, s2  }
0x8d: {  	s2 =	sadd.s32 s2, s17  }
0x8e: {  	[smem:$0x3FBC] =	sst s2  }
0x8f: {  	_ = 	snop  }
0x90: {  	s2 =	sld [smem:$0x3FC8]  }
0x91: {  	s18 =	sld [smem:$0x3FC7];
	(tm) =	ssettm $0x1  }
0x92: {  	s4 =	sld [smem:$0x3FFB];
	_ =	sdelay $0x3  }
0x93: {  	_ =	strace s4  }
0x94: {  	s4 =	sld [smem:$0x3FFC];
	_ =	sdelay $0x3  }
0x95: {  	_ =	strace s4  }
0x96: {  	s4 =	sld [smem:$0x3FFD];
	_ =	sdelay $0x3  }
0x97: {  	_ =	strace s4  }
0x98: {  	_ =	strace $0x8FFFFFFF  }
0x99: {  	s19 =	sld [smem:$0x3FDB];
	_ =	sdelay $0x1  }
0x9a: {  	s5 =	simm.s32 $_scs_section_size  }
0x9b: {  	s6 =	simm.s32 $_size__tile_overlayer_lowered;
	s7 =	simm.s32 $_tile_overlayer_lowered  }
0x9c: {  	s22 =	simm.s32 $0x1BFF;
	s21 =	sshll.u32 s7, $0x1;
	s4 =	sadd.s32 s5, s19  }
0x9d: {  	s8 =	simm.s32 $0x0;
	s20 =	sshll.u32 s6, $0x1;
	s6 =	sadd.s32 s21, s4  }
0x9e: {  	[timem:s8], [sflag:s22] =	dma.local [hbm:s6], s20  }
0x9f: {  	_ =	swait.ge [sflag:s22], s20  }
0xa0: {  	s5 =	ssub.s32 $0x0, s20;
	[sflag:s22] =	ssyncset.done $0x0  }
0xa1: {  	[sflag:s22] =	ssyncadd.s32 s5;
	_ =	sdelay $0x1  }
0xa2: {  	s23 =	simm.s32 $0x1B8B  }
0xa3: {  	_ =	swait.ge [sflag:s23], $0x1  }
0xa4: {  	[sflag:s23] =	ssyncset.done $0x0  }
0xa5: {  	s25 =	simm.s32 $0x1B8E;
	s24 =	sld [smem:$0x3FFE];
	[sflag:s23] =	ssyncadd.s32 $0xFFFFFFFF  }
0xa6: {  	s26 =	simm.s32 $execute0_lowered;
	[smem:$0x3FD2] =	sst s25  }
0xa7: {  	s6 =	sshll.u32 s26, $0x1;
	_ =	strace $0x8000004C;
	[dreg:$0x1] =	wrdreg $0xFFFFFFFF  }
0xa8: {  	s28 =	simm.s32 $_size_execute0_lowered;
	s4 =	sadd.s32 s4, s6;
	[dreg:$0x0] =	wrdreg $0x0  }
0xa9: {  	s6 =	sshll.u32 s28, $0x1;
	[dreg:$0x2] =	wrdreg s4  }
0xaa: {  	[dreg:$0x3] =	wrdreg s6  }
0xab: {  	[dreg:$0x4] =	wrdreg $0xC0  }
0xac: {  	_ =	task [dreg:s8], $0x5FFFF  }
0xad: {  	[dreg:$0x1] =	wrdreg $0xFFFFFFFF  }
0xae: {  	[dreg:$0x0] =	wrdreg $0x60  }
0xaf: {  	[dreg:$0x2] =	wrdreg s24  }
0xb0: {  	[dreg:$0x3] =	wrdreg s2  }
0xb1: {  	[dreg:$0x4] =	wrdreg s18  }
0xb2: {  	[dreg:$0x5] =	wrdreg $0x7B200  }
0xb3: {  	[dreg:$0x6] =	wrdreg $0x9  }
0xb4: {  	_ =	task.clear_ibuf [dreg:s8], $0x7FFFF;
	_ =	strace $0x9000004C  }
0xb5: {  	s29 =	simm.s32 $0x9;
	_ =	strace $0x8000004E  }
0xb6: {  	_ =	swait.ge [sflag:s29], $0x1  }
0xb7: {  	[sflag:s29] =	ssyncadd.s32 $0xFFFFFFFF  }
0xb8: {  	_ =	strace $0x9000004E  }
0xb9: {  	_ =	sfence  }
0xba: {  	s30 =	sld [smem:$0x0];
	_ =	sdelay $0x2  }
0xbb: {  	s31 =	sshll.u32 s1, $0xD;
	s1 =	sshrl.u32 s1, $0x2  }
0xbc: {  	s3 =	sand.u32 $0x4000, s31;
	s1 =	sadd.s32 s1, s30  }
0xbd: {  	s0 =	sor.u32 s3, s0;
	s1 =	sshll.u32 s1, $0x11  }
0xbe: {  	s0 =	sor.u32 s1, s0  }
0xbf: {  	s0 =	sadd.s32 $0x8F2B, s0  }
0xc0: {  	[sflag:s0] =	ssyncadd.remote.s32 $0x1  }
0xc1: {  	_ =	sfence.sel $0xFFFF  }
0xc2: {  	[dreg:$0x0] =	wrdreg $0xFFFFFFFF;
	(pc) =	sbr.abs _section_cstart, $3  }
0xc3: {  	[dreg:$0x1] =	wrdreg $0xFFFFFFFF  }
0xc4: {  	_ =	task.clear_ibuf [dreg:s8], $0x2FFFF;
	_ =	strace $0x9FFFFFFF  }
0xc5: {  	(tm) =	ssettm $0x7FFFFFFF  }
tec
execute0_lowered:
.L_overlay_start_1:
0x0: {  	(tag) =	ssettag $0x1  }
0x1: {  	s0 =	rddreg [dreg:$0x0]  }
0x2: {  	s2 =	rddreg [dreg:$0x1]  }
0x3: {  	s5 =	rddreg [dreg:$0x2]  }
0x4: {  	s1 =	rddreg [dreg:$0x3];
	s3 =	simm.s32 $0x0  }
0x5: {  	s4 =	srdreg.scid;
	s19 =	stileid.u32;
	s22 =	simm.s32 $0x4  }
0x6: {  	s28 =	simm.s32 $0x6C20;
	s29 =	simm.s32 $0x1;
	s30 =	simm.s32 $0x2  }
0x7: {  	s31 =	simm.s32 $0x3;
	s23 =	simm.s32 $0x4CE0;
	[smem:$0x7FF] =	sst s3  }
0x8: {  	s6 =	sand.u32 $0x1, s4;
	s4 =	sadd.s32 $0x3C00, s0;
	s8 =	smul.u32 $0x1D400, s19  }
0x9: {  	s20 =	sadd.s32 $0x21400, s0;
	s21 =	sadd.s32 $0x12800, s0;
	s17 =	smul.u32 $0x7500, s19  }
0xa: {  	s15 =	sadd.s32 $0x75000, s1;
	p1 =	sne.s32 s19, $0xF;
	p2 =	seq.s32 s19, $0xF  }
0xb: {  	_ =	strace $0x8000004D;
	s7 =	ssub.s32 $0x2, s6;
	[dreg:$0x5] =	wrdreg s20  }
0xc: {  	s9 =	sshll.u32 s6, $0x4;
	p0 =	seq.s32 s6, $0x1;
	[dreg:$0x6] =	wrdreg s21  }
0xd: {  	s6 =	simm.s32 $0x26C0;
	s24 =	sshrl.u32 s7, $0x1;
	s8 =	sshrl.u32 s8, $0x2  }
0xe: {  	s12 =	sor.u32 s19, s9;
	s25 =	sshrl.u32 s17, $0x3;
	s19 =	simm.s32 $0x4D80  }
0xf: {  	s0 =	ssub.s32 s7, s24;
	s14 =	sadd.s32 s8, s1;
	s7 =	sadd.s32 s17, s1  }
0x10: {  	s18 =	smul.u32 $0x4E2, s12;
	s26 =	sadd.s32 s20, s25;
	s24 =	simm.s32 $0x50  }
0x11: {  	s8 =	sadd.s32 $0xF00, s14;
	s9 =	sadd.s32 $0x1E00, s14;
	s10 =	sadd.s32 $0x2D00, s14  }
.Ltmp0:
0x12: {  	s11 =	sadd.s32 $0x3C00, s14;
	s12 =	sadd.s32 $0x4B00, s14;
	(pc) =	sbr.rel .LBB2_1-.Ltmp0, $4  }
0x13: {  	s13 =	sadd.s32 $0x5A00, s14;
	s14 =	sadd.s32 $0x6900, s14;
	[dreg:$0x7] =	wrdreg s26  }
0x14: {  	s20 =	smax.u32 s0, $0x1;
	s26 =	simm.s32 $0x4DD0;
	s16 =	sadd.s32 s2, s18  }
0x15: {  	s17 =	sadd.s32 s5, s18;
	s2 =	sadd.s32 s21, s25;
	s21 =	simm.s32 $0x4E20  }
0x16: {  	v0 =	vimm.f32 $0.0e+00;
	s25 =	simm.s32 $0x5D20;
	s18 =	simm.s32 $0x4D30;
	[dreg:$0x8] =	wrdreg s2  }
.LBB2_8:
0x17: {  	s2 =	sadd.s32 $0xEA00, s2;
	s5 =	sshrl.u32 s15, $0x3  }
0x18: {  	[hbm:s2], [sflag:s0] =	dma.local [spmem:s5], $0x60  }
0x19: {  	_ =	swait.ge [sflag:s22], $0x60  }
0x1a: {  	[sflag:s22] =	ssyncset.done $0x0  }
0x1b: {  	[sflag:s22] =	ssyncadd.s32 $0xFFFFFFA0  }
.LBB2_9:
0x1c: {  	s3 =	sadd.s32 $0x1, s3  }
0x1d: {  	p3 =	sne.s32 s3, s20  }
.Ltmp1:
0x1e: {  	_ = 	snop;
	(pc) =	sbr.rel @!p3 .LBB2_10-.Ltmp1, $1  }
0x1f: {  	_ =	sdelay $0x3  }
.LBB2_1:
0x20: {  	s0 =	simm.s32 $0xC0;
	s5 =	simm.s32 $0x0  }
.LBB2_2:
0x21: {  	p3 =	sne.s32 s0, $0x3B40;
	[tilespmem:s5+$0x4E40] =	vst v0;
	s2 =	smov.u32 s0;
	s0 =	sadd.s32 $0xC0, s0  }
.Ltmp2:
0x22: {  	[tilespmem:s5+$0x4E20] =	vst v0;
	(pc) =	sbr.rel @p3 .LBB2_2-.Ltmp2, $2  }
0x23: {  	[tilespmem:s5+$0x4E30] =	vst v0;
	_ =	sdelay $0x2  }
0x24: {  	s5 =	sshra.s32 s2, $0x2  }
0x25: {  	[tilespmem:s5+$0x4E40] =	vst v0  }
0x26: {  	[tilespmem:s5+$0x4E20] =	vst v0  }
0x27: {  	[tilespmem:s5+$0x4E30] =	vst v0  }
0x28: {  	[spmem:s7] =	stream.linear.scatter [tilespmem:s21], [sflag:$0x4], $0xF00, $0x38;
	[tilespmem:$0xF080] =	vst v63  }
0x29: {  	_ =	swait.ge [sflag:s22], $0xF00  }
0x2a: {  	[sflag:s22] =	ssyncset.done $0x0  }
0x2b: {  	[sflag:s22] =	ssyncadd.s32 $0xFFFFF100  }
0x2c: {  	[spmem:s8] =	stream.linear.scatter [tilespmem:s21], [sflag:$0x4], $0xF00, $0x38;
	[tilespmem:$0xF080] =	vst v63  }
0x2d: {  	_ =	swait.ge [sflag:s22], $0xF00  }
0x2e: {  	[sflag:s22] =	ssyncset.done $0x0  }
0x2f: {  	[sflag:s22] =	ssyncadd.s32 $0xFFFFF100  }
0x30: {  	[spmem:s9] =	stream.linear.scatter [tilespmem:s21], [sflag:$0x4], $0xF00, $0x38;
	[tilespmem:$0xF080] =	vst v63  }
0x31: {  	_ =	swait.ge [sflag:s22], $0xF00  }
0x32: {  	[sflag:s22] =	ssyncset.done $0x0  }
0x33: {  	[sflag:s22] =	ssyncadd.s32 $0xFFFFF100  }
0x34: {  	[spmem:s10] =	stream.linear.scatter [tilespmem:s21], [sflag:$0x4], $0xF00, $0x38;
	[tilespmem:$0xF080] =	vst v63  }
0x35: {  	_ =	swait.ge [sflag:s22], $0xF00  }
0x36: {  	[sflag:s22] =	ssyncset.done $0x0  }
0x37: {  	[sflag:s22] =	ssyncadd.s32 $0xFFFFF100  }
0x38: {  	[spmem:s11] =	stream.linear.scatter [tilespmem:s21], [sflag:$0x4], $0xF00, $0x38;
	[tilespmem:$0xF080] =	vst v63  }
0x39: {  	_ =	swait.ge [sflag:s22], $0xF00  }
0x3a: {  	[sflag:s22] =	ssyncset.done $0x0  }
0x3b: {  	[sflag:s22] =	ssyncadd.s32 $0xFFFFF100  }
0x3c: {  	[spmem:s12] =	stream.linear.scatter [tilespmem:s21], [sflag:$0x4], $0xF00, $0x38;
	[tilespmem:$0xF080] =	vst v63  }
0x3d: {  	_ =	swait.ge [sflag:s22], $0xF00  }
0x3e: {  	[sflag:s22] =	ssyncset.done $0x0  }
0x3f: {  	[sflag:s22] =	ssyncadd.s32 $0xFFFFF100  }
0x40: {  	[spmem:s13] =	stream.linear.scatter [tilespmem:s21], [sflag:$0x4], $0xF00, $0x38;
	[tilespmem:$0xF080] =	vst v63  }
0x41: {  	_ =	swait.ge [sflag:s22], $0xF00  }
0x42: {  	[sflag:s22] =	ssyncset.done $0x0  }
0x43: {  	[sflag:s22] =	ssyncadd.s32 $0xFFFFF100  }
0x44: {  	[spmem:s14] =	stream.linear.scatter [tilespmem:s21], [sflag:$0x4], $0xC00, $0x38;
	[tilespmem:$0xF080] =	vst v63  }
0x45: {  	_ =	swait.ge [sflag:s22], $0xC00  }
0x46: {  	[sflag:s22] =	ssyncset.done $0x0  }
0x47: {  	s0 =	simm.s32 @!p1 $0x4E20;
	[sflag:s22] =	ssyncadd.s32 $0xFFFFF400  }
0x48: {  	[spmem:s15] =	stream.linear.scatter @!p1 [tilespmem:s0], [sflag:$0x4], $0x300, $0x38;
	[tilespmem:$0xF080] =	vst v63  }
0x49: {  	s0 =	simm.s32 @!p1 $0x4  }
0x4a: {  	_ =	swait.ge @!p1 [sflag:s0], $0x300  }
0x4b: {  	[sflag:s0] =	ssyncset.done @!p1 $0x0  }
0x4c: {  	s5 =	simm.s32 $0x0;
	[sflag:s0] =	ssyncadd.s32 @!p1 $0xFFFFFD00  }
0x4d: {  	[tilespmem:s5], [sflag:$0x4] =	stream.linear.gather [hbm4b:s16+s5], $0x2710, $0x38;
	[tilespmem:$0xF080] =	vst v63  }
0x4e: {  	_ =	swait.ge [sflag:s22], $0x2710  }
0x4f: {  	[sflag:s22] =	ssyncset.done $0x0  }
0x50: {  	s2 =	simm.s32 $0x2710;
	[sflag:s22] =	ssyncadd.s32 $0xFFFFD8F0  }
0x51: {  	[tilespmem:s2], [sflag:$0x4] =	stream.linear.gather [hbm4b:s17+s5], $0x2710, $0x38;
	[tilespmem:$0xF080] =	vst v63  }
0x52: {  	_ =	swait.ge [sflag:s22], $0x2710  }
0x53: {  	[sflag:s22] =	ssyncset.done $0x0  }
0x54: {  	[sflag:s22] =	ssyncadd.s32 $0xFFFFD8F0  }
0x55: {  	[bflag:$0x0] =	sbarrier.arrive $0xFFFF  }
0x56: {  	[tilespmem:s21], [sflag:$0x1] =	stream.indirect.gather [hbm4b:s4+s24], $0x30, s5, s24, $0xb8;
	[tilespmem:$0xF080] =	vst v63  }
0x57: {  	_ = 	snop  }
0x58: {  	[tilespmem:s25], [sflag:$0x2] =	stream.indirect.gather [hbm4b:s4+s24], $0x30, s24, s24, $0xb8;
	[tilespmem:$0xF080] =	vst v63  }
0x59: {  	s2 =	simm.s32 $0xA0  }
0x5a: {  	[tilespmem:s28], [sflag:$0x3] =	stream.indirect.gather [hbm4b:s4+s24], $0x30, s2, s24, $0xb8;
	[tilespmem:$0xF080] =	vst v63  }
0x5b: {  	_ =	swait.ge [sflag:s29], $0xF00  }
0x5c: {  	[sflag:s29] =	ssyncset.done $0x0  }
0x5d: {  	s5 =	simm.s32 $0x2710;
	[sflag:s29] =	ssyncadd.s32 $0xFFFFF100  }
0x5e: {  	[spmem:s1] =	stream.indirect.scatter.add.f32 [tilespmem:s21], [sflag:$0x4], $0x30, s5, s24, $0xb8;
	[tilespmem:$0xF080] =	vst v63  }
0x5f: {  	_ =	swait.ge [sflag:s22], $0xF00  }
0x60: {  	[sflag:s22] =	ssyncset.done $0x0  }
0x61: {  	s2 =	simm.s32 $0xF0;
	[sflag:s22] =	ssyncadd.s32 $0xFFFFF100  }
0x62: {  	[tilespmem:s21], [sflag:$0x1] =	stream.indirect.gather [hbm4b:s4+s24], $0x30, s2, s24, $0xb8;
	[tilespmem:$0xF080] =	vst v63  }
0x63: {  	_ =	swait.ge [sflag:s30], $0xF00  }
0x64: {  	[sflag:s30] =	ssyncset.done $0x0  }
0x65: {  	s5 =	simm.s32 $0x2760;
	[sflag:s30] =	ssyncadd.s32 $0xFFFFF100  }
0x66: {  	[spmem:s1] =	stream.indirect.scatter.add.f32 [tilespmem:s25], [sflag:$0x4], $0x30, s5, s24, $0xb8;
	[tilespmem:$0xF080] =	vst v63  }
0x67: {  	_ =	swait.ge [sflag:s22], $0xF00  }
0x68: {  	[sflag:s22] =	ssyncset.done $0x0  }
0x69: {  	s2 =	simm.s32 $0x140;
	[sflag:s22] =	ssyncadd.s32 $0xFFFFF100  }
0x6a: {  	[tilespmem:s25], [sflag:$0x2] =	stream.indirect.gather [hbm4b:s4+s24], $0x30, s2, s24, $0xb8;
	[tilespmem:$0xF080] =	vst v63  }
0x6b: {  	_ =	swait.ge [sflag:s31], $0xF00  }
0x6c: {  	[sflag:s31] =	ssyncset.done $0x0  }
0x6d: {  	s5 =	simm.s32 $0x27B0;
	[sflag:s31] =	ssyncadd.s32 $0xFFFFF100  }
0x6e: {  	[spmem:s1] =	stream.indirect.scatter.add.f32 [tilespmem:s28], [sflag:$0x4], $0x30, s5, s24, $0xb8;
	[tilespmem:$0xF080] =	vst v63  }
0x6f: {  	_ =	swait.ge [sflag:s22], $0xF00  }
0x70: {  	[sflag:s22] =	ssyncset.done $0x0  }
0x71: {  	s0 =	simm.s32 $0x3C0;
	s2 =	simm.s32 $0x190;
	[sflag:s22] =	ssyncadd.s32 $0xFFFFF100  }
.LBB2_4:
0x72: {  	[tilespmem:s28], [sflag:$0x3] =	stream.indirect.gather [hbm4b:s4+s24], $0x30, s2, s24, $0xb8;
	[tilespmem:$0xF080] =	vst v63  }
0x73: {  	s2 =	smov.u32 s0  }
0x74: {  	p3 =	sne.s32 s0, $0x9240;
	s0 =	sadd.s32 $0x3C0, s0;
	_ =	swait.ge [sflag:s29], $0xF00  }
0x75: {  	s2 =	sshra.s32 s2, $0x2;
	[sflag:s29] =	ssyncset.done $0x0  }
0x76: {  	s5 =	sadd.s32 $0x2710, s2;
	[sflag:s29] =	ssyncadd.s32 $0xFFFFF100  }
0x77: {  	[spmem:s1] =	stream.indirect.scatter.add.f32 [tilespmem:s21], [sflag:$0x4], $0x30, s5, s24, $0xb8;
	[tilespmem:$0xF080] =	vst v63  }
0x78: {  	_ =	swait.ge [sflag:s22], $0xF00  }
0x79: {  	[sflag:s22] =	ssyncset.done $0x0  }
0x7a: {  	s5 =	sadd.s32 $0xF0, s2;
	[sflag:s22] =	ssyncadd.s32 $0xFFFFF100  }
0x7b: {  	[tilespmem:s21], [sflag:$0x1] =	stream.indirect.gather [hbm4b:s4+s24], $0x30, s5, s24, $0xb8;
	[tilespmem:$0xF080] =	vst v63  }
0x7c: {  	_ =	swait.ge [sflag:s30], $0xF00  }
0x7d: {  	[sflag:s30] =	ssyncset.done $0x0  }
0x7e: {  	s5 =	sadd.s32 $0x2760, s2;
	[sflag:s30] =	ssyncadd.s32 $0xFFFFF100  }
0x7f: {  	[spmem:s1] =	stream.indirect.scatter.add.f32 [tilespmem:s25], [sflag:$0x4], $0x30, s5, s24, $0xb8;
	[tilespmem:$0xF080] =	vst v63  }
0x80: {  	_ =	swait.ge [sflag:s22], $0xF00  }
0x81: {  	[sflag:s22] =	ssyncset.done $0x0  }
0x82: {  	s5 =	sadd.s32 $0x140, s2;
	[sflag:s22] =	ssyncadd.s32 $0xFFFFF100  }
0x83: {  	[tilespmem:s25], [sflag:$0x2] =	stream.indirect.gather [hbm4b:s4+s24], $0x30, s5, s24, $0xb8;
	[tilespmem:$0xF080] =	vst v63  }
0x84: {  	_ =	swait.ge [sflag:s31], $0xF00  }
0x85: {  	[sflag:s31] =	ssyncset.done $0x0  }
.Ltmp3:
0x86: {  	s5 =	sadd.s32 $0x27B0, s2;
	[sflag:s31] =	ssyncadd.s32 $0xFFFFF100;
	(pc) =	sbr.rel @p3 .LBB2_4-.Ltmp3, $4  }
0x87: {  	[spmem:s1] =	stream.indirect.scatter.add.f32 [tilespmem:s28], [sflag:$0x4], $0x30, s5, s24, $0xb8;
	[tilespmem:$0xF080] =	vst v63  }
0x88: {  	_ =	swait.ge [sflag:s22], $0xF00  }
0x89: {  	[sflag:s22] =	ssyncset.done $0x0  }
0x8a: {  	s2 =	sadd.s32 $0x190, s2;
	[sflag:s22] =	ssyncadd.s32 $0xFFFFF100  }
0x8b: {  	[tilespmem:s28], [sflag:$0x3] =	stream.indirect.gather [hbm4b:s4+s24], $0x30, s2, s24, $0xb8;
	[tilespmem:$0xF080] =	vst v63  }
0x8c: {  	_ =	swait.ge [sflag:s29], $0xF00  }
0x8d: {  	[sflag:s29] =	ssyncset.done $0x0  }
0x8e: {  	s0 =	simm.s32 $0x4C90;
	[sflag:s29] =	ssyncadd.s32 $0xFFFFF100  }
0x8f: {  	[spmem:s1] =	stream.indirect.scatter.add.f32 [tilespmem:s21], [sflag:$0x4], $0x30, s0, s24, $0xb8;
	[tilespmem:$0xF080] =	vst v63  }
0x90: {  	_ =	swait.ge [sflag:s22], $0xF00  }
0x91: {  	[sflag:s22] =	ssyncset.done $0x0  }
0x92: {  	s2 =	simm.s32 $0x2670;
	[sflag:s22] =	ssyncadd.s32 $0xFFFFF100  }
0x93: {  	[tilespmem:s21], [sflag:$0x1] =	stream.indirect.gather [hbm4b:s4+s24], $0x30, s2, s24, $0xb8;
	[tilespmem:$0xF080] =	vst v63  }
0x94: {  	_ =	swait.ge [sflag:s30], $0xF00  }
0x95: {  	[sflag:s30] =	ssyncset.done $0x0  }
0x96: {  	[sflag:s30] =	ssyncadd.s32 $0xFFFFF100  }
0x97: {  	[spmem:s1] =	stream.indirect.scatter.add.f32 [tilespmem:s25], [sflag:$0x4], $0x30, s23, s24, $0xb8;
	[tilespmem:$0xF080] =	vst v63  }
0x98: {  	_ =	swait.ge [sflag:s22], $0xF00  }
0x99: {  	[sflag:s22] =	ssyncset.done $0x0  }
0x9a: {  	[sflag:s22] =	ssyncadd.s32 $0xFFFFF100  }
0x9b: {  	[tilespmem:s25], [sflag:$0x2] =	stream.indirect.gather [hbm4b:s4+s24], $0x30, s6, s24, $0xb8;
	[tilespmem:$0xF080] =	vst v63  }
0x9c: {  	_ =	swait.ge [sflag:s31], $0xF00  }
0x9d: {  	[sflag:s31] =	ssyncset.done $0x0  }
0x9e: {  	[sflag:s31] =	ssyncadd.s32 $0xFFFFF100  }
0x9f: {  	[spmem:s1] =	stream.indirect.scatter.add.f32 [tilespmem:s28], [sflag:$0x4], $0x30, s18, s24, $0xb8;
	[tilespmem:$0xF080] =	vst v63  }
0xa0: {  	_ =	swait.ge [sflag:s22], $0xF00  }
0xa1: {  	[sflag:s22] =	ssyncset.done $0x0  }
0xa2: {  	[sflag:s22] =	ssyncadd.s32 $0xFFFFF100  }
0xa3: {  	_ =	swait.ge [sflag:s29], $0xF00  }
0xa4: {  	[sflag:s29] =	ssyncset.done $0x0  }
0xa5: {  	[sflag:s29] =	ssyncadd.s32 $0xFFFFF100  }
0xa6: {  	[spmem:s1] =	stream.indirect.scatter.add.f32 [tilespmem:s21], [sflag:$0x4], $0x30, s19, s24, $0xb8;
	[tilespmem:$0xF080] =	vst v63  }
0xa7: {  	_ =	swait.ge [sflag:s22], $0xF00  }
0xa8: {  	[sflag:s22] =	ssyncset.done $0x0  }
0xa9: {  	[sflag:s22] =	ssyncadd.s32 $0xFFFFF100  }
0xaa: {  	_ =	swait.ge [sflag:s30], $0xF00  }
0xab: {  	[sflag:s30] =	ssyncset.done $0x0  }
0xac: {  	[sflag:s30] =	ssyncadd.s32 $0xFFFFF100  }
0xad: {  	[spmem:s1] =	stream.indirect.scatter.add.f32 [tilespmem:s25], [sflag:$0x4], $0x30, s26, s24, $0xb8;
	[tilespmem:$0xF080] =	vst v63  }
.Ltmp4:
0xae: {  	_ =	swait.ge [sflag:s22], $0xF00;
	(pc) =	sbr.rel @!p0 .LBB2_6-.Ltmp4, $4  }
0xaf: {  	[sflag:s22] =	ssyncset.done $0x0  }
0xb0: {  	s5 =	stileid.u32;
	[sflag:s22] =	ssyncadd.s32 $0xFFFFF100  }
0xb1: {  	s2 =	sshll.u32 s5, $0x6;
	[bflag:$0x0] =	sbarrier.arrive $0xFFFF  }
0xb2: {  	s5 =	sshrl.u32 s7, $0x3;
	s0 =	sor.u32 $0x1C04, s2  }
0xb3: {  	s0 =	sor.u32 $0x1C04, s2;
	s2 =	rddreg [dreg:$0x8]  }
0xb4: {  	[hbm:s2], [sflag:s0] =	dma.local [spmem:s5], $0xEA0  }
.Ltmp5:
0xb5: {  	_ = 	snop;
	(pc) =	sbr.rel @p1 .LBB2_9-.Ltmp5, $4  }
.Ltmp6:
0xb6: {  	_ = 	snop;
	(pc) =	sbr.rel @!p1 .LBB2_8-.Ltmp6, $4  }
0xb7: {  	_ =	swait.ge [sflag:s22], $0xEA0  }
0xb8: {  	[sflag:s22] =	ssyncset.done $0x0  }
0xb9: {  	s2 =	rddreg [dreg:$0x6];
	[sflag:s22] =	ssyncadd.s32 $0xFFFFF160  }
0xba: {  	_ = 	snop  }
.LBB2_6:
0xbb: {  	s2 =	rddreg [dreg:$0x7]  }
0xbc: {  	[hbm:s2], [sflag:s0] =	dma.local [spmem:s5], $0xEA0  }
.Ltmp7:
0xbd: {  	_ = 	snop;
	(pc) =	sbr.rel @p2 .LBB2_8-.Ltmp7, $4  }
.Ltmp8:
0xbe: {  	_ = 	snop;
	(pc) =	sbr.rel @!p2 .LBB2_9-.Ltmp8, $4  }
0xbf: {  	_ =	swait.ge [sflag:s22], $0xEA0  }
0xc0: {  	[sflag:s22] =	ssyncset.done $0x0  }
0xc1: {  	s2 =	rddreg [dreg:$0x5];
	[sflag:s22] =	ssyncadd.s32 $0xFFFFF160  }
0xc2: {  	_ = 	snop  }
.LBB2_10:
0xc3: {  	_ =	sfence.sel $0x180000  }
0xc4: {  	[bflag:$0x0] =	sbarrier.arrive $0xFFFF  }
0xc5: {  	_ =	strace $0x9000004D  }
0xc6: {  	s0 =	stileid.u32;
	[bflag:$0x2] =	sbarrier.arrive $0xFFFF  }
0xc7: {  	p0 =	sne.s32 s0, $0x0;
	s0 =	rddreg [dreg:$0x4]  }
0xc8: {  	s0 =	sadd.s32 @!p0 $0x100000, s0  }
0xc9: {  	[sflag:s0] =	ssyncadd.tile.s32 @!p0 $0x1;
	_ =	shalt  }
.Lfunc_end2:
_tile_overlayer_lowered:
.L_overlay_start_2:
0xca: {  	(tag) =	ssettag $0x2  }
0xcb: {  	s0 =	rddreg [dreg:$0x0];
	s2 =	stileid.u32  }
0xcc: {  	s1 =	rddreg [dreg:$0x1];
	p0 =	sne.s32 s2, $0x0  }
0xcd: {  	s3 =	rddreg [dreg:$0x2];
	[bflag:$0x3] =	sbarrier.arrive $0xFFFF;
	s2 =	simm.s32 @!p0 $0x1C04  }
0xce: {  	[timem:s3], [sflag:s2] =	dma.local @!p0 [hbm:s0], s1  }
0xcf: {  	s0 =	simm.s32 @!p0 $0x4  }
0xd0: {  	_ =	swait.ge @!p0 [sflag:s0], s1  }
0xd1: {  	s1 =	ssub.s32 @!p0 $0x0, s1;
	[sflag:s0] =	ssyncset.done @!p0 $0x0  }
0xd2: {  	[sflag:s0] =	ssyncadd.s32 @!p0 s1  }
0xd3: {  	[bflag:$0x3] =	sbarrier.arrive $0xFFFF  }
0xd4: {  	_ =	shalt  }

// kernel: kernel.9.cloned.1.call-start
scs
__scs_entry_jumppad:
0x0: {  	(pc) =	sbr.rel $0x88, $3  }
0x1: {  	(tag) =	ssettag $0x0;
	lr =	simm.s32 $0x1  }
0x2: {  	[smem:$0x3F95] =	sst lr;
	_ =	strace $0xD0000000  }
0x3: {  	_ = 	snop  }
0x4: {  	_ = 	snop  }
0x5: {  	_ = 	snop  }
0x6: {  	_ = 	snop  }
0x7: {  	_ = 	snop  }
__scs_overlays_trampoline_lowered:
0x8: {  	[smem:$0x3FA4] =	sst s0  }
0x9: {  	[smem:$0x3FA5] =	sst s1  }
0xa: {  	[smem:$0x3FA6] =	sst s2  }
0xb: {  	[smem:$0x3FA7] =	sst s3  }
0xc: {  	[smem:$0x3FA8] =	sst s4  }
0xd: {  	[smem:$0x3FA9] =	sst s5  }
0xe: {  	[smem:$0x3FAA] =	sst s6  }
0xf: {  	[smem:$0x3FAB] =	sst s7  }
0x10: {  	[smem:$0x3FAC] =	sst s8  }
0x11: {  	[smem:$0x3FAD] =	sst s9;
	s0 =	simm.s32 @!p0 $0x0  }
0x12: {  	s1 =	sld [smem:$0x3F93];
	s0 =	simm.s32 @p0 $0x1  }
0x13: {  	[smem:$0x3FAE] =	sst s0;
	s0 =	simm.s32 @!p1 $0x0  }
0x14: {  	s2 =	sld [smem:$0x3F92];
	s0 =	simm.s32 @p1 $0x1  }
0x15: {  	[smem:$0x3FAF] =	sst s0;
	s0 =	simm.s32 @!p2 $0x0  }
0x16: {  	s3 =	sld [smem:$0x3FDB];
	s0 =	simm.s32 @p2 $0x1  }
0x17: {  	s4 =	simm.s32 $0x1BF5;
	[smem:$0x3FB1] =	sst s0  }
0x18: {  	s0 =	sld [smem:$0x3F94];
	_ =	swait.ge [sflag:s4], $0x0  }
0x19: {  	s7 =	sld [smem:$0x3F95]  }
0x1a: {  	s8 =	sadd.s32 $0xFFFFE003, lr  }
0x1b: {  	s9 =	sadd.s32 $0xFFFFFEF7, lr;
	s5 =	simm.s32 $0xFFFFFFFF;
	p2 =	slt.u32 s8, $0xFFFFF086  }
0x1c: {  	p1 =	slt.u32 s9, $0xF7A;
	s5 =	simm.s32 @!p2 $0x0  }
0x1d: {  	s5 =	simm.s32 @p1 $0x1;
	p0 =	seq.s32 s7, s2  }
0x1e: {  	s7 =	smul.u32 @!p0 $0xF7A, s2;
	p2 =	seq.s32 @!p0 s5, $0x0  }
0x1f: {  	s9 =	smul.u32 $0xF7A, s1;
	s8 =	simm.s32 @!p0 $0x1BF5;
	p2 =	por !p2, p0  }
0x20: {  	[sflag:s8] =	ssyncset.s32 @!p0 $0xFFFFF086;
	s6 =	sadd.s32 @!p0 s3, s7;
	s7 =	simm.s32 @!p0 $0x108  }
0x21: {  	s3 =	sadd.s32 s3, s9;
	s6 =	sadd.s32 @!p0 $0x88, s6;
	s7 =	simm.s32 @p2 $0x1082  }
0x22: {  	[simem:s7], [sflag:s8] =	dma.local @!p0 [hbm:s6], $0xF7A  }
0x23: {  	s9 =	sor.u32 $0xD0000000, s2;
	s6 =	simm.s32 $0x108;
	_ =	swait.ge @!p0 [sflag:s8], $0x0  }
0x24: {  	s3 =	sadd.s32 $0x88, s3;
	s6 =	simm.s32 @!p1 $0x1082;
	[sflag:s4] =	ssyncset.s32 $0xFFFFF086  }
0x25: {  	[simem:s6], [sflag:s4] =	dma.local [hbm:s3], $0xF7A  }
0x26: {  	[smem:$0x3F95] =	sst s1;
	(tag) =	ssettag s2;
	_ =	strace s9  }
0x27: {  	s1 =	sld [smem:$0x3FA5]  }
0x28: {  	s2 =	sld [smem:$0x3FA6]  }
0x29: {  	s4 =	sld [smem:$0x3FA8]  }
0x2a: {  	p0 =	seq.s32 s5, $0x0;
	s5 =	sld [smem:$0x3FA9]  }
0x2b: {  	s6 =	sld [smem:$0x3FAA]  }
0x2c: {  	s7 =	sld [smem:$0x3FAB]  }
0x2d: {  	s3 =	simm.s32 $0x108;
	s8 =	sld [smem:$0x3FAC]  }
0x2e: {  	s3 =	simm.s32 @!p0 $0x1082;
	s9 =	sld [smem:$0x3FAD]  }
0x2f: {  	lr =	sadd.s32 s0, s3;
	s0 =	sld [smem:$0x3FA4]  }
0x30: {  	s3 =	sld [smem:$0x3FA7]  }
0x31: {  	[smem:$0x3FB0] =	sst s10  }
0x32: {  	s10 =	sld [smem:$0x3FAE];
	_ =	sdelay $0x3  }
0x33: {  	p0 =	seq.s32 s10, $0x1;
	s10 =	sld [smem:$0x3FB0];
	_ =	sdelay $0x3  }
0x34: {  	[smem:$0x3FB0] =	sst s10  }
0x35: {  	s10 =	sld [smem:$0x3FAF];
	_ =	sdelay $0x3  }
0x36: {  	p1 =	seq.s32 s10, $0x1;
	s10 =	sld [smem:$0x3FB0];
	_ =	sdelay $0x3  }
0x37: {  	[smem:$0x3FB0] =	sst s10  }
0x38: {  	s10 =	sld [smem:$0x3FB1]  }
0x39: {  	_ = 	snop;
	(pc) =	sbr.ind lr, $3  }
0x3a: {  	_ = 	snop  }
0x3b: {  	_ = 	snop  }
0x3c: {  	p2 =	seq.s32 s10, $0x1;
	s10 =	sld [smem:$0x3FB0]  }
0x3d: {  	_ =	shalt  }
0x3e: {  	_ =	shalt  }
0x3f: {  	_ =	shalt  }
0x40: {  	_ =	shalt  }
0x41: {  	_ =	shalt  }
0x42: {  	_ =	shalt  }
0x43: {  	_ =	shalt  }
0x44: {  	_ =	shalt  }
0x45: {  	_ =	shalt  }
0x46: {  	_ =	shalt  }
0x47: {  	_ =	shalt  }
0x48: {  	_ =	shalt  }
0x49: {  	_ =	shalt  }
0x4a: {  	_ =	shalt  }
0x4b: {  	_ =	shalt  }
0x4c: {  	_ =	shalt  }
0x4d: {  	_ =	shalt  }
0x4e: {  	_ =	shalt  }
0x4f: {  	_ =	shalt  }
0x50: {  	_ =	shalt  }
0x51: {  	_ =	shalt  }
0x52: {  	_ =	shalt  }
0x53: {  	_ =	shalt  }
0x54: {  	_ =	shalt  }
0x55: {  	_ =	shalt  }
0x56: {  	_ =	shalt  }
0x57: {  	_ =	shalt  }
0x58: {  	_ =	shalt  }
0x59: {  	_ =	shalt  }
0x5a: {  	_ =	shalt  }
0x5b: {  	_ =	shalt  }
0x5c: {  	_ =	shalt  }
0x5d: {  	_ =	shalt  }
0x5e: {  	_ =	shalt  }
0x5f: {  	_ =	shalt  }
0x60: {  	_ =	shalt  }
0x61: {  	_ =	shalt  }
0x62: {  	_ =	shalt  }
0x63: {  	_ =	shalt  }
0x64: {  	_ =	shalt  }
0x65: {  	_ =	shalt  }
0x66: {  	_ =	shalt  }
0x67: {  	_ =	shalt  }
0x68: {  	_ =	shalt  }
0x69: {  	_ =	shalt  }
0x6a: {  	_ =	shalt  }
0x6b: {  	_ =	shalt  }
0x6c: {  	_ =	shalt  }
0x6d: {  	_ =	shalt  }
0x6e: {  	_ =	shalt  }
0x6f: {  	_ =	shalt  }
0x70: {  	_ =	shalt  }
0x71: {  	_ =	shalt  }
0x72: {  	_ =	shalt  }
0x73: {  	_ =	shalt  }
0x74: {  	_ =	shalt  }
0x75: {  	_ =	shalt  }
0x76: {  	_ =	shalt  }
0x77: {  	_ =	shalt  }
0x78: {  	_ =	shalt  }
0x79: {  	_ =	shalt  }
0x7a: {  	_ =	shalt  }
0x7b: {  	_ =	shalt  }
0x7c: {  	_ =	shalt  }
0x7d: {  	_ =	shalt  }
0x7e: {  	_ =	shalt  }
0x7f: {  	_ =	shalt  }
0x80: {  	_ =	shalt  }
0x81: {  	_ =	shalt  }
0x82: {  	_ =	shalt  }
0x83: {  	_ =	shalt  }
0x84: {  	_ =	shalt  }
0x85: {  	_ =	shalt  }
0x86: {  	_ =	shalt  }
0x87: {  	_ =	shalt  }
.Lfunc_end0:
.L_simem_size_0:
called_computation_lowered:
.L_overlay_start_0:
0x88: {  	s2 =	sld [smem:$0x3FD9]  }
0x89: {  	s3 =	sld [smem:$0x3FFE];
	_ =	sdelay $0x1  }
0x8a: {  	s1 =	srdreg.scid  }
0x8b: {  	s0 =	sand.u32 $0x1, s1  }
0x8c: {  	s17 =	sshll.u32 s0, $0xA;
	s2 =	sadd.s32 s3, s2  }
0x8d: {  	s2 =	sadd.s32 s2, s17  }
0x8e: {  	[smem:$0x3FBC] =	sst s2  }
0x8f: {  	_ = 	snop  }
0x90: {  	s2 =	sld [smem:$0x3FC8]  }
0x91: {  	s18 =	sld [smem:$0x3FC7];
	(tm) =	ssettm $0x1  }
0x92: {  	s4 =	sld [smem:$0x3FFB];
	_ =	sdelay $0x3  }
0x93: {  	_ =	strace s4  }
0x94: {  	s4 =	sld [smem:$0x3FFC];
	_ =	sdelay $0x3  }
0x95: {  	_ =	strace s4  }
0x96: {  	s4 =	sld [smem:$0x3FFD];
	_ =	sdelay $0x3  }
0x97: {  	_ =	strace s4  }
0x98: {  	_ =	strace $0x8FFFFFFF  }
0x99: {  	s19 =	sld [smem:$0x3FDB];
	_ =	sdelay $0x1  }
0x9a: {  	s5 =	simm.s32 $_scs_section_size  }
0x9b: {  	s6 =	simm.s32 $_size__tile_overlayer_lowered;
	s7 =	simm.s32 $_tile_overlayer_lowered  }
0x9c: {  	s22 =	simm.s32 $0x1BFF;
	s21 =	sshll.u32 s7, $0x1;
	s4 =	sadd.s32 s5, s19  }
0x9d: {  	s8 =	simm.s32 $0x0;
	s20 =	sshll.u32 s6, $0x1;
	s6 =	sadd.s32 s21, s4  }
0x9e: {  	[timem:s8], [sflag:s22] =	dma.local [hbm:s6], s20  }
0x9f: {  	_ =	swait.ge [sflag:s22], s20  }
0xa0: {  	s5 =	ssub.s32 $0x0, s20;
	[sflag:s22] =	ssyncset.done $0x0  }
0xa1: {  	[sflag:s22] =	ssyncadd.s32 s5;
	_ =	sdelay $0x1  }
0xa2: {  	s23 =	simm.s32 $0x1B8B  }
0xa3: {  	_ =	swait.ge [sflag:s23], $0x1  }
0xa4: {  	[sflag:s23] =	ssyncset.done $0x0  }
0xa5: {  	s25 =	simm.s32 $0x1B8E;
	s24 =	sld [smem:$0x3FFE];
	[sflag:s23] =	ssyncadd.s32 $0xFFFFFFFF  }
0xa6: {  	s26 =	simm.s32 $execute0_lowered;
	[smem:$0x3FD2] =	sst s25  }
0xa7: {  	s6 =	sshll.u32 s26, $0x1;
	_ =	strace $0x80000046;
	[dreg:$0x1] =	wrdreg $0xFFFFFFFF  }
0xa8: {  	s28 =	simm.s32 $_size_execute0_lowered;
	s4 =	sadd.s32 s4, s6;
	[dreg:$0x0] =	wrdreg $0x0  }
0xa9: {  	s6 =	sshll.u32 s28, $0x1;
	[dreg:$0x2] =	wrdreg s4  }
0xaa: {  	[dreg:$0x3] =	wrdreg s6  }
0xab: {  	[dreg:$0x4] =	wrdreg $0xC0  }
0xac: {  	_ =	task [dreg:s8], $0x5FFFF  }
0xad: {  	[dreg:$0x1] =	wrdreg $0xFFFFFFFF  }
0xae: {  	[dreg:$0x0] =	wrdreg $0x60  }
0xaf: {  	[dreg:$0x2] =	wrdreg s24  }
0xb0: {  	[dreg:$0x3] =	wrdreg s2  }
0xb1: {  	[dreg:$0x4] =	wrdreg s18  }
0xb2: {  	[dreg:$0x5] =	wrdreg $0xC6200  }
0xb3: {  	[dreg:$0x6] =	wrdreg $0x9  }
0xb4: {  	_ =	task.clear_ibuf [dreg:s8], $0x7FFFF;
	_ =	strace $0x90000046  }
0xb5: {  	s29 =	simm.s32 $0x9;
	_ =	strace $0x80000048  }
0xb6: {  	_ =	swait.ge [sflag:s29], $0x1  }
0xb7: {  	[sflag:s29] =	ssyncadd.s32 $0xFFFFFFFF  }
0xb8: {  	_ =	strace $0x90000048  }
0xb9: {  	_ =	sfence  }
0xba: {  	s30 =	sld [smem:$0x0];
	_ =	sdelay $0x2  }
0xbb: {  	s31 =	sshll.u32 s1, $0xD;
	s1 =	sshrl.u32 s1, $0x2  }
0xbc: {  	s3 =	sand.u32 $0x4000, s31;
	s1 =	sadd.s32 s1, s30  }
0xbd: {  	s0 =	sor.u32 s3, s0;
	s1 =	sshll.u32 s1, $0x11  }
0xbe: {  	s0 =	sor.u32 s1, s0  }
0xbf: {  	s0 =	sadd.s32 $0x8F2B, s0  }
0xc0: {  	[sflag:s0] =	ssyncadd.remote.s32 $0x1  }
0xc1: {  	_ =	sfence.sel $0xFFFF  }
0xc2: {  	[dreg:$0x0] =	wrdreg $0xFFFFFFFF;
	(pc) =	sbr.abs _section_cstart, $3  }
0xc3: {  	[dreg:$0x1] =	wrdreg $0xFFFFFFFF  }
0xc4: {  	_ =	task.clear_ibuf [dreg:s8], $0x2FFFF;
	_ =	strace $0x9FFFFFFF  }
0xc5: {  	(tm) =	ssettm $0x7FFFFFFF  }
tec
execute0_lowered:
.L_overlay_start_1:
0x0: {  	(tag) =	ssettag $0x1  }
0x1: {  	s0 =	rddreg [dreg:$0x0]  }
0x2: {  	s5 =	rddreg [dreg:$0x1]  }
0x3: {  	s6 =	rddreg [dreg:$0x2]  }
0x4: {  	s1 =	rddreg [dreg:$0x3]  }
0x5: {  	s3 =	simm.s32 $0x0;
	s4 =	srdreg.scid;
	s2 =	stileid.u32  }
0x6: {  	s22 =	simm.s32 $0x4;
	s28 =	simm.s32 $0x9E20;
	s29 =	simm.s32 $0x1  }
0x7: {  	s30 =	simm.s32 $0x2;
	s31 =	simm.s32 $0x3;
	[smem:$0x7FF] =	sst s3  }
0x8: {  	s18 =	sand.u32 $0x1, s4;
	s4 =	sadd.s32 $0x3C00, s0;
	s8 =	smul.u32 $0x4E000, s2  }
0x9: {  	s20 =	sadd.s32 $0x2AE00, s0;
	s21 =	sadd.s32 $0x52000, s0;
	s17 =	smul.u32 $0x13800, s2  }
0xa: {  	s15 =	sadd.s32 $0x138000, s1;
	p1 =	sne.s32 s2, $0xF;
	p2 =	seq.s32 s2, $0xF  }
0xb: {  	_ =	strace $0x80000047;
	s7 =	ssub.s32 $0x2, s18;
	[dreg:$0x5] =	wrdreg s20  }
0xc: {  	s9 =	sshll.u32 s18, $0x4;
	p0 =	seq.s32 s18, $0x1;
	[dreg:$0x6] =	wrdreg s21  }
0xd: {  	s18 =	simm.s32 $0x4D30;
	s24 =	sshrl.u32 s7, $0x1;
	s8 =	sshrl.u32 s8, $0x2  }
0xe: {  	s12 =	sor.u32 s2, s9;
	s25 =	sshrl.u32 s17, $0x3;
	s0 =	ssub.s32 s7, s24  }
0xf: {  	s14 =	sadd.s32 s8, s1;
	s7 =	sadd.s32 s17, s1;
	s19 =	smul.u32 $0x4E2, s12  }
0x10: {  	s26 =	sadd.s32 s20, s25;
	s24 =	simm.s32 $0x50;
	s8 =	sadd.s32 $0x2800, s14  }
0x11: {  	s9 =	sadd.s32 $0x5000, s14;
	s10 =	sadd.s32 $0x7800, s14;
	s11 =	sadd.s32 $0xA000, s14  }
.Ltmp0:
0x12: {  	s12 =	sadd.s32 $0xC800, s14;
	s13 =	sadd.s32 $0xF000, s14;
	(pc) =	sbr.rel .LBB2_1-.Ltmp0, $4  }
0x13: {  	s14 =	sadd.s32 $0x11800, s14;
	[dreg:$0x7] =	wrdreg s26;
	s20 =	smax.u32 s0, $0x1  }
0x14: {  	s26 =	simm.s32 $0x4DD0;
	s16 =	sadd.s32 s5, s19;
	s17 =	sadd.s32 s6, s19  }
0x15: {  	s5 =	sadd.s32 s21, s25;
	s21 =	simm.s32 $0x4E20;
	s25 =	simm.s32 $0x7620  }
0x16: {  	v0 =	vimm.f32 $0.0e+00;
	s6 =	simm.s32 $0x26C0;
	s19 =	simm.s32 $0x4D80;
	[dreg:$0x8] =	wrdreg s5  }
.LBB2_8:
0x17: {  	s5 =	sadd.s32 $0x27000, s5;
	s23 =	sshrl.u32 s15, $0x3  }
0x18: {  	[hbm:s5], [sflag:s0] =	dma.local [spmem:s23], $0x100  }
0x19: {  	_ =	swait.ge [sflag:s22], $0x100  }
0x1a: {  	[sflag:s22] =	ssyncset.done $0x0  }
0x1b: {  	[sflag:s22] =	ssyncadd.s32 $0xFFFFFF00  }
.LBB2_9:
0x1c: {  	s3 =	sadd.s32 $0x1, s3  }
0x1d: {  	p3 =	sne.s32 s3, s20  }
.Ltmp1:
0x1e: {  	_ = 	snop;
	(pc) =	sbr.rel @!p3 .LBB2_10-.Ltmp1, $1  }
0x1f: {  	_ =	sdelay $0x3  }
.LBB2_1:
0x20: {  	s0 =	simm.s32 $0x0;
	s23 =	simm.s32 $0x200  }
.LBB2_2:
0x21: {  	p3 =	sne.s32 s23, $0x9E00;
	[tilespmem:s0+$0x4E90] =	vst v0  }
0x22: {  	[tilespmem:s0+$0x4E20] =	vst v0  }
0x23: {  	[tilespmem:s0+$0x4E30] =	vst v0  }
.Ltmp2:
0x24: {  	[tilespmem:s0+$0x4E40] =	vst v0;
	(pc) =	sbr.rel @p3 .LBB2_2-.Ltmp2, $4  }
0x25: {  	[tilespmem:s0+$0x4E50] =	vst v0  }
0x26: {  	[tilespmem:s0+$0x4E60] =	vst v0  }
0x27: {  	[tilespmem:s0+$0x4E70] =	vst v0  }
0x28: {  	[tilespmem:s0+$0x4E80] =	vst v0;
	s0 =	sshra.s32 s23, $0x2;
	s23 =	sadd.s32 $0x200, s23  }
0x29: {  	[tilespmem:s0+$0x4E90] =	vst v0  }
0x2a: {  	[tilespmem:s0+$0x4E20] =	vst v0  }
0x2b: {  	[tilespmem:s0+$0x4E30] =	vst v0  }
0x2c: {  	[tilespmem:s0+$0x4E40] =	vst v0  }
0x2d: {  	[tilespmem:s0+$0x4E50] =	vst v0  }
0x2e: {  	[tilespmem:s0+$0x4E60] =	vst v0  }
0x2f: {  	[tilespmem:s0+$0x4E70] =	vst v0  }
0x30: {  	[tilespmem:s0+$0x4E80] =	vst v0  }
0x31: {  	[spmem:s7] =	stream.linear.scatter [tilespmem:s21], [sflag:$0x4], $0x2800, $0x38;
	[tilespmem:$0x1FF20] =	vst v63  }
0x32: {  	_ =	swait.ge [sflag:s22], $0x2800  }
0x33: {  	[sflag:s22] =	ssyncset.done $0x0  }
0x34: {  	[sflag:s22] =	ssyncadd.s32 $0xFFFFD800  }
0x35: {  	[spmem:s8] =	stream.linear.scatter [tilespmem:s21], [sflag:$0x4], $0x2800, $0x38;
	[tilespmem:$0x1FF20] =	vst v63  }
0x36: {  	_ =	swait.ge [sflag:s22], $0x2800  }
0x37: {  	[sflag:s22] =	ssyncset.done $0x0  }
0x38: {  	[sflag:s22] =	ssyncadd.s32 $0xFFFFD800  }
0x39: {  	[spmem:s9] =	stream.linear.scatter [tilespmem:s21], [sflag:$0x4], $0x2800, $0x38;
	[tilespmem:$0x1FF20] =	vst v63  }
0x3a: {  	_ =	swait.ge [sflag:s22], $0x2800  }
0x3b: {  	[sflag:s22] =	ssyncset.done $0x0  }
0x3c: {  	[sflag:s22] =	ssyncadd.s32 $0xFFFFD800  }
0x3d: {  	[spmem:s10] =	stream.linear.scatter [tilespmem:s21], [sflag:$0x4], $0x2800, $0x38;
	[tilespmem:$0x1FF20] =	vst v63  }
0x3e: {  	_ =	swait.ge [sflag:s22], $0x2800  }
0x3f: {  	[sflag:s22] =	ssyncset.done $0x0  }
0x40: {  	[sflag:s22] =	ssyncadd.s32 $0xFFFFD800  }
0x41: {  	[spmem:s11] =	stream.linear.scatter [tilespmem:s21], [sflag:$0x4], $0x2800, $0x38;
	[tilespmem:$0x1FF20] =	vst v63  }
0x42: {  	_ =	swait.ge [sflag:s22], $0x2800  }
0x43: {  	[sflag:s22] =	ssyncset.done $0x0  }
0x44: {  	[sflag:s22] =	ssyncadd.s32 $0xFFFFD800  }
0x45: {  	[spmem:s12] =	stream.linear.scatter [tilespmem:s21], [sflag:$0x4], $0x2800, $0x38;
	[tilespmem:$0x1FF20] =	vst v63  }
0x46: {  	_ =	swait.ge [sflag:s22], $0x2800  }
0x47: {  	[sflag:s22] =	ssyncset.done $0x0  }
0x48: {  	[sflag:s22] =	ssyncadd.s32 $0xFFFFD800  }
0x49: {  	[spmem:s13] =	stream.linear.scatter [tilespmem:s21], [sflag:$0x4], $0x2800, $0x38;
	[tilespmem:$0x1FF20] =	vst v63  }
0x4a: {  	_ =	swait.ge [sflag:s22], $0x2800  }
0x4b: {  	[sflag:s22] =	ssyncset.done $0x0  }
0x4c: {  	[sflag:s22] =	ssyncadd.s32 $0xFFFFD800  }
0x4d: {  	[spmem:s14] =	stream.linear.scatter [tilespmem:s21], [sflag:$0x4], $0x2000, $0x38;
	[tilespmem:$0x1FF20] =	vst v63  }
0x4e: {  	_ =	swait.ge [sflag:s22], $0x2000  }
0x4f: {  	[sflag:s22] =	ssyncset.done $0x0  }
0x50: {  	s0 =	simm.s32 @!p1 $0x4E20;
	[sflag:s22] =	ssyncadd.s32 $0xFFFFE000  }
0x51: {  	[spmem:s15] =	stream.linear.scatter @!p1 [tilespmem:s0], [sflag:$0x4], $0x800, $0x38;
	[tilespmem:$0x1FF20] =	vst v63  }
0x52: {  	s0 =	simm.s32 @!p1 $0x4  }
0x53: {  	_ =	swait.ge @!p1 [sflag:s0], $0x800  }
0x54: {  	[sflag:s0] =	ssyncset.done @!p1 $0x0  }
0x55: {  	s23 =	simm.s32 $0x0;
	[sflag:s0] =	ssyncadd.s32 @!p1 $0xFFFFF800  }
0x56: {  	[tilespmem:s23], [sflag:$0x4] =	stream.linear.gather [hbm4b:s16+s23], $0x2710, $0x38;
	[tilespmem:$0x1FF20] =	vst v63  }
0x57: {  	_ =	swait.ge [sflag:s22], $0x2710  }
0x58: {  	[sflag:s22] =	ssyncset.done $0x0  }
0x59: {  	s5 =	simm.s32 $0x2710;
	[sflag:s22] =	ssyncadd.s32 $0xFFFFD8F0  }
0x5a: {  	[tilespmem:s5], [sflag:$0x4] =	stream.linear.gather [hbm4b:s17+s23], $0x2710, $0x38;
	[tilespmem:$0x1FF20] =	vst v63  }
0x5b: {  	_ =	swait.ge [sflag:s22], $0x2710  }
0x5c: {  	[sflag:s22] =	ssyncset.done $0x0  }
0x5d: {  	[sflag:s22] =	ssyncadd.s32 $0xFFFFD8F0  }
0x5e: {  	[bflag:$0x0] =	sbarrier.arrive $0xFFFF  }
0x5f: {  	[tilespmem:s21], [sflag:$0x1] =	stream.indirect.gather [hbm4b:s4+s24], $0x80, s23, s24, $0xb8;
	[tilespmem:$0x1FF20] =	vst v63  }
0x60: {  	_ = 	snop  }
0x61: {  	[tilespmem:s25], [sflag:$0x2] =	stream.indirect.gather [hbm4b:s4+s24], $0x80, s24, s24, $0xb8;
	[tilespmem:$0x1FF20] =	vst v63  }
0x62: {  	s5 =	simm.s32 $0xA0  }
0x63: {  	[tilespmem:s28], [sflag:$0x3] =	stream.indirect.gather [hbm4b:s4+s24], $0x80, s5, s24, $0xb8;
	[tilespmem:$0x1FF20] =	vst v63  }
0x64: {  	_ =	swait.ge [sflag:s29], $0x2800  }
0x65: {  	[sflag:s29] =	ssyncset.done $0x0  }
0x66: {  	s23 =	simm.s32 $0x2710;
	[sflag:s29] =	ssyncadd.s32 $0xFFFFD800  }
0x67: {  	[spmem:s1] =	stream.indirect.scatter.add.f32 [tilespmem:s21], [sflag:$0x4], $0x80, s23, s24, $0xb8;
	[tilespmem:$0x1FF20] =	vst v63  }
0x68: {  	_ =	swait.ge [sflag:s22], $0x2800  }
0x69: {  	[sflag:s22] =	ssyncset.done $0x0  }
0x6a: {  	s5 =	simm.s32 $0xF0;
	[sflag:s22] =	ssyncadd.s32 $0xFFFFD800  }
0x6b: {  	[tilespmem:s21], [sflag:$0x1] =	stream.indirect.gather [hbm4b:s4+s24], $0x80, s5, s24, $0xb8;
	[tilespmem:$0x1FF20] =	vst v63  }
0x6c: {  	_ =	swait.ge [sflag:s30], $0x2800  }
0x6d: {  	[sflag:s30] =	ssyncset.done $0x0  }
0x6e: {  	s23 =	simm.s32 $0x2760;
	[sflag:s30] =	ssyncadd.s32 $0xFFFFD800  }
0x6f: {  	[spmem:s1] =	stream.indirect.scatter.add.f32 [tilespmem:s25], [sflag:$0x4], $0x80, s23, s24, $0xb8;
	[tilespmem:$0x1FF20] =	vst v63  }
0x70: {  	_ =	swait.ge [sflag:s22], $0x2800  }
0x71: {  	[sflag:s22] =	ssyncset.done $0x0  }
0x72: {  	s5 =	simm.s32 $0x140;
	[sflag:s22] =	ssyncadd.s32 $0xFFFFD800  }
0x73: {  	[tilespmem:s25], [sflag:$0x2] =	stream.indirect.gather [hbm4b:s4+s24], $0x80, s5, s24, $0xb8;
	[tilespmem:$0x1FF20] =	vst v63  }
0x74: {  	_ =	swait.ge [sflag:s31], $0x2800  }
0x75: {  	[sflag:s31] =	ssyncset.done $0x0  }
0x76: {  	s23 =	simm.s32 $0x27B0;
	[sflag:s31] =	ssyncadd.s32 $0xFFFFD800  }
0x77: {  	[spmem:s1] =	stream.indirect.scatter.add.f32 [tilespmem:s28], [sflag:$0x4], $0x80, s23, s24, $0xb8;
	[tilespmem:$0x1FF20] =	vst v63  }
0x78: {  	_ =	swait.ge [sflag:s22], $0x2800  }
0x79: {  	[sflag:s22] =	ssyncset.done $0x0  }
0x7a: {  	s0 =	simm.s32 $0x3C0;
	s5 =	simm.s32 $0x190;
	[sflag:s22] =	ssyncadd.s32 $0xFFFFD800  }
.LBB2_4:
0x7b: {  	[tilespmem:s28], [sflag:$0x3] =	stream.indirect.gather [hbm4b:s4+s24], $0x80, s5, s24, $0xb8;
	[tilespmem:$0x1FF20] =	vst v63  }
0x7c: {  	s5 =	smov.u32 s0  }
0x7d: {  	p3 =	sne.s32 s0, $0x9240;
	s0 =	sadd.s32 $0x3C0, s0;
	_ =	swait.ge [sflag:s29], $0x2800  }
0x7e: {  	s5 =	sshra.s32 s5, $0x2;
	[sflag:s29] =	ssyncset.done $0x0  }
0x7f: {  	s23 =	sadd.s32 $0x2710, s5;
	[sflag:s29] =	ssyncadd.s32 $0xFFFFD800  }
0x80: {  	[spmem:s1] =	stream.indirect.scatter.add.f32 [tilespmem:s21], [sflag:$0x4], $0x80, s23, s24, $0xb8;
	[tilespmem:$0x1FF20] =	vst v63  }
0x81: {  	_ =	swait.ge [sflag:s22], $0x2800  }
0x82: {  	[sflag:s22] =	ssyncset.done $0x0  }
0x83: {  	s23 =	sadd.s32 $0xF0, s5;
	[sflag:s22] =	ssyncadd.s32 $0xFFFFD800  }
0x84: {  	[tilespmem:s21], [sflag:$0x1] =	stream.indirect.gather [hbm4b:s4+s24], $0x80, s23, s24, $0xb8;
	[tilespmem:$0x1FF20] =	vst v63  }
0x85: {  	_ =	swait.ge [sflag:s30], $0x2800  }
0x86: {  	[sflag:s30] =	ssyncset.done $0x0  }
0x87: {  	s23 =	sadd.s32 $0x2760, s5;
	[sflag:s30] =	ssyncadd.s32 $0xFFFFD800  }
0x88: {  	[spmem:s1] =	stream.indirect.scatter.add.f32 [tilespmem:s25], [sflag:$0x4], $0x80, s23, s24, $0xb8;
	[tilespmem:$0x1FF20] =	vst v63  }
0x89: {  	_ =	swait.ge [sflag:s22], $0x2800  }
0x8a: {  	[sflag:s22] =	ssyncset.done $0x0  }
0x8b: {  	s23 =	sadd.s32 $0x140, s5;
	[sflag:s22] =	ssyncadd.s32 $0xFFFFD800  }
0x8c: {  	[tilespmem:s25], [sflag:$0x2] =	stream.indirect.gather [hbm4b:s4+s24], $0x80, s23, s24, $0xb8;
	[tilespmem:$0x1FF20] =	vst v63  }
0x8d: {  	_ =	swait.ge [sflag:s31], $0x2800  }
0x8e: {  	[sflag:s31] =	ssyncset.done $0x0  }
.Ltmp3:
0x8f: {  	s23 =	sadd.s32 $0x27B0, s5;
	[sflag:s31] =	ssyncadd.s32 $0xFFFFD800;
	(pc) =	sbr.rel @p3 .LBB2_4-.Ltmp3, $4  }
0x90: {  	[spmem:s1] =	stream.indirect.scatter.add.f32 [tilespmem:s28], [sflag:$0x4], $0x80, s23, s24, $0xb8;
	[tilespmem:$0x1FF20] =	vst v63  }
0x91: {  	_ =	swait.ge [sflag:s22], $0x2800  }
0x92: {  	[sflag:s22] =	ssyncset.done $0x0  }
0x93: {  	s5 =	sadd.s32 $0x190, s5;
	[sflag:s22] =	ssyncadd.s32 $0xFFFFD800  }
0x94: {  	[tilespmem:s28], [sflag:$0x3] =	stream.indirect.gather [hbm4b:s4+s24], $0x80, s5, s24, $0xb8;
	[tilespmem:$0x1FF20] =	vst v63  }
0x95: {  	_ =	swait.ge [sflag:s29], $0x2800  }
0x96: {  	[sflag:s29] =	ssyncset.done $0x0  }
0x97: {  	s0 =	simm.s32 $0x4C90;
	[sflag:s29] =	ssyncadd.s32 $0xFFFFD800  }
0x98: {  	[spmem:s1] =	stream.indirect.scatter.add.f32 [tilespmem:s21], [sflag:$0x4], $0x80, s0, s24, $0xb8;
	[tilespmem:$0x1FF20] =	vst v63  }
0x99: {  	_ =	swait.ge [sflag:s22], $0x2800  }
0x9a: {  	[sflag:s22] =	ssyncset.done $0x0  }
0x9b: {  	s5 =	simm.s32 $0x2670;
	[sflag:s22] =	ssyncadd.s32 $0xFFFFD800  }
0x9c: {  	[tilespmem:s21], [sflag:$0x1] =	stream.indirect.gather [hbm4b:s4+s24], $0x80, s5, s24, $0xb8;
	[tilespmem:$0x1FF20] =	vst v63  }
0x9d: {  	_ =	swait.ge [sflag:s30], $0x2800  }
0x9e: {  	[sflag:s30] =	ssyncset.done $0x0  }
0x9f: {  	s23 =	simm.s32 $0x4CE0;
	[sflag:s30] =	ssyncadd.s32 $0xFFFFD800  }
0xa0: {  	[spmem:s1] =	stream.indirect.scatter.add.f32 [tilespmem:s25], [sflag:$0x4], $0x80, s23, s24, $0xb8;
	[tilespmem:$0x1FF20] =	vst v63  }
0xa1: {  	_ =	swait.ge [sflag:s22], $0x2800  }
0xa2: {  	[sflag:s22] =	ssyncset.done $0x0  }
0xa3: {  	[sflag:s22] =	ssyncadd.s32 $0xFFFFD800  }
0xa4: {  	[tilespmem:s25], [sflag:$0x2] =	stream.indirect.gather [hbm4b:s4+s24], $0x80, s6, s24, $0xb8;
	[tilespmem:$0x1FF20] =	vst v63  }
0xa5: {  	_ =	swait.ge [sflag:s31], $0x2800  }
0xa6: {  	[sflag:s31] =	ssyncset.done $0x0  }
0xa7: {  	[sflag:s31] =	ssyncadd.s32 $0xFFFFD800  }
0xa8: {  	[spmem:s1] =	stream.indirect.scatter.add.f32 [tilespmem:s28], [sflag:$0x4], $0x80, s18, s24, $0xb8;
	[tilespmem:$0x1FF20] =	vst v63  }
0xa9: {  	_ =	swait.ge [sflag:s22], $0x2800  }
0xaa: {  	[sflag:s22] =	ssyncset.done $0x0  }
0xab: {  	[sflag:s22] =	ssyncadd.s32 $0xFFFFD800  }
0xac: {  	_ =	swait.ge [sflag:s29], $0x2800  }
0xad: {  	[sflag:s29] =	ssyncset.done $0x0  }
0xae: {  	[sflag:s29] =	ssyncadd.s32 $0xFFFFD800  }
0xaf: {  	[spmem:s1] =	stream.indirect.scatter.add.f32 [tilespmem:s21], [sflag:$0x4], $0x80, s19, s24, $0xb8;
	[tilespmem:$0x1FF20] =	vst v63  }
0xb0: {  	_ =	swait.ge [sflag:s22], $0x2800  }
0xb1: {  	[sflag:s22] =	ssyncset.done $0x0  }
0xb2: {  	[sflag:s22] =	ssyncadd.s32 $0xFFFFD800  }
0xb3: {  	_ =	swait.ge [sflag:s30], $0x2800  }
0xb4: {  	[sflag:s30] =	ssyncset.done $0x0  }
0xb5: {  	[sflag:s30] =	ssyncadd.s32 $0xFFFFD800  }
0xb6: {  	[spmem:s1] =	stream.indirect.scatter.add.f32 [tilespmem:s25], [sflag:$0x4], $0x80, s26, s24, $0xb8;
	[tilespmem:$0x1FF20] =	vst v63  }
.Ltmp4:
0xb7: {  	_ =	swait.ge [sflag:s22], $0x2800;
	(pc) =	sbr.rel @!p0 .LBB2_6-.Ltmp4, $4  }
0xb8: {  	[sflag:s22] =	ssyncset.done $0x0  }
0xb9: {  	[sflag:s22] =	ssyncadd.s32 $0xFFFFD800  }
0xba: {  	s5 =	sshll.u32 s2, $0x6;
	[bflag:$0x0] =	sbarrier.arrive $0xFFFF  }
0xbb: {  	s0 =	sor.u32 $0x1C04, s5;
	s23 =	sshrl.u32 s7, $0x3  }
0xbc: {  	s0 =	sor.u32 $0x1C04, s5;
	s5 =	rddreg [dreg:$0x8]  }
0xbd: {  	[hbm:s5], [sflag:s0] =	dma.local [spmem:s23], $0x2700  }
.Ltmp5:
0xbe: {  	_ = 	snop;
	(pc) =	sbr.rel @p1 .LBB2_9-.Ltmp5, $4  }
.Ltmp6:
0xbf: {  	_ = 	snop;
	(pc) =	sbr.rel @!p1 .LBB2_8-.Ltmp6, $4  }
0xc0: {  	_ =	swait.ge [sflag:s22], $0x2700  }
0xc1: {  	[sflag:s22] =	ssyncset.done $0x0  }
0xc2: {  	s5 =	rddreg [dreg:$0x6];
	[sflag:s22] =	ssyncadd.s32 $0xFFFFD900  }
0xc3: {  	_ = 	snop  }
.LBB2_6:
0xc4: {  	s5 =	rddreg [dreg:$0x7]  }
0xc5: {  	[hbm:s5], [sflag:s0] =	dma.local [spmem:s23], $0x2700  }
.Ltmp7:
0xc6: {  	_ = 	snop;
	(pc) =	sbr.rel @p2 .LBB2_8-.Ltmp7, $4  }
.Ltmp8:
0xc7: {  	_ = 	snop;
	(pc) =	sbr.rel @!p2 .LBB2_9-.Ltmp8, $4  }
0xc8: {  	_ =	swait.ge [sflag:s22], $0x2700  }
0xc9: {  	[sflag:s22] =	ssyncset.done $0x0  }
0xca: {  	s5 =	rddreg [dreg:$0x5];
	[sflag:s22] =	ssyncadd.s32 $0xFFFFD900  }
0xcb: {  	_ = 	snop  }
.LBB2_10:
0xcc: {  	_ =	sfence.sel $0x180000  }
0xcd: {  	[bflag:$0x0] =	sbarrier.arrive $0xFFFF  }
0xce: {  	_ =	strace $0x90000047  }
0xcf: {  	[bflag:$0x2] =	sbarrier.arrive $0xFFFF  }
0xd0: {  	p0 =	sne.s32 s2, $0x0;
	s0 =	rddreg [dreg:$0x4]  }
0xd1: {  	s0 =	sadd.s32 @!p0 $0x100000, s0  }
0xd2: {  	[sflag:s0] =	ssyncadd.tile.s32 @!p0 $0x1;
	_ =	shalt  }
.Lfunc_end2:
_tile_overlayer_lowered:
.L_overlay_start_2:
0xd3: {  	(tag) =	ssettag $0x2  }
0xd4: {  	s0 =	rddreg [dreg:$0x0];
	s2 =	stileid.u32  }
0xd5: {  	s1 =	rddreg [dreg:$0x1];
	p0 =	sne.s32 s2, $0x0  }
0xd6: {  	s3 =	rddreg [dreg:$0x2];
	[bflag:$0x3] =	sbarrier.arrive $0xFFFF;
	s2 =	simm.s32 @!p0 $0x1C04  }
0xd7: {  	[timem:s3], [sflag:s2] =	dma.local @!p0 [hbm:s0], s1  }
0xd8: {  	s0 =	simm.s32 @!p0 $0x4  }
0xd9: {  	_ =	swait.ge @!p0 [sflag:s0], s1  }
0xda: {  	s1 =	ssub.s32 @!p0 $0x0, s1;
	[sflag:s0] =	ssyncset.done @!p0 $0x0  }
0xdb: {  	[sflag:s0] =	ssyncadd.s32 @!p0 s1  }
0xdc: {  	[bflag:$0x3] =	sbarrier.arrive $0xFFFF  }
0xdd: {  	_ =	shalt  }

</sc_bundles>
